<compile_context>
chip_gen: v7x
topology: tpu7x:2x2x1
jax: 0.10.2.dev20260603
libtpu: 0.0.44.dev20260713+nightly
codegen_flags: <defaults>
</compile_context>

<pallas_src>
import functools

import jax
import jax.numpy as jnp
from jax import lax
from jax.experimental import pallas as pl
from jax.experimental.pallas import tpu as pltpu
from jax.experimental.pallas import tpu_sc as plsc

D_MODEL = 1024
NUM_CORES = 2
NUM_SUBCORES = 16
NUM_WORKERS = NUM_CORES * NUM_SUBCORES


@functools.lru_cache(maxsize=None)
def _make_gather(B: int, C: int, NBUF: int):
    b_per_w = B // NUM_WORKERS
    chunks = []
    off = 0
    while off < b_per_w:
        sz = min(C, b_per_w - off)
        chunks.append((off, sz))
        off += sz
    n_chunks = len(chunks)
    mesh = plsc.VectorSubcoreMesh(
        core_axis_name="c",
        subcore_axis_name="s",
        num_cores=NUM_CORES,
        num_subcores=NUM_SUBCORES,
    )

    @functools.partial(
        pl.kernel,
        out_type=jax.ShapeDtypeStruct((B, D_MODEL), jnp.float32),
        mesh=mesh,
        scratch_types=[
            pltpu.VMEM((b_per_w,), jnp.int32),
            pltpu.VMEM((NBUF, C, D_MODEL), jnp.float32),
            [pltpu.SemaphoreType.DMA] * NBUF,
            [pltpu.SemaphoreType.DMA] * NBUF,
        ],
    )
    def gather_kernel(table_hbm, idx_hbm, out_hbm, idx_v, rows, gsems, wsems):
        wid = lax.axis_index("s") * NUM_CORES + lax.axis_index("c")
        base = wid * b_per_w
        n_cols = idx_hbm.shape[1]
        w_per_row = n_cols // b_per_w
        pltpu.sync_copy(
            idx_hbm.at[wid // w_per_row,
                       pl.ds((wid % w_per_row) * b_per_w, b_per_w)],
            idx_v,
        )

        def start_gather(c):
            b = c % NBUF
            coff, csz = chunks[c]
            return pltpu.async_copy(
                table_hbm.at[idx_v.at[pl.ds(coff, csz)]],
                rows.at[b, pl.ds(0, csz)],
                gsems[b],
            )

        gops = [None] * n_chunks
        wops = [None] * n_chunks
        for c in range(min(NBUF, n_chunks)):
            gops[c] = start_gather(c)
        for c in range(n_chunks):
            b = c % NBUF
            coff, csz = chunks[c]
            gops[c].wait()
            wops[c] = pltpu.async_copy(
                rows.at[b, pl.ds(0, csz)],
                out_hbm.at[pl.ds(base + coff, csz)],
                wsems[b],
            )
            if c + NBUF < n_chunks:
                wops[c].wait()
                gops[c + NBUF] = start_gather(c + NBUF)
        for c in range(max(0, n_chunks - NBUF), n_chunks):
            wops[c].wait()

    return gather_kernel


def kernel(x, p2e):
    shp = x.shape
    idx = x.astype(jnp.int32)
    out = _make_gather(idx.size, 56, 2)(p2e, idx)
    return out.reshape(shp + (D_MODEL,))

# --- scband reference (transcript-rebuilt; emitter-appended) ---
"""Pipeline reference for scband-clembedding-58205396795642 (READ-ONLY COPY).

The authoritative reference and input builder live on the scoring server;
editing this copy changes nothing except your own understanding.
"""

import jax, jax.numpy as jnp
import numpy as np
import math

MAXL = 8192
D_MODEL = 1024

def _build_p2e(maxL, d_model):
    position = np.arange(0.0, maxL, dtype=np.float32)[:, None]
    div_term = np.exp(np.arange(0.0, d_model, 2, dtype=np.float32) * (-math.log(10000.0) / d_model))
    p2e = np.zeros((maxL, d_model), dtype=np.float32)
    p2e[:, 0::2] = np.sin(position * div_term)
    p2e[:, 1::2] = np.cos(position * div_term)
    return jnp.asarray(p2e)

def setup_inputs(seed: int = 0) -> dict:
    key = jax.random.key(seed)
    x = jax.random.randint(key, (4, 8192), 0, MAXL, dtype=jnp.int64) if jax.config.jax_enable_x64 else jax.random.randint(key, (4, 8192), 0, MAXL, dtype=jnp.int32)
    p2e = _build_p2e(MAXL, D_MODEL)
    return {"x": x, "p2e": p2e}

def reference(x, p2e):
    shp = x.shape
    emb = jnp.take(p2e, x.reshape(-1), axis=0).reshape(shp + (-1,))
    return emb

if __name__ == "__main__":
    import jax
    _d = setup_inputs()
    print(jax.jit(kernel)(*tuple(_d.values())))

</pallas_src>

<mosaic_0001>
#map = affine_map<(d0, d1) -> (0, 0)>
module attributes {stable_mosaic.version = 14 : i64} {
  func.func @gather_kernel(%arg0: i32, %arg1: i32, %arg2: memref<8192x1024xf32, #tpu.memory_space<hbm>>, %arg3: memref<4x8192xi32, #tpu.memory_space<hbm>>, %arg4: memref<32768x1024xf32, #tpu.memory_space<hbm>>, %arg5: memref<1024xi32, #tpu.memory_space<vmem>>, %arg6: memref<2x56x1024xf32, #tpu.memory_space<vmem>>, %arg7: memref<!tpu.dma_semaphore, #tpu.memory_space<semaphore_mem>>, %arg8: memref<!tpu.dma_semaphore, #tpu.memory_space<semaphore_mem>>, %arg9: memref<!tpu.dma_semaphore, #tpu.memory_space<semaphore_mem>>, %arg10: memref<!tpu.dma_semaphore, #tpu.memory_space<semaphore_mem>>) attributes {dimension_semantics = [#tpu.dimension_semantics<core_parallel>, #tpu.dimension_semantics<subcore_parallel>], iteration_bounds = array<i64: 2, 16>, scalar_prefetch = 0 : i64, scratch_operands = 6 : i64, tpu.core_type = #tpu.core_type<sc_vector_subcore>, window_params = [{transform_indices = #map}, {transform_indices = #map}, {transform_indices = #map}]} {
    %mul3A = arith.constant 2 : i32
    %mul3A_0 = arith.muli %arg1, %mul3A : i32
    %add3A = arith.addi %mul3A_0, %arg0 : i32
    %mul3A_1 = arith.constant 1024 : i32
    %mul3A_2 = arith.muli %add3A, %mul3A_1 : i32
    %jit3A = arith.constant 8 : i32
    %div3A = arith.divsi %add3A, %jit3A : i32
    %sign3A = arith.constant 0 : i32
    %sign3A_3 = arith.cmpi sgt, %add3A, %sign3A : i32
    %sign3A_4 = arith.extui %sign3A_3 : i1 to i32
    %sign3A_5 = arith.constant 0 : i32
    %sign3A_6 = arith.cmpi slt, %add3A, %sign3A_5 : i32
    %sign3A_7 = arith.extui %sign3A_6 : i1 to i32
    %sign3A_8 = arith.subi %sign3A_4, %sign3A_7 : i32
    %sign3A_9 = arith.constant 0 : i32
    %sign3A_10 = arith.cmpi sgt, %jit3A, %sign3A_9 : i32
    %sign3A_11 = arith.extui %sign3A_10 : i1 to i32
    %sign3A_12 = arith.constant 0 : i32
    %sign3A_13 = arith.cmpi slt, %jit3A, %sign3A_12 : i32
    %sign3A_14 = arith.extui %sign3A_13 : i1 to i32
    %sign3A_15 = arith.subi %sign3A_11, %sign3A_14 : i32
    %ne3A = arith.cmpi ne, %sign3A_8, %sign3A_15 : i32
    %rem3A = arith.remsi %add3A, %jit3A : i32
    %ne3A_16 = arith.constant 0 : i32
    %ne3A_17 = arith.cmpi ne, %rem3A, %ne3A_16 : i32
    %and3A = arith.andi %ne3A, %ne3A_17 : i1
    %sub3A = arith.constant 1 : i32
    %sub3A_18 = arith.subi %div3A, %sub3A : i32
    %select_n3A = arith.select %and3A, %sub3A_18, %div3A : i32
    %jit3A_19 = arith.constant 8 : i32
    %eq3A = arith.constant 0 : i32
    %eq3A_20 = arith.cmpi eq, %jit3A_19, %eq3A : i32
    %jit3A_21 = arith.constant 1 : i32
    %select_n3A_22 = arith.select %eq3A_20, %jit3A_21, %jit3A_19 : i32
    %rem3A_23 = arith.remsi %add3A, %select_n3A_22 : i32
    %ne3A_24 = arith.constant 0 : i32
    %ne3A_25 = arith.cmpi ne, %rem3A_23, %ne3A_24 : i32
    %lt3A = arith.constant 0 : i32
    %lt3A_26 = arith.cmpi slt, %rem3A_23, %lt3A : i32
    %lt3A_27 = arith.constant 0 : i32
    %lt3A_28 = arith.cmpi slt, %select_n3A_22, %lt3A_27 : i32
    %ne3A_29 = arith.xori %lt3A_26, %lt3A_28 : i1
    %and3A_30 = arith.andi %ne3A_29, %ne3A_25 : i1
    %add3A_31 = arith.addi %rem3A_23, %select_n3A_22 : i32
    %select_n3A_32 = arith.select %and3A_30, %add3A_31, %rem3A_23 : i32
    %mul3A_33 = arith.constant 1024 : i32
    %mul3A_34 = arith.muli %select_n3A_32, %mul3A_33 : i32
    "tpu.region"() ({
      %run_scoped3A = tpu.sem_alloc : memref<!tpu.dma_semaphore, #tpu.memory_space<semaphore_mem>>
      %dma_start3A_945 = tpu.memref_slice %arg3[%select_n3A, %mul3A_34] : memref<4x8192xi32, #tpu.memory_space<hbm>> -> memref<1x1024xi32, #tpu.memory_space<hbm>>
      %dma_start3A_946 = tpu.memref_squeeze %dma_start3A_945 : memref<1x1024xi32, #tpu.memory_space<hbm>> -> memref<1024xi32, #tpu.memory_space<hbm>>
      %dma_start3A_947 = tpu.memref_slice %arg3[%select_n3A, %mul3A_34] : memref<4x8192xi32, #tpu.memory_space<hbm>> -> memref<1x1024xi32, #tpu.memory_space<hbm>>
      %dma_start3A_948 = tpu.memref_squeeze %dma_start3A_947 : memref<1x1024xi32, #tpu.memory_space<hbm>> -> memref<1024xi32, #tpu.memory_space<hbm>>
      tpu.enqueue_dma source(%dma_start3A_948 : memref<1024xi32, #tpu.memory_space<hbm>>) target(%arg5 : memref<1024xi32, #tpu.memory_space<vmem>>) target_semaphore(%run_scoped3A : memref<!tpu.dma_semaphore, #tpu.memory_space<semaphore_mem>>)
      %dma_wait3A_949 = tpu.memref_slice %arg3[%select_n3A, %mul3A_34] : memref<4x8192xi32, #tpu.memory_space<hbm>> -> memref<1x1024xi32, #tpu.memory_space<hbm>>
      %dma_wait3A_950 = tpu.memref_squeeze %dma_wait3A_949 : memref<1x1024xi32, #tpu.memory_space<hbm>> -> memref<1024xi32, #tpu.memory_space<hbm>>
      %dma_wait3A_951 = tpu.memref_slice %arg3[%select_n3A, %mul3A_34] : memref<4x8192xi32, #tpu.memory_space<hbm>> -> memref<1x1024xi32, #tpu.memory_space<hbm>>
      %dma_wait3A_952 = tpu.memref_squeeze %dma_wait3A_951 : memref<1x1024xi32, #tpu.memory_space<hbm>> -> memref<1024xi32, #tpu.memory_space<hbm>>
      tpu.wait_dma2 semaphore(%run_scoped3A : memref<!tpu.dma_semaphore, #tpu.memory_space<semaphore_mem>>) src(%dma_wait3A_952 : memref<1024xi32, #tpu.memory_space<hbm>>) dst(%arg5 : memref<1024xi32, #tpu.memory_space<vmem>>)
      tpu.yield
    }) : () -> ()
    %dma_start3A = arith.constant 0 : i32
    %dma_start3A_35 = arith.constant 0 : i32
    %dma_start3A_36 = arith.constant 0 : i32
    %dma_start3A_37 = tpu.memref_slice %arg6[%dma_start3A, %dma_start3A_35, %dma_start3A_36] : memref<2x56x1024xf32, #tpu.memory_space<vmem>> -> memref<1x56x1024xf32, #tpu.memory_space<vmem>>
    %dma_start3A_38 = tpu.memref_squeeze %dma_start3A_37 : memref<1x56x1024xf32, #tpu.memory_space<vmem>> -> memref<56x1024xf32, #tpu.memory_space<vmem>>
    %dma_start3A_39 = arith.constant 0 : i32
    %dma_start3A_40 = tpu.memref_slice %arg5[%dma_start3A_39] : memref<1024xi32, #tpu.memory_space<vmem>> -> memref<56xi32, #tpu.memory_space<vmem>>
    %dma_start3A_41 = arith.constant 0 : i32
    %dma_start3A_42 = arith.constant 0 : i32
    %dma_start3A_43 = tpu.memref_slice %arg2[%dma_start3A_41, %dma_start3A_42] : memref<8192x1024xf32, #tpu.memory_space<hbm>> -> memref<8192x1024xf32, #tpu.memory_space<hbm>>
    tpu.enqueue_indirect_dma source(%dma_start3A_43 : memref<8192x1024xf32, #tpu.memory_space<hbm>>) target(%dma_start3A_38 : memref<56x1024xf32, #tpu.memory_space<vmem>>) offsets(%dma_start3A_40 : memref<56xi32, #tpu.memory_space<vmem>>) semaphore(%arg7 : memref<!tpu.dma_semaphore, #tpu.memory_space<semaphore_mem>>)
    %dma_start3A_44 = arith.constant 1 : i32
    %dma_start3A_45 = arith.constant 0 : i32
    %dma_start3A_46 = arith.constant 0 : i32
    %dma_start3A_47 = tpu.memref_slice %arg6[%dma_start3A_44, %dma_start3A_45, %dma_start3A_46] : memref<2x56x1024xf32, #tpu.memory_space<vmem>> -> memref<1x56x1024xf32, #tpu.memory_space<vmem>>
    %dma_start3A_48 = tpu.memref_squeeze %dma_start3A_47 : memref<1x56x1024xf32, #tpu.memory_space<vmem>> -> memref<56x1024xf32, #tpu.memory_space<vmem>>
    %dma_start3A_49 = arith.constant 56 : i32
    %dma_start3A_50 = tpu.memref_slice %arg5[%dma_start3A_49] : memref<1024xi32, #tpu.memory_space<vmem>> -> memref<56xi32, #tpu.memory_space<vmem>>
    %dma_start3A_51 = arith.constant 0 : i32
    %dma_start3A_52 = arith.constant 0 : i32
    %dma_start3A_53 = tpu.memref_slice %arg2[%dma_start3A_51, %dma_start3A_52] : memref<8192x1024xf32, #tpu.memory_space<hbm>> -> memref<8192x1024xf32, #tpu.memory_space<hbm>>
    tpu.enqueue_indirect_dma source(%dma_start3A_53 : memref<8192x1024xf32, #tpu.memory_space<hbm>>) target(%dma_start3A_48 : memref<56x1024xf32, #tpu.memory_space<vmem>>) offsets(%dma_start3A_50 : memref<56xi32, #tpu.memory_space<vmem>>) semaphore(%arg8 : memref<!tpu.dma_semaphore, #tpu.memory_space<semaphore_mem>>)
    %dma_wait3A = arith.constant 0 : i32
    %dma_wait3A_54 = arith.constant 0 : i32
    %dma_wait3A_55 = arith.constant 0 : i32
    %dma_wait3A_56 = tpu.memref_slice %arg6[%dma_wait3A, %dma_wait3A_54, %dma_wait3A_55] : memref<2x56x1024xf32, #tpu.memory_space<vmem>> -> memref<1x56x1024xf32, #tpu.memory_space<vmem>>
    %dma_wait3A_57 = tpu.memref_squeeze %dma_wait3A_56 : memref<1x56x1024xf32, #tpu.memory_space<vmem>> -> memref<56x1024xf32, #tpu.memory_space<vmem>>
    %dma_wait3A_58 = arith.constant 0 : i32
    %dma_wait3A_59 = tpu.memref_slice %arg5[%dma_wait3A_58] : memref<1024xi32, #tpu.memory_space<vmem>> -> memref<56xi32, #tpu.memory_space<vmem>>
    %dma_wait3A_60 = arith.constant 0 : i32
    %dma_wait3A_61 = arith.constant 0 : i32
    %dma_wait3A_62 = tpu.memref_slice %arg2[%dma_wait3A_60, %dma_wait3A_61] : memref<8192x1024xf32, #tpu.memory_space<hbm>> -> memref<8192x1024xf32, #tpu.memory_space<hbm>>
    tpu.wait_indirect_dma semaphore(%arg7 : memref<!tpu.dma_semaphore, #tpu.memory_space<semaphore_mem>>) src(%dma_wait3A_62 : memref<8192x1024xf32, #tpu.memory_space<hbm>>) dst(%dma_wait3A_57 : memref<56x1024xf32, #tpu.memory_space<vmem>>)
    %add3A_63 = arith.constant 0 : i32
    %add3A_64 = arith.addi %mul3A_2, %add3A_63 : i32
    %dma_start3A_65 = arith.constant 0 : i32
    %dma_start3A_66 = arith.constant 0 : i32
    %dma_start3A_67 = arith.constant 0 : i32
    %dma_start3A_68 = tpu.memref_slice %arg6[%dma_start3A_65, %dma_start3A_66, %dma_start3A_67] : memref<2x56x1024xf32, #tpu.memory_space<vmem>> -> memref<1x56x1024xf32, #tpu.memory_space<vmem>>
    %dma_start3A_69 = tpu.memref_squeeze %dma_start3A_68 : memref<1x56x1024xf32, #tpu.memory_space<vmem>> -> memref<56x1024xf32, #tpu.memory_space<vmem>>
    %dma_start3A_70 = arith.constant 0 : i32
    %dma_start3A_71 = tpu.memref_slice %arg4[%add3A_64, %dma_start3A_70] : memref<32768x1024xf32, #tpu.memory_space<hbm>> -> memref<56x1024xf32, #tpu.memory_space<hbm>>
    %dma_start3A_72 = arith.constant 0 : i32
    %dma_start3A_73 = tpu.memref_slice %arg4[%add3A_64, %dma_start3A_72] : memref<32768x1024xf32, #tpu.memory_space<hbm>> -> memref<56x1024xf32, #tpu.memory_space<hbm>>
    %dma_start3A_74 = arith.constant 0 : i32
    %dma_start3A_75 = arith.constant 0 : i32
    %dma_start3A_76 = tpu.memref_slice %arg6[%dma_start3A_65, %dma_start3A_74, %dma_start3A_75] : memref<2x56x1024xf32, #tpu.memory_space<vmem>> -> memref<1x56x1024xf32, #tpu.memory_space<vmem>>
    %dma_start3A_77 = tpu.memref_squeeze %dma_start3A_76 : memref<1x56x1024xf32, #tpu.memory_space<vmem>> -> memref<56x1024xf32, #tpu.memory_space<vmem>>
    tpu.enqueue_dma source(%dma_start3A_77 : memref<56x1024xf32, #tpu.memory_space<vmem>>) target(%dma_start3A_73 : memref<56x1024xf32, #tpu.memory_space<hbm>>) target_semaphore(%arg9 : memref<!tpu.dma_semaphore, #tpu.memory_space<semaphore_mem>>)
    %dma_wait3A_78 = arith.constant 0 : i32
    %dma_wait3A_79 = arith.constant 0 : i32
    %dma_wait3A_80 = arith.constant 0 : i32
    %dma_wait3A_81 = tpu.memref_slice %arg6[%dma_wait3A_78, %dma_wait3A_79, %dma_wait3A_80] : memref<2x56x1024xf32, #tpu.memory_space<vmem>> -> memref<1x56x1024xf32, #tpu.memory_space<vmem>>
    %dma_wait3A_82 = tpu.memref_squeeze %dma_wait3A_81 : memref<1x56x1024xf32, #tpu.memory_space<vmem>> -> memref<56x1024xf32, #tpu.memory_space<vmem>>
    %dma_wait3A_83 = arith.constant 0 : i32
    %dma_wait3A_84 = tpu.memref_slice %arg4[%add3A_64, %dma_wait3A_83] : memref<32768x1024xf32, #tpu.memory_space<hbm>> -> memref<56x1024xf32, #tpu.memory_space<hbm>>
    %dma_wait3A_85 = arith.constant 0 : i32
    %dma_wait3A_86 = tpu.memref_slice %arg4[%add3A_64, %dma_wait3A_85] : memref<32768x1024xf32, #tpu.memory_space<hbm>> -> memref<56x1024xf32, #tpu.memory_space<hbm>>
    %dma_wait3A_87 = arith.constant 0 : i32
    %dma_wait3A_88 = arith.constant 0 : i32
    %dma_wait3A_89 = tpu.memref_slice %arg6[%dma_wait3A_78, %dma_wait3A_87, %dma_wait3A_88] : memref<2x56x1024xf32, #tpu.memory_space<vmem>> -> memref<1x56x1024xf32, #tpu.memory_space<vmem>>
    %dma_wait3A_90 = tpu.memref_squeeze %dma_wait3A_89 : memref<1x56x1024xf32, #tpu.memory_space<vmem>> -> memref<56x1024xf32, #tpu.memory_space<vmem>>
    tpu.wait_dma2 semaphore(%arg9 : memref<!tpu.dma_semaphore, #tpu.memory_space<semaphore_mem>>) src(%dma_wait3A_90 : memref<56x1024xf32, #tpu.memory_space<vmem>>) dst(%dma_wait3A_86 : memref<56x1024xf32, #tpu.memory_space<hbm>>)
    %dma_start3A_91 = arith.constant 0 : i32
    %dma_start3A_92 = arith.constant 0 : i32
    %dma_start3A_93 = arith.constant 0 : i32
    %dma_start3A_94 = tpu.memref_slice %arg6[%dma_start3A_91, %dma_start3A_92, %dma_start3A_93] : memref<2x56x1024xf32, #tpu.memory_space<vmem>> -> memref<1x56x1024xf32, #tpu.memory_space<vmem>>
    %dma_start3A_95 = tpu.memref_squeeze %dma_start3A_94 : memref<1x56x1024xf32, #tpu.memory_space<vmem>> -> memref<56x1024xf32, #tpu.memory_space<vmem>>
    %dma_start3A_96 = arith.constant 112 : i32
    %dma_start3A_97 = tpu.memref_slice %arg5[%dma_start3A_96] : memref<1024xi32, #tpu.memory_space<vmem>> -> memref<56xi32, #tpu.memory_space<vmem>>
    %dma_start3A_98 = arith.constant 0 : i32
    %dma_start3A_99 = arith.constant 0 : i32
    %dma_start3A_100 = tpu.memref_slice %arg2[%dma_start3A_98, %dma_start3A_99] : memref<8192x1024xf32, #tpu.memory_space<hbm>> -> memref<8192x1024xf32, #tpu.memory_space<hbm>>
    tpu.enqueue_indirect_dma source(%dma_start3A_100 : memref<8192x1024xf32, #tpu.memory_space<hbm>>) target(%dma_start3A_95 : memref<56x1024xf32, #tpu.memory_space<vmem>>) offsets(%dma_start3A_97 : memref<56xi32, #tpu.memory_space<vmem>>) semaphore(%arg7 : memref<!tpu.dma_semaphore, #tpu.memory_space<semaphore_mem>>)
    %dma_wait3A_101 = arith.constant 1 : i32
    %dma_wait3A_102 = arith.constant 0 : i32
    %dma_wait3A_103 = arith.constant 0 : i32
    %dma_wait3A_104 = tpu.memref_slice %arg6[%dma_wait3A_101, %dma_wait3A_102, %dma_wait3A_103] : memref<2x56x1024xf32, #tpu.memory_space<vmem>> -> memref<1x56x1024xf32, #tpu.memory_space<vmem>>
    %dma_wait3A_105 = tpu.memref_squeeze %dma_wait3A_104 : memref<1x56x1024xf32, #tpu.memory_space<vmem>> -> memref<56x1024xf32, #tpu.memory_space<vmem>>
    %dma_wait3A_106 = arith.constant 56 : i32
    %dma_wait3A_107 = tpu.memref_slice %arg5[%dma_wait3A_106] : memref<1024xi32, #tpu.memory_space<vmem>> -> memref<56xi32, #tpu.memory_space<vmem>>
    %dma_wait3A_108 = arith.constant 0 : i32
    %dma_wait3A_109 = arith.constant 0 : i32
    %dma_wait3A_110 = tpu.memref_slice %arg2[%dma_wait3A_108, %dma_wait3A_109] : memref<8192x1024xf32, #tpu.memory_space<hbm>> -> memref<8192x1024xf32, #tpu.memory_space<hbm>>
    tpu.wait_indirect_dma semaphore(%arg8 : memref<!tpu.dma_semaphore, #tpu.memory_space<semaphore_mem>>) src(%dma_wait3A_110 : memref<8192x1024xf32, #tpu.memory_space<hbm>>) dst(%dma_wait3A_105 : memref<56x1024xf32, #tpu.memory_space<vmem>>)
    %add3A_111 = arith.constant 56 : i32
    %add3A_112 = arith.addi %mul3A_2, %add3A_111 : i32
    %dma_start3A_113 = arith.constant 1 : i32
    %dma_start3A_114 = arith.constant 0 : i32
    %dma_start3A_115 = arith.constant 0 : i32
    %dma_start3A_116 = tpu.memref_slice %arg6[%dma_start3A_113, %dma_start3A_114, %dma_start3A_115] : memref<2x56x1024xf32, #tpu.memory_space<vmem>> -> memref<1x56x1024xf32, #tpu.memory_space<vmem>>
    %dma_start3A_117 = tpu.memref_squeeze %dma_start3A_116 : memref<1x56x1024xf32, #tpu.memory_space<vmem>> -> memref<56x1024xf32, #tpu.memory_space<vmem>>
    %dma_start3A_118 = arith.constant 0 : i32
    %dma_start3A_119 = tpu.memref_slice %arg4[%add3A_112, %dma_start3A_118] : memref<32768x1024xf32, #tpu.memory_space<hbm>> -> memref<56x1024xf32, #tpu.memory_space<hbm>>
    %dma_start3A_120 = arith.constant 0 : i32
    %dma_start3A_121 = tpu.memref_slice %arg4[%add3A_112, %dma_start3A_120] : memref<32768x1024xf32, #tpu.memory_space<hbm>> -> memref<56x1024xf32, #tpu.memory_space<hbm>>
    %dma_start3A_122 = arith.constant 0 : i32
    %dma_start3A_123 = arith.constant 0 : i32
    %dma_start3A_124 = tpu.memref_slice %arg6[%dma_start3A_113, %dma_start3A_122, %dma_start3A_123] : memref<2x56x1024xf32, #tpu.memory_space<vmem>> -> memref<1x56x1024xf32, #tpu.memory_space<vmem>>
    %dma_start3A_125 = tpu.memref_squeeze %dma_start3A_124 : memref<1x56x1024xf32, #tpu.memory_space<vmem>> -> memref<56x1024xf32, #tpu.memory_space<vmem>>
    tpu.enqueue_dma source(%dma_start3A_125 : memref<56x1024xf32, #tpu.memory_space<vmem>>) target(%dma_start3A_121 : memref<56x1024xf32, #tpu.memory_space<hbm>>) target_semaphore(%arg10 : memref<!tpu.dma_semaphore, #tpu.memory_space<semaphore_mem>>)
    %dma_wait3A_126 = arith.constant 1 : i32
    %dma_wait3A_127 = arith.constant 0 : i32
    %dma_wait3A_128 = arith.constant 0 : i32
    %dma_wait3A_129 = tpu.memref_slice %arg6[%dma_wait3A_126, %dma_wait3A_127, %dma_wait3A_128] : memref<2x56x1024xf32, #tpu.memory_space<vmem>> -> memref<1x56x1024xf32, #tpu.memory_space<vmem>>
    %dma_wait3A_130 = tpu.memref_squeeze %dma_wait3A_129 : memref<1x56x1024xf32, #tpu.memory_space<vmem>> -> memref<56x1024xf32, #tpu.memory_space<vmem>>
    %dma_wait3A_131 = arith.constant 0 : i32
    %dma_wait3A_132 = tpu.memref_slice %arg4[%add3A_112, %dma_wait3A_131] : memref<32768x1024xf32, #tpu.memory_space<hbm>> -> memref<56x1024xf32, #tpu.memory_space<hbm>>
    %dma_wait3A_133 = arith.constant 0 : i32
    %dma_wait3A_134 = tpu.memref_slice %arg4[%add3A_112, %dma_wait3A_133] : memref<32768x1024xf32, #tpu.memory_space<hbm>> -> memref<56x1024xf32, #tpu.memory_space<hbm>>
    %dma_wait3A_135 = arith.constant 0 : i32
    %dma_wait3A_136 = arith.constant 0 : i32
    %dma_wait3A_137 = tpu.memref_slice %arg6[%dma_wait3A_126, %dma_wait3A_135, %dma_wait3A_136] : memref<2x56x1024xf32, #tpu.memory_space<vmem>> -> memref<1x56x1024xf32, #tpu.memory_space<vmem>>
    %dma_wait3A_138 = tpu.memref_squeeze %dma_wait3A_137 : memref<1x56x1024xf32, #tpu.memory_space<vmem>> -> memref<56x1024xf32, #tpu.memory_space<vmem>>
    tpu.wait_dma2 semaphore(%arg10 : memref<!tpu.dma_semaphore, #tpu.memory_space<semaphore_mem>>) src(%dma_wait3A_138 : memref<56x1024xf32, #tpu.memory_space<vmem>>) dst(%dma_wait3A_134 : memref<56x1024xf32, #tpu.memory_space<hbm>>)
    %dma_start3A_139 = arith.constant 1 : i32
    %dma_start3A_140 = arith.constant 0 : i32
    %dma_start3A_141 = arith.constant 0 : i32
    %dma_start3A_142 = tpu.memref_slice %arg6[%dma_start3A_139, %dma_start3A_140, %dma_start3A_141] : memref<2x56x1024xf32, #tpu.memory_space<vmem>> -> memref<1x56x1024xf32, #tpu.memory_space<vmem>>
    %dma_start3A_143 = tpu.memref_squeeze %dma_start3A_142 : memref<1x56x1024xf32, #tpu.memory_space<vmem>> -> memref<56x1024xf32, #tpu.memory_space<vmem>>
    %dma_start3A_144 = arith.constant 168 : i32
    %dma_start3A_145 = tpu.memref_slice %arg5[%dma_start3A_144] : memref<1024xi32, #tpu.memory_space<vmem>> -> memref<56xi32, #tpu.memory_space<vmem>>
    %dma_start3A_146 = arith.constant 0 : i32
    %dma_start3A_147 = arith.constant 0 : i32
    %dma_start3A_148 = tpu.memref_slice %arg2[%dma_start3A_146, %dma_start3A_147] : memref<8192x1024xf32, #tpu.memory_space<hbm>> -> memref<8192x1024xf32, #tpu.memory_space<hbm>>
    tpu.enqueue_indirect_dma source(%dma_start3A_148 : memref<8192x1024xf32, #tpu.memory_space<hbm>>) target(%dma_start3A_143 : memref<56x1024xf32, #tpu.memory_space<vmem>>) offsets(%dma_start3A_145 : memref<56xi32, #tpu.memory_space<vmem>>) semaphore(%arg8 : memref<!tpu.dma_semaphore, #tpu.memory_space<semaphore_mem>>)
    %dma_wait3A_149 = arith.constant 0 : i32
    %dma_wait3A_150 = arith.constant 0 : i32
    %dma_wait3A_151 = arith.constant 0 : i32
    %dma_wait3A_152 = tpu.memref_slice %arg6[%dma_wait3A_149, %dma_wait3A_150, %dma_wait3A_151] : memref<2x56x1024xf32, #tpu.memory_space<vmem>> -> memref<1x56x1024xf32, #tpu.memory_space<vmem>>
    %dma_wait3A_153 = tpu.memref_squeeze %dma_wait3A_152 : memref<1x56x1024xf32, #tpu.memory_space<vmem>> -> memref<56x1024xf32, #tpu.memory_space<vmem>>
    %dma_wait3A_154 = arith.constant 112 : i32
    %dma_wait3A_155 = tpu.memref_slice %arg5[%dma_wait3A_154] : memref<1024xi32, #tpu.memory_space<vmem>> -> memref<56xi32, #tpu.memory_space<vmem>>
    %dma_wait3A_156 = arith.constant 0 : i32
    %dma_wait3A_157 = arith.constant 0 : i32
    %dma_wait3A_158 = tpu.memref_slice %arg2[%dma_wait3A_156, %dma_wait3A_157] : memref<8192x1024xf32, #tpu.memory_space<hbm>> -> memref<8192x1024xf32, #tpu.memory_space<hbm>>
    tpu.wait_indirect_dma semaphore(%arg7 : memref<!tpu.dma_semaphore, #tpu.memory_space<semaphore_mem>>) src(%dma_wait3A_158 : memref<8192x1024xf32, #tpu.memory_space<hbm>>) dst(%dma_wait3A_153 : memref<56x1024xf32, #tpu.memory_space<vmem>>)
    %add3A_159 = arith.constant 112 : i32
    %add3A_160 = arith.addi %mul3A_2, %add3A_159 : i32
    %dma_start3A_161 = arith.constant 0 : i32
    %dma_start3A_162 = arith.constant 0 : i32
    %dma_start3A_163 = arith.constant 0 : i32
    %dma_start3A_164 = tpu.memref_slice %arg6[%dma_start3A_161, %dma_start3A_162, %dma_start3A_163] : memref<2x56x1024xf32, #tpu.memory_space<vmem>> -> memref<1x56x1024xf32, #tpu.memory_space<vmem>>
    %dma_start3A_165 = tpu.memref_squeeze %dma_start3A_164 : memref<1x56x1024xf32, #tpu.memory_space<vmem>> -> memref<56x1024xf32, #tpu.memory_space<vmem>>
    %dma_start3A_166 = arith.constant 0 : i32
    %dma_start3A_167 = tpu.memref_slice %arg4[%add3A_160, %dma_start3A_166] : memref<32768x1024xf32, #tpu.memory_space<hbm>> -> memref<56x1024xf32, #tpu.memory_space<hbm>>
    %dma_start3A_168 = arith.constant 0 : i32
    %dma_start3A_169 = tpu.memref_slice %arg4[%add3A_160, %dma_start3A_168] : memref<32768x1024xf32, #tpu.memory_space<hbm>> -> memref<56x1024xf32, #tpu.memory_space<hbm>>
    %dma_start3A_170 = arith.constant 0 : i32
    %dma_start3A_171 = arith.constant 0 : i32
    %dma_start3A_172 = tpu.memref_slice %arg6[%dma_start3A_161, %dma_start3A_170, %dma_start3A_171] : memref<2x56x1024xf32, #tpu.memory_space<vmem>> -> memref<1x56x1024xf32, #tpu.memory_space<vmem>>
    %dma_start3A_173 = tpu.memref_squeeze %dma_start3A_172 : memref<1x56x1024xf32, #tpu.memory_space<vmem>> -> memref<56x1024xf32, #tpu.memory_space<vmem>>
    tpu.enqueue_dma source(%dma_start3A_173 : memref<56x1024xf32, #tpu.memory_space<vmem>>) target(%dma_start3A_169 : memref<56x1024xf32, #tpu.memory_space<hbm>>) target_semaphore(%arg9 : memref<!tpu.dma_semaphore, #tpu.memory_space<semaphore_mem>>)
    %dma_wait3A_174 = arith.constant 0 : i32
    %dma_wait3A_175 = arith.constant 0 : i32
    %dma_wait3A_176 = arith.constant 0 : i32
    %dma_wait3A_177 = tpu.memref_slice %arg6[%dma_wait3A_174, %dma_wait3A_175, %dma_wait3A_176] : memref<2x56x1024xf32, #tpu.memory_space<vmem>> -> memref<1x56x1024xf32, #tpu.memory_space<vmem>>
    %dma_wait3A_178 = tpu.memref_squeeze %dma_wait3A_177 : memref<1x56x1024xf32, #tpu.memory_space<vmem>> -> memref<56x1024xf32, #tpu.memory_space<vmem>>
    %dma_wait3A_179 = arith.constant 0 : i32
    %dma_wait3A_180 = tpu.memref_slice %arg4[%add3A_160, %dma_wait3A_179] : memref<32768x1024xf32, #tpu.memory_space<hbm>> -> memref<56x1024xf32, #tpu.memory_space<hbm>>
    %dma_wait3A_181 = arith.constant 0 : i32
    %dma_wait3A_182 = tpu.memref_slice %arg4[%add3A_160, %dma_wait3A_181] : memref<32768x1024xf32, #tpu.memory_space<hbm>> -> memref<56x1024xf32, #tpu.memory_space<hbm>>
    %dma_wait3A_183 = arith.constant 0 : i32
    %dma_wait3A_184 = arith.constant 0 : i32
    %dma_wait3A_185 = tpu.memref_slice %arg6[%dma_wait3A_174, %dma_wait3A_183, %dma_wait3A_184] : memref<2x56x1024xf32, #tpu.memory_space<vmem>> -> memref<1x56x1024xf32, #tpu.memory_space<vmem>>
    %dma_wait3A_186 = tpu.memref_squeeze %dma_wait3A_185 : memref<1x56x1024xf32, #tpu.memory_space<vmem>> -> memref<56x1024xf32, #tpu.memory_space<vmem>>
    tpu.wait_dma2 semaphore(%arg9 : memref<!tpu.dma_semaphore, #tpu.memory_space<semaphore_mem>>) src(%dma_wait3A_186 : memref<56x1024xf32, #tpu.memory_space<vmem>>) dst(%dma_wait3A_182 : memref<56x1024xf32, #tpu.memory_space<hbm>>)
    %dma_start3A_187 = arith.constant 0 : i32
    %dma_start3A_188 = arith.constant 0 : i32
    %dma_start3A_189 = arith.constant 0 : i32
    %dma_start3A_190 = tpu.memref_slice %arg6[%dma_start3A_187, %dma_start3A_188, %dma_start3A_189] : memref<2x56x1024xf32, #tpu.memory_space<vmem>> -> memref<1x56x1024xf32, #tpu.memory_space<vmem>>
    %dma_start3A_191 = tpu.memref_squeeze %dma_start3A_190 : memref<1x56x1024xf32, #tpu.memory_space<vmem>> -> memref<56x1024xf32, #tpu.memory_space<vmem>>
    %dma_start3A_192 = arith.constant 224 : i32
    %dma_start3A_193 = tpu.memref_slice %arg5[%dma_start3A_192] : memref<1024xi32, #tpu.memory_space<vmem>> -> memref<56xi32, #tpu.memory_space<vmem>>
    %dma_start3A_194 = arith.constant 0 : i32
    %dma_start3A_195 = arith.constant 0 : i32
    %dma_start3A_196 = tpu.memref_slice %arg2[%dma_start3A_194, %dma_start3A_195] : memref<8192x1024xf32, #tpu.memory_space<hbm>> -> memref<8192x1024xf32, #tpu.memory_space<hbm>>
    tpu.enqueue_indirect_dma source(%dma_start3A_196 : memref<8192x1024xf32, #tpu.memory_space<hbm>>) target(%dma_start3A_191 : memref<56x1024xf32, #tpu.memory_space<vmem>>) offsets(%dma_start3A_193 : memref<56xi32, #tpu.memory_space<vmem>>) semaphore(%arg7 : memref<!tpu.dma_semaphore, #tpu.memory_space<semaphore_mem>>)
    %dma_wait3A_197 = arith.constant 1 : i32
    %dma_wait3A_198 = arith.constant 0 : i32
    %dma_wait3A_199 = arith.constant 0 : i32
    %dma_wait3A_200 = tpu.memref_slice %arg6[%dma_wait3A_197, %dma_wait3A_198, %dma_wait3A_199] : memref<2x56x1024xf32, #tpu.memory_space<vmem>> -> memref<1x56x1024xf32, #tpu.memory_space<vmem>>
    %dma_wait3A_201 = tpu.memref_squeeze %dma_wait3A_200 : memref<1x56x1024xf32, #tpu.memory_space<vmem>> -> memref<56x1024xf32, #tpu.memory_space<vmem>>
    %dma_wait3A_202 = arith.constant 168 : i32
    %dma_wait3A_203 = tpu.memref_slice %arg5[%dma_wait3A_202] : memref<1024xi32, #tpu.memory_space<vmem>> -> memref<56xi32, #tpu.memory_space<vmem>>
    %dma_wait3A_204 = arith.constant 0 : i32
    %dma_wait3A_205 = arith.constant 0 : i32
    %dma_wait3A_206 = tpu.memref_slice %arg2[%dma_wait3A_204, %dma_wait3A_205] : memref<8192x1024xf32, #tpu.memory_space<hbm>> -> memref<8192x1024xf32, #tpu.memory_space<hbm>>
    tpu.wait_indirect_dma semaphore(%arg8 : memref<!tpu.dma_semaphore, #tpu.memory_space<semaphore_mem>>) src(%dma_wait3A_206 : memref<8192x1024xf32, #tpu.memory_space<hbm>>) dst(%dma_wait3A_201 : memref<56x1024xf32, #tpu.memory_space<vmem>>)
    %add3A_207 = arith.constant 168 : i32
    %add3A_208 = arith.addi %mul3A_2, %add3A_207 : i32
    %dma_start3A_209 = arith.constant 1 : i32
    %dma_start3A_210 = arith.constant 0 : i32
    %dma_start3A_211 = arith.constant 0 : i32
    %dma_start3A_212 = tpu.memref_slice %arg6[%dma_start3A_209, %dma_start3A_210, %dma_start3A_211] : memref<2x56x1024xf32, #tpu.memory_space<vmem>> -> memref<1x56x1024xf32, #tpu.memory_space<vmem>>
    %dma_start3A_213 = tpu.memref_squeeze %dma_start3A_212 : memref<1x56x1024xf32, #tpu.memory_space<vmem>> -> memref<56x1024xf32, #tpu.memory_space<vmem>>
    %dma_start3A_214 = arith.constant 0 : i32
    %dma_start3A_215 = tpu.memref_slice %arg4[%add3A_208, %dma_start3A_214] : memref<32768x1024xf32, #tpu.memory_space<hbm>> -> memref<56x1024xf32, #tpu.memory_space<hbm>>
    %dma_start3A_216 = arith.constant 0 : i32
    %dma_start3A_217 = tpu.memref_slice %arg4[%add3A_208, %dma_start3A_216] : memref<32768x1024xf32, #tpu.memory_space<hbm>> -> memref<56x1024xf32, #tpu.memory_space<hbm>>
    %dma_start3A_218 = arith.constant 0 : i32
    %dma_start3A_219 = arith.constant 0 : i32
    %dma_start3A_220 = tpu.memref_slice %arg6[%dma_start3A_209, %dma_start3A_218, %dma_start3A_219] : memref<2x56x1024xf32, #tpu.memory_space<vmem>> -> memref<1x56x1024xf32, #tpu.memory_space<vmem>>
    %dma_start3A_221 = tpu.memref_squeeze %dma_start3A_220 : memref<1x56x1024xf32, #tpu.memory_space<vmem>> -> memref<56x1024xf32, #tpu.memory_space<vmem>>
    tpu.enqueue_dma source(%dma_start3A_221 : memref<56x1024xf32, #tpu.memory_space<vmem>>) target(%dma_start3A_217 : memref<56x1024xf32, #tpu.memory_space<hbm>>) target_semaphore(%arg10 : memref<!tpu.dma_semaphore, #tpu.memory_space<semaphore_mem>>)
    %dma_wait3A_222 = arith.constant 1 : i32
    %dma_wait3A_223 = arith.constant 0 : i32
    %dma_wait3A_224 = arith.constant 0 : i32
    %dma_wait3A_225 = tpu.memref_slice %arg6[%dma_wait3A_222, %dma_wait3A_223, %dma_wait3A_224] : memref<2x56x1024xf32, #tpu.memory_space<vmem>> -> memref<1x56x1024xf32, #tpu.memory_space<vmem>>
    %dma_wait3A_226 = tpu.memref_squeeze %dma_wait3A_225 : memref<1x56x1024xf32, #tpu.memory_space<vmem>> -> memref<56x1024xf32, #tpu.memory_space<vmem>>
    %dma_wait3A_227 = arith.constant 0 : i32
    %dma_wait3A_228 = tpu.memref_slice %arg4[%add3A_208, %dma_wait3A_227] : memref<32768x1024xf32, #tpu.memory_space<hbm>> -> memref<56x1024xf32, #tpu.memory_space<hbm>>
    %dma_wait3A_229 = arith.constant 0 : i32
    %dma_wait3A_230 = tpu.memref_slice %arg4[%add3A_208, %dma_wait3A_229] : memref<32768x1024xf32, #tpu.memory_space<hbm>> -> memref<56x1024xf32, #tpu.memory_space<hbm>>
    %dma_wait3A_231 = arith.constant 0 : i32
    %dma_wait3A_232 = arith.constant 0 : i32
    %dma_wait3A_233 = tpu.memref_slice %arg6[%dma_wait3A_222, %dma_wait3A_231, %dma_wait3A_232] : memref<2x56x1024xf32, #tpu.memory_space<vmem>> -> memref<1x56x1024xf32, #tpu.memory_space<vmem>>
    %dma_wait3A_234 = tpu.memref_squeeze %dma_wait3A_233 : memref<1x56x1024xf32, #tpu.memory_space<vmem>> -> memref<56x1024xf32, #tpu.memory_space<vmem>>
    tpu.wait_dma2 semaphore(%arg10 : memref<!tpu.dma_semaphore, #tpu.memory_space<semaphore_mem>>) src(%dma_wait3A_234 : memref<56x1024xf32, #tpu.memory_space<vmem>>) dst(%dma_wait3A_230 : memref<56x1024xf32, #tpu.memory_space<hbm>>)
    %dma_start3A_235 = arith.constant 1 : i32
    %dma_start3A_236 = arith.constant 0 : i32
    %dma_start3A_237 = arith.constant 0 : i32
    %dma_start3A_238 = tpu.memref_slice %arg6[%dma_start3A_235, %dma_start3A_236, %dma_start3A_237] : memref<2x56x1024xf32, #tpu.memory_space<vmem>> -> memref<1x56x1024xf32, #tpu.memory_space<vmem>>
    %dma_start3A_239 = tpu.memref_squeeze %dma_start3A_238 : memref<1x56x1024xf32, #tpu.memory_space<vmem>> -> memref<56x1024xf32, #tpu.memory_space<vmem>>
    %dma_start3A_240 = arith.constant 280 : i32
    %dma_start3A_241 = tpu.memref_slice %arg5[%dma_start3A_240] : memref<1024xi32, #tpu.memory_space<vmem>> -> memref<56xi32, #tpu.memory_space<vmem>>
    %dma_start3A_242 = arith.constant 0 : i32
    %dma_start3A_243 = arith.constant 0 : i32
    %dma_start3A_244 = tpu.memref_slice %arg2[%dma_start3A_242, %dma_start3A_243] : memref<8192x1024xf32, #tpu.memory_space<hbm>> -> memref<8192x1024xf32, #tpu.memory_space<hbm>>
    tpu.enqueue_indirect_dma source(%dma_start3A_244 : memref<8192x1024xf32, #tpu.memory_space<hbm>>) target(%dma_start3A_239 : memref<56x1024xf32, #tpu.memory_space<vmem>>) offsets(%dma_start3A_241 : memref<56xi32, #tpu.memory_space<vmem>>) semaphore(%arg8 : memref<!tpu.dma_semaphore, #tpu.memory_space<semaphore_mem>>)
    %dma_wait3A_245 = arith.constant 0 : i32
    %dma_wait3A_246 = arith.constant 0 : i32
    %dma_wait3A_247 = arith.constant 0 : i32
    %dma_wait3A_248 = tpu.memref_slice %arg6[%dma_wait3A_245, %dma_wait3A_246, %dma_wait3A_247] : memref<2x56x1024xf32, #tpu.memory_space<vmem>> -> memref<1x56x1024xf32, #tpu.memory_space<vmem>>
    %dma_wait3A_249 = tpu.memref_squeeze %dma_wait3A_248 : memref<1x56x1024xf32, #tpu.memory_space<vmem>> -> memref<56x1024xf32, #tpu.memory_space<vmem>>
    %dma_wait3A_250 = arith.constant 224 : i32
    %dma_wait3A_251 = tpu.memref_slice %arg5[%dma_wait3A_250] : memref<1024xi32, #tpu.memory_space<vmem>> -> memref<56xi32, #tpu.memory_space<vmem>>
    %dma_wait3A_252 = arith.constant 0 : i32
    %dma_wait3A_253 = arith.constant 0 : i32
    %dma_wait3A_254 = tpu.memref_slice %arg2[%dma_wait3A_252, %dma_wait3A_253] : memref<8192x1024xf32, #tpu.memory_space<hbm>> -> memref<8192x1024xf32, #tpu.memory_space<hbm>>
    tpu.wait_indirect_dma semaphore(%arg7 : memref<!tpu.dma_semaphore, #tpu.memory_space<semaphore_mem>>) src(%dma_wait3A_254 : memref<8192x1024xf32, #tpu.memory_space<hbm>>) dst(%dma_wait3A_249 : memref<56x1024xf32, #tpu.memory_space<vmem>>)
    %add3A_255 = arith.constant 224 : i32
    %add3A_256 = arith.addi %mul3A_2, %add3A_255 : i32
    %dma_start3A_257 = arith.constant 0 : i32
    %dma_start3A_258 = arith.constant 0 : i32
    %dma_start3A_259 = arith.constant 0 : i32
    %dma_start3A_260 = tpu.memref_slice %arg6[%dma_start3A_257, %dma_start3A_258, %dma_start3A_259] : memref<2x56x1024xf32, #tpu.memory_space<vmem>> -> memref<1x56x1024xf32, #tpu.memory_space<vmem>>
    %dma_start3A_261 = tpu.memref_squeeze %dma_start3A_260 : memref<1x56x1024xf32, #tpu.memory_space<vmem>> -> memref<56x1024xf32, #tpu.memory_space<vmem>>
    %dma_start3A_262 = arith.constant 0 : i32
    %dma_start3A_263 = tpu.memref_slice %arg4[%add3A_256, %dma_start3A_262] : memref<32768x1024xf32, #tpu.memory_space<hbm>> -> memref<56x1024xf32, #tpu.memory_space<hbm>>
    %dma_start3A_264 = arith.constant 0 : i32
    %dma_start3A_265 = tpu.memref_slice %arg4[%add3A_256, %dma_start3A_264] : memref<32768x1024xf32, #tpu.memory_space<hbm>> -> memref<56x1024xf32, #tpu.memory_space<hbm>>
    %dma_start3A_266 = arith.constant 0 : i32
    %dma_start3A_267 = arith.constant 0 : i32
    %dma_start3A_268 = tpu.memref_slice %arg6[%dma_start3A_257, %dma_start3A_266, %dma_start3A_267] : memref<2x56x1024xf32, #tpu.memory_space<vmem>> -> memref<1x56x1024xf32, #tpu.memory_space<vmem>>
    %dma_start3A_269 = tpu.memref_squeeze %dma_start3A_268 : memref<1x56x1024xf32, #tpu.memory_space<vmem>> -> memref<56x1024xf32, #tpu.memory_space<vmem>>
    tpu.enqueue_dma source(%dma_start3A_269 : memref<56x1024xf32, #tpu.memory_space<vmem>>) target(%dma_start3A_265 : memref<56x1024xf32, #tpu.memory_space<hbm>>) target_semaphore(%arg9 : memref<!tpu.dma_semaphore, #tpu.memory_space<semaphore_mem>>)
    %dma_wait3A_270 = arith.constant 0 : i32
    %dma_wait3A_271 = arith.constant 0 : i32
    %dma_wait3A_272 = arith.constant 0 : i32
    %dma_wait3A_273 = tpu.memref_slice %arg6[%dma_wait3A_270, %dma_wait3A_271, %dma_wait3A_272] : memref<2x56x1024xf32, #tpu.memory_space<vmem>> -> memref<1x56x1024xf32, #tpu.memory_space<vmem>>
    %dma_wait3A_274 = tpu.memref_squeeze %dma_wait3A_273 : memref<1x56x1024xf32, #tpu.memory_space<vmem>> -> memref<56x1024xf32, #tpu.memory_space<vmem>>
    %dma_wait3A_275 = arith.constant 0 : i32
    %dma_wait3A_276 = tpu.memref_slice %arg4[%add3A_256, %dma_wait3A_275] : memref<32768x1024xf32, #tpu.memory_space<hbm>> -> memref<56x1024xf32, #tpu.memory_space<hbm>>
    %dma_wait3A_277 = arith.constant 0 : i32
    %dma_wait3A_278 = tpu.memref_slice %arg4[%add3A_256, %dma_wait3A_277] : memref<32768x1024xf32, #tpu.memory_space<hbm>> -> memref<56x1024xf32, #tpu.memory_space<hbm>>
    %dma_wait3A_279 = arith.constant 0 : i32
    %dma_wait3A_280 = arith.constant 0 : i32
    %dma_wait3A_281 = tpu.memref_slice %arg6[%dma_wait3A_270, %dma_wait3A_279, %dma_wait3A_280] : memref<2x56x1024xf32, #tpu.memory_space<vmem>> -> memref<1x56x1024xf32, #tpu.memory_space<vmem>>
    %dma_wait3A_282 = tpu.memref_squeeze %dma_wait3A_281 : memref<1x56x1024xf32, #tpu.memory_space<vmem>> -> memref<56x1024xf32, #tpu.memory_space<vmem>>
    tpu.wait_dma2 semaphore(%arg9 : memref<!tpu.dma_semaphore, #tpu.memory_space<semaphore_mem>>) src(%dma_wait3A_282 : memref<56x1024xf32, #tpu.memory_space<vmem>>) dst(%dma_wait3A_278 : memref<56x1024xf32, #tpu.memory_space<hbm>>)
    %dma_start3A_283 = arith.constant 0 : i32
    %dma_start3A_284 = arith.constant 0 : i32
    %dma_start3A_285 = arith.constant 0 : i32
    %dma_start3A_286 = tpu.memref_slice %arg6[%dma_start3A_283, %dma_start3A_284, %dma_start3A_285] : memref<2x56x1024xf32, #tpu.memory_space<vmem>> -> memref<1x56x1024xf32, #tpu.memory_space<vmem>>
    %dma_start3A_287 = tpu.memref_squeeze %dma_start3A_286 : memref<1x56x1024xf32, #tpu.memory_space<vmem>> -> memref<56x1024xf32, #tpu.memory_space<vmem>>
    %dma_start3A_288 = arith.constant 336 : i32
    %dma_start3A_289 = tpu.memref_slice %arg5[%dma_start3A_288] : memref<1024xi32, #tpu.memory_space<vmem>> -> memref<56xi32, #tpu.memory_space<vmem>>
    %dma_start3A_290 = arith.constant 0 : i32
    %dma_start3A_291 = arith.constant 0 : i32
    %dma_start3A_292 = tpu.memref_slice %arg2[%dma_start3A_290, %dma_start3A_291] : memref<8192x1024xf32, #tpu.memory_space<hbm>> -> memref<8192x1024xf32, #tpu.memory_space<hbm>>
    tpu.enqueue_indirect_dma source(%dma_start3A_292 : memref<8192x1024xf32, #tpu.memory_space<hbm>>) target(%dma_start3A_287 : memref<56x1024xf32, #tpu.memory_space<vmem>>) offsets(%dma_start3A_289 : memref<56xi32, #tpu.memory_space<vmem>>) semaphore(%arg7 : memref<!tpu.dma_semaphore, #tpu.memory_space<semaphore_mem>>)
    %dma_wait3A_293 = arith.constant 1 : i32
    %dma_wait3A_294 = arith.constant 0 : i32
    %dma_wait3A_295 = arith.constant 0 : i32
    %dma_wait3A_296 = tpu.memref_slice %arg6[%dma_wait3A_293, %dma_wait3A_294, %dma_wait3A_295] : memref<2x56x1024xf32, #tpu.memory_space<vmem>> -> memref<1x56x1024xf32, #tpu.memory_space<vmem>>
    %dma_wait3A_297 = tpu.memref_squeeze %dma_wait3A_296 : memref<1x56x1024xf32, #tpu.memory_space<vmem>> -> memref<56x1024xf32, #tpu.memory_space<vmem>>
    %dma_wait3A_298 = arith.constant 280 : i32
    %dma_wait3A_299 = tpu.memref_slice %arg5[%dma_wait3A_298] : memref<1024xi32, #tpu.memory_space<vmem>> -> memref<56xi32, #tpu.memory_space<vmem>>
    %dma_wait3A_300 = arith.constant 0 : i32
    %dma_wait3A_301 = arith.constant 0 : i32
    %dma_wait3A_302 = tpu.memref_slice %arg2[%dma_wait3A_300, %dma_wait3A_301] : memref<8192x1024xf32, #tpu.memory_space<hbm>> -> memref<8192x1024xf32, #tpu.memory_space<hbm>>
    tpu.wait_indirect_dma semaphore(%arg8 : memref<!tpu.dma_semaphore, #tpu.memory_space<semaphore_mem>>) src(%dma_wait3A_302 : memref<8192x1024xf32, #tpu.memory_space<hbm>>) dst(%dma_wait3A_297 : memref<56x1024xf32, #tpu.memory_space<vmem>>)
    %add3A_303 = arith.constant 280 : i32
    %add3A_304 = arith.addi %mul3A_2, %add3A_303 : i32
    %dma_start3A_305 = arith.constant 1 : i32
    %dma_start3A_306 = arith.constant 0 : i32
    %dma_start3A_307 = arith.constant 0 : i32
    %dma_start3A_308 = tpu.memref_slice %arg6[%dma_start3A_305, %dma_start3A_306, %dma_start3A_307] : memref<2x56x1024xf32, #tpu.memory_space<vmem>> -> memref<1x56x1024xf32, #tpu.memory_space<vmem>>
    %dma_start3A_309 = tpu.memref_squeeze %dma_start3A_308 : memref<1x56x1024xf32, #tpu.memory_space<vmem>> -> memref<56x1024xf32, #tpu.memory_space<vmem>>
    %dma_start3A_310 = arith.constant 0 : i32
    %dma_start3A_311 = tpu.memref_slice %arg4[%add3A_304, %dma_start3A_310] : memref<32768x1024xf32, #tpu.memory_space<hbm>> -> memref<56x1024xf32, #tpu.memory_space<hbm>>
    %dma_start3A_312 = arith.constant 0 : i32
    %dma_start3A_313 = tpu.memref_slice %arg4[%add3A_304, %dma_start3A_312] : memref<32768x1024xf32, #tpu.memory_space<hbm>> -> memref<56x1024xf32, #tpu.memory_space<hbm>>
    %dma_start3A_314 = arith.constant 0 : i32
    %dma_start3A_315 = arith.constant 0 : i32
    %dma_start3A_316 = tpu.memref_slice %arg6[%dma_start3A_305, %dma_start3A_314, %dma_start3A_315] : memref<2x56x1024xf32, #tpu.memory_space<vmem>> -> memref<1x56x1024xf32, #tpu.memory_space<vmem>>
    %dma_start3A_317 = tpu.memref_squeeze %dma_start3A_316 : memref<1x56x1024xf32, #tpu.memory_space<vmem>> -> memref<56x1024xf32, #tpu.memory_space<vmem>>
    tpu.enqueue_dma source(%dma_start3A_317 : memref<56x1024xf32, #tpu.memory_space<vmem>>) target(%dma_start3A_313 : memref<56x1024xf32, #tpu.memory_space<hbm>>) target_semaphore(%arg10 : memref<!tpu.dma_semaphore, #tpu.memory_space<semaphore_mem>>)
    %dma_wait3A_318 = arith.constant 1 : i32
    %dma_wait3A_319 = arith.constant 0 : i32
    %dma_wait3A_320 = arith.constant 0 : i32
    %dma_wait3A_321 = tpu.memref_slice %arg6[%dma_wait3A_318, %dma_wait3A_319, %dma_wait3A_320] : memref<2x56x1024xf32, #tpu.memory_space<vmem>> -> memref<1x56x1024xf32, #tpu.memory_space<vmem>>
    %dma_wait3A_322 = tpu.memref_squeeze %dma_wait3A_321 : memref<1x56x1024xf32, #tpu.memory_space<vmem>> -> memref<56x1024xf32, #tpu.memory_space<vmem>>
    %dma_wait3A_323 = arith.constant 0 : i32
    %dma_wait3A_324 = tpu.memref_slice %arg4[%add3A_304, %dma_wait3A_323] : memref<32768x1024xf32, #tpu.memory_space<hbm>> -> memref<56x1024xf32, #tpu.memory_space<hbm>>
    %dma_wait3A_325 = arith.constant 0 : i32
    %dma_wait3A_326 = tpu.memref_slice %arg4[%add3A_304, %dma_wait3A_325] : memref<32768x1024xf32, #tpu.memory_space<hbm>> -> memref<56x1024xf32, #tpu.memory_space<hbm>>
    %dma_wait3A_327 = arith.constant 0 : i32
    %dma_wait3A_328 = arith.constant 0 : i32
    %dma_wait3A_329 = tpu.memref_slice %arg6[%dma_wait3A_318, %dma_wait3A_327, %dma_wait3A_328] : memref<2x56x1024xf32, #tpu.memory_space<vmem>> -> memref<1x56x1024xf32, #tpu.memory_space<vmem>>
    %dma_wait3A_330 = tpu.memref_squeeze %dma_wait3A_329 : memref<1x56x1024xf32, #tpu.memory_space<vmem>> -> memref<56x1024xf32, #tpu.memory_space<vmem>>
    tpu.wait_dma2 semaphore(%arg10 : memref<!tpu.dma_semaphore, #tpu.memory_space<semaphore_mem>>) src(%dma_wait3A_330 : memref<56x1024xf32, #tpu.memory_space<vmem>>) dst(%dma_wait3A_326 : memref<56x1024xf32, #tpu.memory_space<hbm>>)
    %dma_start3A_331 = arith.constant 1 : i32
    %dma_start3A_332 = arith.constant 0 : i32
    %dma_start3A_333 = arith.constant 0 : i32
    %dma_start3A_334 = tpu.memref_slice %arg6[%dma_start3A_331, %dma_start3A_332, %dma_start3A_333] : memref<2x56x1024xf32, #tpu.memory_space<vmem>> -> memref<1x56x1024xf32, #tpu.memory_space<vmem>>
    %dma_start3A_335 = tpu.memref_squeeze %dma_start3A_334 : memref<1x56x1024xf32, #tpu.memory_space<vmem>> -> memref<56x1024xf32, #tpu.memory_space<vmem>>
    %dma_start3A_336 = arith.constant 392 : i32
    %dma_start3A_337 = tpu.memref_slice %arg5[%dma_start3A_336] : memref<1024xi32, #tpu.memory_space<vmem>> -> memref<56xi32, #tpu.memory_space<vmem>>
    %dma_start3A_338 = arith.constant 0 : i32
    %dma_start3A_339 = arith.constant 0 : i32
    %dma_start3A_340 = tpu.memref_slice %arg2[%dma_start3A_338, %dma_start3A_339] : memref<8192x1024xf32, #tpu.memory_space<hbm>> -> memref<8192x1024xf32, #tpu.memory_space<hbm>>
    tpu.enqueue_indirect_dma source(%dma_start3A_340 : memref<8192x1024xf32, #tpu.memory_space<hbm>>) target(%dma_start3A_335 : memref<56x1024xf32, #tpu.memory_space<vmem>>) offsets(%dma_start3A_337 : memref<56xi32, #tpu.memory_space<vmem>>) semaphore(%arg8 : memref<!tpu.dma_semaphore, #tpu.memory_space<semaphore_mem>>)
    %dma_wait3A_341 = arith.constant 0 : i32
    %dma_wait3A_342 = arith.constant 0 : i32
    %dma_wait3A_343 = arith.constant 0 : i32
    %dma_wait3A_344 = tpu.memref_slice %arg6[%dma_wait3A_341, %dma_wait3A_342, %dma_wait3A_343] : memref<2x56x1024xf32, #tpu.memory_space<vmem>> -> memref<1x56x1024xf32, #tpu.memory_space<vmem>>
    %dma_wait3A_345 = tpu.memref_squeeze %dma_wait3A_344 : memref<1x56x1024xf32, #tpu.memory_space<vmem>> -> memref<56x1024xf32, #tpu.memory_space<vmem>>
    %dma_wait3A_346 = arith.constant 336 : i32
    %dma_wait3A_347 = tpu.memref_slice %arg5[%dma_wait3A_346] : memref<1024xi32, #tpu.memory_space<vmem>> -> memref<56xi32, #tpu.memory_space<vmem>>
    %dma_wait3A_348 = arith.constant 0 : i32
    %dma_wait3A_349 = arith.constant 0 : i32
    %dma_wait3A_350 = tpu.memref_slice %arg2[%dma_wait3A_348, %dma_wait3A_349] : memref<8192x1024xf32, #tpu.memory_space<hbm>> -> memref<8192x1024xf32, #tpu.memory_space<hbm>>
    tpu.wait_indirect_dma semaphore(%arg7 : memref<!tpu.dma_semaphore, #tpu.memory_space<semaphore_mem>>) src(%dma_wait3A_350 : memref<8192x1024xf32, #tpu.memory_space<hbm>>) dst(%dma_wait3A_345 : memref<56x1024xf32, #tpu.memory_space<vmem>>)
    %add3A_351 = arith.constant 336 : i32
    %add3A_352 = arith.addi %mul3A_2, %add3A_351 : i32
    %dma_start3A_353 = arith.constant 0 : i32
    %dma_start3A_354 = arith.constant 0 : i32
    %dma_start3A_355 = arith.constant 0 : i32
    %dma_start3A_356 = tpu.memref_slice %arg6[%dma_start3A_353, %dma_start3A_354, %dma_start3A_355] : memref<2x56x1024xf32, #tpu.memory_space<vmem>> -> memref<1x56x1024xf32, #tpu.memory_space<vmem>>
    %dma_start3A_357 = tpu.memref_squeeze %dma_start3A_356 : memref<1x56x1024xf32, #tpu.memory_space<vmem>> -> memref<56x1024xf32, #tpu.memory_space<vmem>>
    %dma_start3A_358 = arith.constant 0 : i32
    %dma_start3A_359 = tpu.memref_slice %arg4[%add3A_352, %dma_start3A_358] : memref<32768x1024xf32, #tpu.memory_space<hbm>> -> memref<56x1024xf32, #tpu.memory_space<hbm>>
    %dma_start3A_360 = arith.constant 0 : i32
    %dma_start3A_361 = tpu.memref_slice %arg4[%add3A_352, %dma_start3A_360] : memref<32768x1024xf32, #tpu.memory_space<hbm>> -> memref<56x1024xf32, #tpu.memory_space<hbm>>
    %dma_start3A_362 = arith.constant 0 : i32
    %dma_start3A_363 = arith.constant 0 : i32
    %dma_start3A_364 = tpu.memref_slice %arg6[%dma_start3A_353, %dma_start3A_362, %dma_start3A_363] : memref<2x56x1024xf32, #tpu.memory_space<vmem>> -> memref<1x56x1024xf32, #tpu.memory_space<vmem>>
    %dma_start3A_365 = tpu.memref_squeeze %dma_start3A_364 : memref<1x56x1024xf32, #tpu.memory_space<vmem>> -> memref<56x1024xf32, #tpu.memory_space<vmem>>
    tpu.enqueue_dma source(%dma_start3A_365 : memref<56x1024xf32, #tpu.memory_space<vmem>>) target(%dma_start3A_361 : memref<56x1024xf32, #tpu.memory_space<hbm>>) target_semaphore(%arg9 : memref<!tpu.dma_semaphore, #tpu.memory_space<semaphore_mem>>)
    %dma_wait3A_366 = arith.constant 0 : i32
    %dma_wait3A_367 = arith.constant 0 : i32
    %dma_wait3A_368 = arith.constant 0 : i32
    %dma_wait3A_369 = tpu.memref_slice %arg6[%dma_wait3A_366, %dma_wait3A_367, %dma_wait3A_368] : memref<2x56x1024xf32, #tpu.memory_space<vmem>> -> memref<1x56x1024xf32, #tpu.memory_space<vmem>>
    %dma_wait3A_370 = tpu.memref_squeeze %dma_wait3A_369 : memref<1x56x1024xf32, #tpu.memory_space<vmem>> -> memref<56x1024xf32, #tpu.memory_space<vmem>>
    %dma_wait3A_371 = arith.constant 0 : i32
    %dma_wait3A_372 = tpu.memref_slice %arg4[%add3A_352, %dma_wait3A_371] : memref<32768x1024xf32, #tpu.memory_space<hbm>> -> memref<56x1024xf32, #tpu.memory_space<hbm>>
    %dma_wait3A_373 = arith.constant 0 : i32
    %dma_wait3A_374 = tpu.memref_slice %arg4[%add3A_352, %dma_wait3A_373] : memref<32768x1024xf32, #tpu.memory_space<hbm>> -> memref<56x1024xf32, #tpu.memory_space<hbm>>
    %dma_wait3A_375 = arith.constant 0 : i32
    %dma_wait3A_376 = arith.constant 0 : i32
    %dma_wait3A_377 = tpu.memref_slice %arg6[%dma_wait3A_366, %dma_wait3A_375, %dma_wait3A_376] : memref<2x56x1024xf32, #tpu.memory_space<vmem>> -> memref<1x56x1024xf32, #tpu.memory_space<vmem>>
    %dma_wait3A_378 = tpu.memref_squeeze %dma_wait3A_377 : memref<1x56x1024xf32, #tpu.memory_space<vmem>> -> memref<56x1024xf32, #tpu.memory_space<vmem>>
    tpu.wait_dma2 semaphore(%arg9 : memref<!tpu.dma_semaphore, #tpu.memory_space<semaphore_mem>>) src(%dma_wait3A_378 : memref<56x1024xf32, #tpu.memory_space<vmem>>) dst(%dma_wait3A_374 : memref<56x1024xf32, #tpu.memory_space<hbm>>)
    %dma_start3A_379 = arith.constant 0 : i32
    %dma_start3A_380 = arith.constant 0 : i32
    %dma_start3A_381 = arith.constant 0 : i32
    %dma_start3A_382 = tpu.memref_slice %arg6[%dma_start3A_379, %dma_start3A_380, %dma_start3A_381] : memref<2x56x1024xf32, #tpu.memory_space<vmem>> -> memref<1x56x1024xf32, #tpu.memory_space<vmem>>
    %dma_start3A_383 = tpu.memref_squeeze %dma_start3A_382 : memref<1x56x1024xf32, #tpu.memory_space<vmem>> -> memref<56x1024xf32, #tpu.memory_space<vmem>>
    %dma_start3A_384 = arith.constant 448 : i32
    %dma_start3A_385 = tpu.memref_slice %arg5[%dma_start3A_384] : memref<1024xi32, #tpu.memory_space<vmem>> -> memref<56xi32, #tpu.memory_space<vmem>>
    %dma_start3A_386 = arith.constant 0 : i32
    %dma_start3A_387 = arith.constant 0 : i32
    %dma_start3A_388 = tpu.memref_slice %arg2[%dma_start3A_386, %dma_start3A_387] : memref<8192x1024xf32, #tpu.memory_space<hbm>> -> memref<8192x1024xf32, #tpu.memory_space<hbm>>
    tpu.enqueue_indirect_dma source(%dma_start3A_388 : memref<8192x1024xf32, #tpu.memory_space<hbm>>) target(%dma_start3A_383 : memref<56x1024xf32, #tpu.memory_space<vmem>>) offsets(%dma_start3A_385 : memref<56xi32, #tpu.memory_space<vmem>>) semaphore(%arg7 : memref<!tpu.dma_semaphore, #tpu.memory_space<semaphore_mem>>)
    %dma_wait3A_389 = arith.constant 1 : i32
    %dma_wait3A_390 = arith.constant 0 : i32
    %dma_wait3A_391 = arith.constant 0 : i32
    %dma_wait3A_392 = tpu.memref_slice %arg6[%dma_wait3A_389, %dma_wait3A_390, %dma_wait3A_391] : memref<2x56x1024xf32, #tpu.memory_space<vmem>> -> memref<1x56x1024xf32, #tpu.memory_space<vmem>>
    %dma_wait3A_393 = tpu.memref_squeeze %dma_wait3A_392 : memref<1x56x1024xf32, #tpu.memory_space<vmem>> -> memref<56x1024xf32, #tpu.memory_space<vmem>>
    %dma_wait3A_394 = arith.constant 392 : i32
    %dma_wait3A_395 = tpu.memref_slice %arg5[%dma_wait3A_394] : memref<1024xi32, #tpu.memory_space<vmem>> -> memref<56xi32, #tpu.memory_space<vmem>>
    %dma_wait3A_396 = arith.constant 0 : i32
    %dma_wait3A_397 = arith.constant 0 : i32
    %dma_wait3A_398 = tpu.memref_slice %arg2[%dma_wait3A_396, %dma_wait3A_397] : memref<8192x1024xf32, #tpu.memory_space<hbm>> -> memref<8192x1024xf32, #tpu.memory_space<hbm>>
    tpu.wait_indirect_dma semaphore(%arg8 : memref<!tpu.dma_semaphore, #tpu.memory_space<semaphore_mem>>) src(%dma_wait3A_398 : memref<8192x1024xf32, #tpu.memory_space<hbm>>) dst(%dma_wait3A_393 : memref<56x1024xf32, #tpu.memory_space<vmem>>)
    %add3A_399 = arith.constant 392 : i32
    %add3A_400 = arith.addi %mul3A_2, %add3A_399 : i32
    %dma_start3A_401 = arith.constant 1 : i32
    %dma_start3A_402 = arith.constant 0 : i32
    %dma_start3A_403 = arith.constant 0 : i32
    %dma_start3A_404 = tpu.memref_slice %arg6[%dma_start3A_401, %dma_start3A_402, %dma_start3A_403] : memref<2x56x1024xf32, #tpu.memory_space<vmem>> -> memref<1x56x1024xf32, #tpu.memory_space<vmem>>
    %dma_start3A_405 = tpu.memref_squeeze %dma_start3A_404 : memref<1x56x1024xf32, #tpu.memory_space<vmem>> -> memref<56x1024xf32, #tpu.memory_space<vmem>>
    %dma_start3A_406 = arith.constant 0 : i32
    %dma_start3A_407 = tpu.memref_slice %arg4[%add3A_400, %dma_start3A_406] : memref<32768x1024xf32, #tpu.memory_space<hbm>> -> memref<56x1024xf32, #tpu.memory_space<hbm>>
    %dma_start3A_408 = arith.constant 0 : i32
    %dma_start3A_409 = tpu.memref_slice %arg4[%add3A_400, %dma_start3A_408] : memref<32768x1024xf32, #tpu.memory_space<hbm>> -> memref<56x1024xf32, #tpu.memory_space<hbm>>
    %dma_start3A_410 = arith.constant 0 : i32
    %dma_start3A_411 = arith.constant 0 : i32
    %dma_start3A_412 = tpu.memref_slice %arg6[%dma_start3A_401, %dma_start3A_410, %dma_start3A_411] : memref<2x56x1024xf32, #tpu.memory_space<vmem>> -> memref<1x56x1024xf32, #tpu.memory_space<vmem>>
    %dma_start3A_413 = tpu.memref_squeeze %dma_start3A_412 : memref<1x56x1024xf32, #tpu.memory_space<vmem>> -> memref<56x1024xf32, #tpu.memory_space<vmem>>
    tpu.enqueue_dma source(%dma_start3A_413 : memref<56x1024xf32, #tpu.memory_space<vmem>>) target(%dma_start3A_409 : memref<56x1024xf32, #tpu.memory_space<hbm>>) target_semaphore(%arg10 : memref<!tpu.dma_semaphore, #tpu.memory_space<semaphore_mem>>)
    %dma_wait3A_414 = arith.constant 1 : i32
    %dma_wait3A_415 = arith.constant 0 : i32
    %dma_wait3A_416 = arith.constant 0 : i32
    %dma_wait3A_417 = tpu.memref_slice %arg6[%dma_wait3A_414, %dma_wait3A_415, %dma_wait3A_416] : memref<2x56x1024xf32, #tpu.memory_space<vmem>> -> memref<1x56x1024xf32, #tpu.memory_space<vmem>>
    %dma_wait3A_418 = tpu.memref_squeeze %dma_wait3A_417 : memref<1x56x1024xf32, #tpu.memory_space<vmem>> -> memref<56x1024xf32, #tpu.memory_space<vmem>>
    %dma_wait3A_419 = arith.constant 0 : i32
    %dma_wait3A_420 = tpu.memref_slice %arg4[%add3A_400, %dma_wait3A_419] : memref<32768x1024xf32, #tpu.memory_space<hbm>> -> memref<56x1024xf32, #tpu.memory_space<hbm>>
    %dma_wait3A_421 = arith.constant 0 : i32
    %dma_wait3A_422 = tpu.memref_slice %arg4[%add3A_400, %dma_wait3A_421] : memref<32768x1024xf32, #tpu.memory_space<hbm>> -> memref<56x1024xf32, #tpu.memory_space<hbm>>
    %dma_wait3A_423 = arith.constant 0 : i32
    %dma_wait3A_424 = arith.constant 0 : i32
    %dma_wait3A_425 = tpu.memref_slice %arg6[%dma_wait3A_414, %dma_wait3A_423, %dma_wait3A_424] : memref<2x56x1024xf32, #tpu.memory_space<vmem>> -> memref<1x56x1024xf32, #tpu.memory_space<vmem>>
    %dma_wait3A_426 = tpu.memref_squeeze %dma_wait3A_425 : memref<1x56x1024xf32, #tpu.memory_space<vmem>> -> memref<56x1024xf32, #tpu.memory_space<vmem>>
    tpu.wait_dma2 semaphore(%arg10 : memref<!tpu.dma_semaphore, #tpu.memory_space<semaphore_mem>>) src(%dma_wait3A_426 : memref<56x1024xf32, #tpu.memory_space<vmem>>) dst(%dma_wait3A_422 : memref<56x1024xf32, #tpu.memory_space<hbm>>)
    %dma_start3A_427 = arith.constant 1 : i32
    %dma_start3A_428 = arith.constant 0 : i32
    %dma_start3A_429 = arith.constant 0 : i32
    %dma_start3A_430 = tpu.memref_slice %arg6[%dma_start3A_427, %dma_start3A_428, %dma_start3A_429] : memref<2x56x1024xf32, #tpu.memory_space<vmem>> -> memref<1x56x1024xf32, #tpu.memory_space<vmem>>
    %dma_start3A_431 = tpu.memref_squeeze %dma_start3A_430 : memref<1x56x1024xf32, #tpu.memory_space<vmem>> -> memref<56x1024xf32, #tpu.memory_space<vmem>>
    %dma_start3A_432 = arith.constant 504 : i32
    %dma_start3A_433 = tpu.memref_slice %arg5[%dma_start3A_432] : memref<1024xi32, #tpu.memory_space<vmem>> -> memref<56xi32, #tpu.memory_space<vmem>>
    %dma_start3A_434 = arith.constant 0 : i32
    %dma_start3A_435 = arith.constant 0 : i32
    %dma_start3A_436 = tpu.memref_slice %arg2[%dma_start3A_434, %dma_start3A_435] : memref<8192x1024xf32, #tpu.memory_space<hbm>> -> memref<8192x1024xf32, #tpu.memory_space<hbm>>
    tpu.enqueue_indirect_dma source(%dma_start3A_436 : memref<8192x1024xf32, #tpu.memory_space<hbm>>) target(%dma_start3A_431 : memref<56x1024xf32, #tpu.memory_space<vmem>>) offsets(%dma_start3A_433 : memref<56xi32, #tpu.memory_space<vmem>>) semaphore(%arg8 : memref<!tpu.dma_semaphore, #tpu.memory_space<semaphore_mem>>)
    %dma_wait3A_437 = arith.constant 0 : i32
    %dma_wait3A_438 = arith.constant 0 : i32
    %dma_wait3A_439 = arith.constant 0 : i32
    %dma_wait3A_440 = tpu.memref_slice %arg6[%dma_wait3A_437, %dma_wait3A_438, %dma_wait3A_439] : memref<2x56x1024xf32, #tpu.memory_space<vmem>> -> memref<1x56x1024xf32, #tpu.memory_space<vmem>>
    %dma_wait3A_441 = tpu.memref_squeeze %dma_wait3A_440 : memref<1x56x1024xf32, #tpu.memory_space<vmem>> -> memref<56x1024xf32, #tpu.memory_space<vmem>>
    %dma_wait3A_442 = arith.constant 448 : i32
    %dma_wait3A_443 = tpu.memref_slice %arg5[%dma_wait3A_442] : memref<1024xi32, #tpu.memory_space<vmem>> -> memref<56xi32, #tpu.memory_space<vmem>>
    %dma_wait3A_444 = arith.constant 0 : i32
    %dma_wait3A_445 = arith.constant 0 : i32
    %dma_wait3A_446 = tpu.memref_slice %arg2[%dma_wait3A_444, %dma_wait3A_445] : memref<8192x1024xf32, #tpu.memory_space<hbm>> -> memref<8192x1024xf32, #tpu.memory_space<hbm>>
    tpu.wait_indirect_dma semaphore(%arg7 : memref<!tpu.dma_semaphore, #tpu.memory_space<semaphore_mem>>) src(%dma_wait3A_446 : memref<8192x1024xf32, #tpu.memory_space<hbm>>) dst(%dma_wait3A_441 : memref<56x1024xf32, #tpu.memory_space<vmem>>)
    %add3A_447 = arith.constant 448 : i32
    %add3A_448 = arith.addi %mul3A_2, %add3A_447 : i32
    %dma_start3A_449 = arith.constant 0 : i32
    %dma_start3A_450 = arith.constant 0 : i32
    %dma_start3A_451 = arith.constant 0 : i32
    %dma_start3A_452 = tpu.memref_slice %arg6[%dma_start3A_449, %dma_start3A_450, %dma_start3A_451] : memref<2x56x1024xf32, #tpu.memory_space<vmem>> -> memref<1x56x1024xf32, #tpu.memory_space<vmem>>
    %dma_start3A_453 = tpu.memref_squeeze %dma_start3A_452 : memref<1x56x1024xf32, #tpu.memory_space<vmem>> -> memref<56x1024xf32, #tpu.memory_space<vmem>>
    %dma_start3A_454 = arith.constant 0 : i32
    %dma_start3A_455 = tpu.memref_slice %arg4[%add3A_448, %dma_start3A_454] : memref<32768x1024xf32, #tpu.memory_space<hbm>> -> memref<56x1024xf32, #tpu.memory_space<hbm>>
    %dma_start3A_456 = arith.constant 0 : i32
    %dma_start3A_457 = tpu.memref_slice %arg4[%add3A_448, %dma_start3A_456] : memref<32768x1024xf32, #tpu.memory_space<hbm>> -> memref<56x1024xf32, #tpu.memory_space<hbm>>
    %dma_start3A_458 = arith.constant 0 : i32
    %dma_start3A_459 = arith.constant 0 : i32
    %dma_start3A_460 = tpu.memref_slice %arg6[%dma_start3A_449, %dma_start3A_458, %dma_start3A_459] : memref<2x56x1024xf32, #tpu.memory_space<vmem>> -> memref<1x56x1024xf32, #tpu.memory_space<vmem>>
    %dma_start3A_461 = tpu.memref_squeeze %dma_start3A_460 : memref<1x56x1024xf32, #tpu.memory_space<vmem>> -> memref<56x1024xf32, #tpu.memory_space<vmem>>
    tpu.enqueue_dma source(%dma_start3A_461 : memref<56x1024xf32, #tpu.memory_space<vmem>>) target(%dma_start3A_457 : memref<56x1024xf32, #tpu.memory_space<hbm>>) target_semaphore(%arg9 : memref<!tpu.dma_semaphore, #tpu.memory_space<semaphore_mem>>)
    %dma_wait3A_462 = arith.constant 0 : i32
    %dma_wait3A_463 = arith.constant 0 : i32
    %dma_wait3A_464 = arith.constant 0 : i32
    %dma_wait3A_465 = tpu.memref_slice %arg6[%dma_wait3A_462, %dma_wait3A_463, %dma_wait3A_464] : memref<2x56x1024xf32, #tpu.memory_space<vmem>> -> memref<1x56x1024xf32, #tpu.memory_space<vmem>>
    %dma_wait3A_466 = tpu.memref_squeeze %dma_wait3A_465 : memref<1x56x1024xf32, #tpu.memory_space<vmem>> -> memref<56x1024xf32, #tpu.memory_space<vmem>>
    %dma_wait3A_467 = arith.constant 0 : i32
    %dma_wait3A_468 = tpu.memref_slice %arg4[%add3A_448, %dma_wait3A_467] : memref<32768x1024xf32, #tpu.memory_space<hbm>> -> memref<56x1024xf32, #tpu.memory_space<hbm>>
    %dma_wait3A_469 = arith.constant 0 : i32
    %dma_wait3A_470 = tpu.memref_slice %arg4[%add3A_448, %dma_wait3A_469] : memref<32768x1024xf32, #tpu.memory_space<hbm>> -> memref<56x1024xf32, #tpu.memory_space<hbm>>
    %dma_wait3A_471 = arith.constant 0 : i32
    %dma_wait3A_472 = arith.constant 0 : i32
    %dma_wait3A_473 = tpu.memref_slice %arg6[%dma_wait3A_462, %dma_wait3A_471, %dma_wait3A_472] : memref<2x56x1024xf32, #tpu.memory_space<vmem>> -> memref<1x56x1024xf32, #tpu.memory_space<vmem>>
    %dma_wait3A_474 = tpu.memref_squeeze %dma_wait3A_473 : memref<1x56x1024xf32, #tpu.memory_space<vmem>> -> memref<56x1024xf32, #tpu.memory_space<vmem>>
    tpu.wait_dma2 semaphore(%arg9 : memref<!tpu.dma_semaphore, #tpu.memory_space<semaphore_mem>>) src(%dma_wait3A_474 : memref<56x1024xf32, #tpu.memory_space<vmem>>) dst(%dma_wait3A_470 : memref<56x1024xf32, #tpu.memory_space<hbm>>)
    %dma_start3A_475 = arith.constant 0 : i32
    %dma_start3A_476 = arith.constant 0 : i32
    %dma_start3A_477 = arith.constant 0 : i32
    %dma_start3A_478 = tpu.memref_slice %arg6[%dma_start3A_475, %dma_start3A_476, %dma_start3A_477] : memref<2x56x1024xf32, #tpu.memory_space<vmem>> -> memref<1x56x1024xf32, #tpu.memory_space<vmem>>
    %dma_start3A_479 = tpu.memref_squeeze %dma_start3A_478 : memref<1x56x1024xf32, #tpu.memory_space<vmem>> -> memref<56x1024xf32, #tpu.memory_space<vmem>>
    %dma_start3A_480 = arith.constant 560 : i32
    %dma_start3A_481 = tpu.memref_slice %arg5[%dma_start3A_480] : memref<1024xi32, #tpu.memory_space<vmem>> -> memref<56xi32, #tpu.memory_space<vmem>>
    %dma_start3A_482 = arith.constant 0 : i32
    %dma_start3A_483 = arith.constant 0 : i32
    %dma_start3A_484 = tpu.memref_slice %arg2[%dma_start3A_482, %dma_start3A_483] : memref<8192x1024xf32, #tpu.memory_space<hbm>> -> memref<8192x1024xf32, #tpu.memory_space<hbm>>
    tpu.enqueue_indirect_dma source(%dma_start3A_484 : memref<8192x1024xf32, #tpu.memory_space<hbm>>) target(%dma_start3A_479 : memref<56x1024xf32, #tpu.memory_space<vmem>>) offsets(%dma_start3A_481 : memref<56xi32, #tpu.memory_space<vmem>>) semaphore(%arg7 : memref<!tpu.dma_semaphore, #tpu.memory_space<semaphore_mem>>)
    %dma_wait3A_485 = arith.constant 1 : i32
    %dma_wait3A_486 = arith.constant 0 : i32
    %dma_wait3A_487 = arith.constant 0 : i32
    %dma_wait3A_488 = tpu.memref_slice %arg6[%dma_wait3A_485, %dma_wait3A_486, %dma_wait3A_487] : memref<2x56x1024xf32, #tpu.memory_space<vmem>> -> memref<1x56x1024xf32, #tpu.memory_space<vmem>>
    %dma_wait3A_489 = tpu.memref_squeeze %dma_wait3A_488 : memref<1x56x1024xf32, #tpu.memory_space<vmem>> -> memref<56x1024xf32, #tpu.memory_space<vmem>>
    %dma_wait3A_490 = arith.constant 504 : i32
    %dma_wait3A_491 = tpu.memref_slice %arg5[%dma_wait3A_490] : memref<1024xi32, #tpu.memory_space<vmem>> -> memref<56xi32, #tpu.memory_space<vmem>>
    %dma_wait3A_492 = arith.constant 0 : i32
    %dma_wait3A_493 = arith.constant 0 : i32
    %dma_wait3A_494 = tpu.memref_slice %arg2[%dma_wait3A_492, %dma_wait3A_493] : memref<8192x1024xf32, #tpu.memory_space<hbm>> -> memref<8192x1024xf32, #tpu.memory_space<hbm>>
    tpu.wait_indirect_dma semaphore(%arg8 : memref<!tpu.dma_semaphore, #tpu.memory_space<semaphore_mem>>) src(%dma_wait3A_494 : memref<8192x1024xf32, #tpu.memory_space<hbm>>) dst(%dma_wait3A_489 : memref<56x1024xf32, #tpu.memory_space<vmem>>)
    %add3A_495 = arith.constant 504 : i32
    %add3A_496 = arith.addi %mul3A_2, %add3A_495 : i32
    %dma_start3A_497 = arith.constant 1 : i32
    %dma_start3A_498 = arith.constant 0 : i32
    %dma_start3A_499 = arith.constant 0 : i32
    %dma_start3A_500 = tpu.memref_slice %arg6[%dma_start3A_497, %dma_start3A_498, %dma_start3A_499] : memref<2x56x1024xf32, #tpu.memory_space<vmem>> -> memref<1x56x1024xf32, #tpu.memory_space<vmem>>
    %dma_start3A_501 = tpu.memref_squeeze %dma_start3A_500 : memref<1x56x1024xf32, #tpu.memory_space<vmem>> -> memref<56x1024xf32, #tpu.memory_space<vmem>>
    %dma_start3A_502 = arith.constant 0 : i32
    %dma_start3A_503 = tpu.memref_slice %arg4[%add3A_496, %dma_start3A_502] : memref<32768x1024xf32, #tpu.memory_space<hbm>> -> memref<56x1024xf32, #tpu.memory_space<hbm>>
    %dma_start3A_504 = arith.constant 0 : i32
    %dma_start3A_505 = tpu.memref_slice %arg4[%add3A_496, %dma_start3A_504] : memref<32768x1024xf32, #tpu.memory_space<hbm>> -> memref<56x1024xf32, #tpu.memory_space<hbm>>
    %dma_start3A_506 = arith.constant 0 : i32
    %dma_start3A_507 = arith.constant 0 : i32
    %dma_start3A_508 = tpu.memref_slice %arg6[%dma_start3A_497, %dma_start3A_506, %dma_start3A_507] : memref<2x56x1024xf32, #tpu.memory_space<vmem>> -> memref<1x56x1024xf32, #tpu.memory_space<vmem>>
    %dma_start3A_509 = tpu.memref_squeeze %dma_start3A_508 : memref<1x56x1024xf32, #tpu.memory_space<vmem>> -> memref<56x1024xf32, #tpu.memory_space<vmem>>
    tpu.enqueue_dma source(%dma_start3A_509 : memref<56x1024xf32, #tpu.memory_space<vmem>>) target(%dma_start3A_505 : memref<56x1024xf32, #tpu.memory_space<hbm>>) target_semaphore(%arg10 : memref<!tpu.dma_semaphore, #tpu.memory_space<semaphore_mem>>)
    %dma_wait3A_510 = arith.constant 1 : i32
    %dma_wait3A_511 = arith.constant 0 : i32
    %dma_wait3A_512 = arith.constant 0 : i32
    %dma_wait3A_513 = tpu.memref_slice %arg6[%dma_wait3A_510, %dma_wait3A_511, %dma_wait3A_512] : memref<2x56x1024xf32, #tpu.memory_space<vmem>> -> memref<1x56x1024xf32, #tpu.memory_space<vmem>>
    %dma_wait3A_514 = tpu.memref_squeeze %dma_wait3A_513 : memref<1x56x1024xf32, #tpu.memory_space<vmem>> -> memref<56x1024xf32, #tpu.memory_space<vmem>>
    %dma_wait3A_515 = arith.constant 0 : i32
    %dma_wait3A_516 = tpu.memref_slice %arg4[%add3A_496, %dma_wait3A_515] : memref<32768x1024xf32, #tpu.memory_space<hbm>> -> memref<56x1024xf32, #tpu.memory_space<hbm>>
    %dma_wait3A_517 = arith.constant 0 : i32
    %dma_wait3A_518 = tpu.memref_slice %arg4[%add3A_496, %dma_wait3A_517] : memref<32768x1024xf32, #tpu.memory_space<hbm>> -> memref<56x1024xf32, #tpu.memory_space<hbm>>
    %dma_wait3A_519 = arith.constant 0 : i32
    %dma_wait3A_520 = arith.constant 0 : i32
    %dma_wait3A_521 = tpu.memref_slice %arg6[%dma_wait3A_510, %dma_wait3A_519, %dma_wait3A_520] : memref<2x56x1024xf32, #tpu.memory_space<vmem>> -> memref<1x56x1024xf32, #tpu.memory_space<vmem>>
    %dma_wait3A_522 = tpu.memref_squeeze %dma_wait3A_521 : memref<1x56x1024xf32, #tpu.memory_space<vmem>> -> memref<56x1024xf32, #tpu.memory_space<vmem>>
    tpu.wait_dma2 semaphore(%arg10 : memref<!tpu.dma_semaphore, #tpu.memory_space<semaphore_mem>>) src(%dma_wait3A_522 : memref<56x1024xf32, #tpu.memory_space<vmem>>) dst(%dma_wait3A_518 : memref<56x1024xf32, #tpu.memory_space<hbm>>)
    %dma_start3A_523 = arith.constant 1 : i32
    %dma_start3A_524 = arith.constant 0 : i32
    %dma_start3A_525 = arith.constant 0 : i32
    %dma_start3A_526 = tpu.memref_slice %arg6[%dma_start3A_523, %dma_start3A_524, %dma_start3A_525] : memref<2x56x1024xf32, #tpu.memory_space<vmem>> -> memref<1x56x1024xf32, #tpu.memory_space<vmem>>
    %dma_start3A_527 = tpu.memref_squeeze %dma_start3A_526 : memref<1x56x1024xf32, #tpu.memory_space<vmem>> -> memref<56x1024xf32, #tpu.memory_space<vmem>>
    %dma_start3A_528 = arith.constant 616 : i32
    %dma_start3A_529 = tpu.memref_slice %arg5[%dma_start3A_528] : memref<1024xi32, #tpu.memory_space<vmem>> -> memref<56xi32, #tpu.memory_space<vmem>>
    %dma_start3A_530 = arith.constant 0 : i32
    %dma_start3A_531 = arith.constant 0 : i32
    %dma_start3A_532 = tpu.memref_slice %arg2[%dma_start3A_530, %dma_start3A_531] : memref<8192x1024xf32, #tpu.memory_space<hbm>> -> memref<8192x1024xf32, #tpu.memory_space<hbm>>
    tpu.enqueue_indirect_dma source(%dma_start3A_532 : memref<8192x1024xf32, #tpu.memory_space<hbm>>) target(%dma_start3A_527 : memref<56x1024xf32, #tpu.memory_space<vmem>>) offsets(%dma_start3A_529 : memref<56xi32, #tpu.memory_space<vmem>>) semaphore(%arg8 : memref<!tpu.dma_semaphore, #tpu.memory_space<semaphore_mem>>)
    %dma_wait3A_533 = arith.constant 0 : i32
    %dma_wait3A_534 = arith.constant 0 : i32
    %dma_wait3A_535 = arith.constant 0 : i32
    %dma_wait3A_536 = tpu.memref_slice %arg6[%dma_wait3A_533, %dma_wait3A_534, %dma_wait3A_535] : memref<2x56x1024xf32, #tpu.memory_space<vmem>> -> memref<1x56x1024xf32, #tpu.memory_space<vmem>>
    %dma_wait3A_537 = tpu.memref_squeeze %dma_wait3A_536 : memref<1x56x1024xf32, #tpu.memory_space<vmem>> -> memref<56x1024xf32, #tpu.memory_space<vmem>>
    %dma_wait3A_538 = arith.constant 560 : i32
    %dma_wait3A_539 = tpu.memref_slice %arg5[%dma_wait3A_538] : memref<1024xi32, #tpu.memory_space<vmem>> -> memref<56xi32, #tpu.memory_space<vmem>>
    %dma_wait3A_540 = arith.constant 0 : i32
    %dma_wait3A_541 = arith.constant 0 : i32
    %dma_wait3A_542 = tpu.memref_slice %arg2[%dma_wait3A_540, %dma_wait3A_541] : memref<8192x1024xf32, #tpu.memory_space<hbm>> -> memref<8192x1024xf32, #tpu.memory_space<hbm>>
    tpu.wait_indirect_dma semaphore(%arg7 : memref<!tpu.dma_semaphore, #tpu.memory_space<semaphore_mem>>) src(%dma_wait3A_542 : memref<8192x1024xf32, #tpu.memory_space<hbm>>) dst(%dma_wait3A_537 : memref<56x1024xf32, #tpu.memory_space<vmem>>)
    %add3A_543 = arith.constant 560 : i32
    %add3A_544 = arith.addi %mul3A_2, %add3A_543 : i32
    %dma_start3A_545 = arith.constant 0 : i32
    %dma_start3A_546 = arith.constant 0 : i32
    %dma_start3A_547 = arith.constant 0 : i32
    %dma_start3A_548 = tpu.memref_slice %arg6[%dma_start3A_545, %dma_start3A_546, %dma_start3A_547] : memref<2x56x1024xf32, #tpu.memory_space<vmem>> -> memref<1x56x1024xf32, #tpu.memory_space<vmem>>
    %dma_start3A_549 = tpu.memref_squeeze %dma_start3A_548 : memref<1x56x1024xf32, #tpu.memory_space<vmem>> -> memref<56x1024xf32, #tpu.memory_space<vmem>>
    %dma_start3A_550 = arith.constant 0 : i32
    %dma_start3A_551 = tpu.memref_slice %arg4[%add3A_544, %dma_start3A_550] : memref<32768x1024xf32, #tpu.memory_space<hbm>> -> memref<56x1024xf32, #tpu.memory_space<hbm>>
    %dma_start3A_552 = arith.constant 0 : i32
    %dma_start3A_553 = tpu.memref_slice %arg4[%add3A_544, %dma_start3A_552] : memref<32768x1024xf32, #tpu.memory_space<hbm>> -> memref<56x1024xf32, #tpu.memory_space<hbm>>
    %dma_start3A_554 = arith.constant 0 : i32
    %dma_start3A_555 = arith.constant 0 : i32
    %dma_start3A_556 = tpu.memref_slice %arg6[%dma_start3A_545, %dma_start3A_554, %dma_start3A_555] : memref<2x56x1024xf32, #tpu.memory_space<vmem>> -> memref<1x56x1024xf32, #tpu.memory_space<vmem>>
    %dma_start3A_557 = tpu.memref_squeeze %dma_start3A_556 : memref<1x56x1024xf32, #tpu.memory_space<vmem>> -> memref<56x1024xf32, #tpu.memory_space<vmem>>
    tpu.enqueue_dma source(%dma_start3A_557 : memref<56x1024xf32, #tpu.memory_space<vmem>>) target(%dma_start3A_553 : memref<56x1024xf32, #tpu.memory_space<hbm>>) target_semaphore(%arg9 : memref<!tpu.dma_semaphore, #tpu.memory_space<semaphore_mem>>)
    %dma_wait3A_558 = arith.constant 0 : i32
    %dma_wait3A_559 = arith.constant 0 : i32
    %dma_wait3A_560 = arith.constant 0 : i32
    %dma_wait3A_561 = tpu.memref_slice %arg6[%dma_wait3A_558, %dma_wait3A_559, %dma_wait3A_560] : memref<2x56x1024xf32, #tpu.memory_space<vmem>> -> memref<1x56x1024xf32, #tpu.memory_space<vmem>>
    %dma_wait3A_562 = tpu.memref_squeeze %dma_wait3A_561 : memref<1x56x1024xf32, #tpu.memory_space<vmem>> -> memref<56x1024xf32, #tpu.memory_space<vmem>>
    %dma_wait3A_563 = arith.constant 0 : i32
    %dma_wait3A_564 = tpu.memref_slice %arg4[%add3A_544, %dma_wait3A_563] : memref<32768x1024xf32, #tpu.memory_space<hbm>> -> memref<56x1024xf32, #tpu.memory_space<hbm>>
    %dma_wait3A_565 = arith.constant 0 : i32
    %dma_wait3A_566 = tpu.memref_slice %arg4[%add3A_544, %dma_wait3A_565] : memref<32768x1024xf32, #tpu.memory_space<hbm>> -> memref<56x1024xf32, #tpu.memory_space<hbm>>
    %dma_wait3A_567 = arith.constant 0 : i32
    %dma_wait3A_568 = arith.constant 0 : i32
    %dma_wait3A_569 = tpu.memref_slice %arg6[%dma_wait3A_558, %dma_wait3A_567, %dma_wait3A_568] : memref<2x56x1024xf32, #tpu.memory_space<vmem>> -> memref<1x56x1024xf32, #tpu.memory_space<vmem>>
    %dma_wait3A_570 = tpu.memref_squeeze %dma_wait3A_569 : memref<1x56x1024xf32, #tpu.memory_space<vmem>> -> memref<56x1024xf32, #tpu.memory_space<vmem>>
    tpu.wait_dma2 semaphore(%arg9 : memref<!tpu.dma_semaphore, #tpu.memory_space<semaphore_mem>>) src(%dma_wait3A_570 : memref<56x1024xf32, #tpu.memory_space<vmem>>) dst(%dma_wait3A_566 : memref<56x1024xf32, #tpu.memory_space<hbm>>)
    %dma_start3A_571 = arith.constant 0 : i32
    %dma_start3A_572 = arith.constant 0 : i32
    %dma_start3A_573 = arith.constant 0 : i32
    %dma_start3A_574 = tpu.memref_slice %arg6[%dma_start3A_571, %dma_start3A_572, %dma_start3A_573] : memref<2x56x1024xf32, #tpu.memory_space<vmem>> -> memref<1x56x1024xf32, #tpu.memory_space<vmem>>
    %dma_start3A_575 = tpu.memref_squeeze %dma_start3A_574 : memref<1x56x1024xf32, #tpu.memory_space<vmem>> -> memref<56x1024xf32, #tpu.memory_space<vmem>>
    %dma_start3A_576 = arith.constant 672 : i32
    %dma_start3A_577 = tpu.memref_slice %arg5[%dma_start3A_576] : memref<1024xi32, #tpu.memory_space<vmem>> -> memref<56xi32, #tpu.memory_space<vmem>>
    %dma_start3A_578 = arith.constant 0 : i32
    %dma_start3A_579 = arith.constant 0 : i32
    %dma_start3A_580 = tpu.memref_slice %arg2[%dma_start3A_578, %dma_start3A_579] : memref<8192x1024xf32, #tpu.memory_space<hbm>> -> memref<8192x1024xf32, #tpu.memory_space<hbm>>
    tpu.enqueue_indirect_dma source(%dma_start3A_580 : memref<8192x1024xf32, #tpu.memory_space<hbm>>) target(%dma_start3A_575 : memref<56x1024xf32, #tpu.memory_space<vmem>>) offsets(%dma_start3A_577 : memref<56xi32, #tpu.memory_space<vmem>>) semaphore(%arg7 : memref<!tpu.dma_semaphore, #tpu.memory_space<semaphore_mem>>)
    %dma_wait3A_581 = arith.constant 1 : i32
    %dma_wait3A_582 = arith.constant 0 : i32
    %dma_wait3A_583 = arith.constant 0 : i32
    %dma_wait3A_584 = tpu.memref_slice %arg6[%dma_wait3A_581, %dma_wait3A_582, %dma_wait3A_583] : memref<2x56x1024xf32, #tpu.memory_space<vmem>> -> memref<1x56x1024xf32, #tpu.memory_space<vmem>>
    %dma_wait3A_585 = tpu.memref_squeeze %dma_wait3A_584 : memref<1x56x1024xf32, #tpu.memory_space<vmem>> -> memref<56x1024xf32, #tpu.memory_space<vmem>>
    %dma_wait3A_586 = arith.constant 616 : i32
    %dma_wait3A_587 = tpu.memref_slice %arg5[%dma_wait3A_586] : memref<1024xi32, #tpu.memory_space<vmem>> -> memref<56xi32, #tpu.memory_space<vmem>>
    %dma_wait3A_588 = arith.constant 0 : i32
    %dma_wait3A_589 = arith.constant 0 : i32
    %dma_wait3A_590 = tpu.memref_slice %arg2[%dma_wait3A_588, %dma_wait3A_589] : memref<8192x1024xf32, #tpu.memory_space<hbm>> -> memref<8192x1024xf32, #tpu.memory_space<hbm>>
    tpu.wait_indirect_dma semaphore(%arg8 : memref<!tpu.dma_semaphore, #tpu.memory_space<semaphore_mem>>) src(%dma_wait3A_590 : memref<8192x1024xf32, #tpu.memory_space<hbm>>) dst(%dma_wait3A_585 : memref<56x1024xf32, #tpu.memory_space<vmem>>)
    %add3A_591 = arith.constant 616 : i32
    %add3A_592 = arith.addi %mul3A_2, %add3A_591 : i32
    %dma_start3A_593 = arith.constant 1 : i32
    %dma_start3A_594 = arith.constant 0 : i32
    %dma_start3A_595 = arith.constant 0 : i32
    %dma_start3A_596 = tpu.memref_slice %arg6[%dma_start3A_593, %dma_start3A_594, %dma_start3A_595] : memref<2x56x1024xf32, #tpu.memory_space<vmem>> -> memref<1x56x1024xf32, #tpu.memory_space<vmem>>
    %dma_start3A_597 = tpu.memref_squeeze %dma_start3A_596 : memref<1x56x1024xf32, #tpu.memory_space<vmem>> -> memref<56x1024xf32, #tpu.memory_space<vmem>>
    %dma_start3A_598 = arith.constant 0 : i32
    %dma_start3A_599 = tpu.memref_slice %arg4[%add3A_592, %dma_start3A_598] : memref<32768x1024xf32, #tpu.memory_space<hbm>> -> memref<56x1024xf32, #tpu.memory_space<hbm>>
    %dma_start3A_600 = arith.constant 0 : i32
    %dma_start3A_601 = tpu.memref_slice %arg4[%add3A_592, %dma_start3A_600] : memref<32768x1024xf32, #tpu.memory_space<hbm>> -> memref<56x1024xf32, #tpu.memory_space<hbm>>
    %dma_start3A_602 = arith.constant 0 : i32
    %dma_start3A_603 = arith.constant 0 : i32
    %dma_start3A_604 = tpu.memref_slice %arg6[%dma_start3A_593, %dma_start3A_602, %dma_start3A_603] : memref<2x56x1024xf32, #tpu.memory_space<vmem>> -> memref<1x56x1024xf32, #tpu.memory_space<vmem>>
    %dma_start3A_605 = tpu.memref_squeeze %dma_start3A_604 : memref<1x56x1024xf32, #tpu.memory_space<vmem>> -> memref<56x1024xf32, #tpu.memory_space<vmem>>
    tpu.enqueue_dma source(%dma_start3A_605 : memref<56x1024xf32, #tpu.memory_space<vmem>>) target(%dma_start3A_601 : memref<56x1024xf32, #tpu.memory_space<hbm>>) target_semaphore(%arg10 : memref<!tpu.dma_semaphore, #tpu.memory_space<semaphore_mem>>)
    %dma_wait3A_606 = arith.constant 1 : i32
    %dma_wait3A_607 = arith.constant 0 : i32
    %dma_wait3A_608 = arith.constant 0 : i32
    %dma_wait3A_609 = tpu.memref_slice %arg6[%dma_wait3A_606, %dma_wait3A_607, %dma_wait3A_608] : memref<2x56x1024xf32, #tpu.memory_space<vmem>> -> memref<1x56x1024xf32, #tpu.memory_space<vmem>>
    %dma_wait3A_610 = tpu.memref_squeeze %dma_wait3A_609 : memref<1x56x1024xf32, #tpu.memory_space<vmem>> -> memref<56x1024xf32, #tpu.memory_space<vmem>>
    %dma_wait3A_611 = arith.constant 0 : i32
    %dma_wait3A_612 = tpu.memref_slice %arg4[%add3A_592, %dma_wait3A_611] : memref<32768x1024xf32, #tpu.memory_space<hbm>> -> memref<56x1024xf32, #tpu.memory_space<hbm>>
    %dma_wait3A_613 = arith.constant 0 : i32
    %dma_wait3A_614 = tpu.memref_slice %arg4[%add3A_592, %dma_wait3A_613] : memref<32768x1024xf32, #tpu.memory_space<hbm>> -> memref<56x1024xf32, #tpu.memory_space<hbm>>
    %dma_wait3A_615 = arith.constant 0 : i32
    %dma_wait3A_616 = arith.constant 0 : i32
    %dma_wait3A_617 = tpu.memref_slice %arg6[%dma_wait3A_606, %dma_wait3A_615, %dma_wait3A_616] : memref<2x56x1024xf32, #tpu.memory_space<vmem>> -> memref<1x56x1024xf32, #tpu.memory_space<vmem>>
    %dma_wait3A_618 = tpu.memref_squeeze %dma_wait3A_617 : memref<1x56x1024xf32, #tpu.memory_space<vmem>> -> memref<56x1024xf32, #tpu.memory_space<vmem>>
    tpu.wait_dma2 semaphore(%arg10 : memref<!tpu.dma_semaphore, #tpu.memory_space<semaphore_mem>>) src(%dma_wait3A_618 : memref<56x1024xf32, #tpu.memory_space<vmem>>) dst(%dma_wait3A_614 : memref<56x1024xf32, #tpu.memory_space<hbm>>)
    %dma_start3A_619 = arith.constant 1 : i32
    %dma_start3A_620 = arith.constant 0 : i32
    %dma_start3A_621 = arith.constant 0 : i32
    %dma_start3A_622 = tpu.memref_slice %arg6[%dma_start3A_619, %dma_start3A_620, %dma_start3A_621] : memref<2x56x1024xf32, #tpu.memory_space<vmem>> -> memref<1x56x1024xf32, #tpu.memory_space<vmem>>
    %dma_start3A_623 = tpu.memref_squeeze %dma_start3A_622 : memref<1x56x1024xf32, #tpu.memory_space<vmem>> -> memref<56x1024xf32, #tpu.memory_space<vmem>>
    %dma_start3A_624 = arith.constant 728 : i32
    %dma_start3A_625 = tpu.memref_slice %arg5[%dma_start3A_624] : memref<1024xi32, #tpu.memory_space<vmem>> -> memref<56xi32, #tpu.memory_space<vmem>>
    %dma_start3A_626 = arith.constant 0 : i32
    %dma_start3A_627 = arith.constant 0 : i32
    %dma_start3A_628 = tpu.memref_slice %arg2[%dma_start3A_626, %dma_start3A_627] : memref<8192x1024xf32, #tpu.memory_space<hbm>> -> memref<8192x1024xf32, #tpu.memory_space<hbm>>
    tpu.enqueue_indirect_dma source(%dma_start3A_628 : memref<8192x1024xf32, #tpu.memory_space<hbm>>) target(%dma_start3A_623 : memref<56x1024xf32, #tpu.memory_space<vmem>>) offsets(%dma_start3A_625 : memref<56xi32, #tpu.memory_space<vmem>>) semaphore(%arg8 : memref<!tpu.dma_semaphore, #tpu.memory_space<semaphore_mem>>)
    %dma_wait3A_629 = arith.constant 0 : i32
    %dma_wait3A_630 = arith.constant 0 : i32
    %dma_wait3A_631 = arith.constant 0 : i32
    %dma_wait3A_632 = tpu.memref_slice %arg6[%dma_wait3A_629, %dma_wait3A_630, %dma_wait3A_631] : memref<2x56x1024xf32, #tpu.memory_space<vmem>> -> memref<1x56x1024xf32, #tpu.memory_space<vmem>>
    %dma_wait3A_633 = tpu.memref_squeeze %dma_wait3A_632 : memref<1x56x1024xf32, #tpu.memory_space<vmem>> -> memref<56x1024xf32, #tpu.memory_space<vmem>>
    %dma_wait3A_634 = arith.constant 672 : i32
    %dma_wait3A_635 = tpu.memref_slice %arg5[%dma_wait3A_634] : memref<1024xi32, #tpu.memory_space<vmem>> -> memref<56xi32, #tpu.memory_space<vmem>>
    %dma_wait3A_636 = arith.constant 0 : i32
    %dma_wait3A_637 = arith.constant 0 : i32
    %dma_wait3A_638 = tpu.memref_slice %arg2[%dma_wait3A_636, %dma_wait3A_637] : memref<8192x1024xf32, #tpu.memory_space<hbm>> -> memref<8192x1024xf32, #tpu.memory_space<hbm>>
    tpu.wait_indirect_dma semaphore(%arg7 : memref<!tpu.dma_semaphore, #tpu.memory_space<semaphore_mem>>) src(%dma_wait3A_638 : memref<8192x1024xf32, #tpu.memory_space<hbm>>) dst(%dma_wait3A_633 : memref<56x1024xf32, #tpu.memory_space<vmem>>)
    %add3A_639 = arith.constant 672 : i32
    %add3A_640 = arith.addi %mul3A_2, %add3A_639 : i32
    %dma_start3A_641 = arith.constant 0 : i32
    %dma_start3A_642 = arith.constant 0 : i32
    %dma_start3A_643 = arith.constant 0 : i32
    %dma_start3A_644 = tpu.memref_slice %arg6[%dma_start3A_641, %dma_start3A_642, %dma_start3A_643] : memref<2x56x1024xf32, #tpu.memory_space<vmem>> -> memref<1x56x1024xf32, #tpu.memory_space<vmem>>
    %dma_start3A_645 = tpu.memref_squeeze %dma_start3A_644 : memref<1x56x1024xf32, #tpu.memory_space<vmem>> -> memref<56x1024xf32, #tpu.memory_space<vmem>>
    %dma_start3A_646 = arith.constant 0 : i32
    %dma_start3A_647 = tpu.memref_slice %arg4[%add3A_640, %dma_start3A_646] : memref<32768x1024xf32, #tpu.memory_space<hbm>> -> memref<56x1024xf32, #tpu.memory_space<hbm>>
    %dma_start3A_648 = arith.constant 0 : i32
    %dma_start3A_649 = tpu.memref_slice %arg4[%add3A_640, %dma_start3A_648] : memref<32768x1024xf32, #tpu.memory_space<hbm>> -> memref<56x1024xf32, #tpu.memory_space<hbm>>
    %dma_start3A_650 = arith.constant 0 : i32
    %dma_start3A_651 = arith.constant 0 : i32
    %dma_start3A_652 = tpu.memref_slice %arg6[%dma_start3A_641, %dma_start3A_650, %dma_start3A_651] : memref<2x56x1024xf32, #tpu.memory_space<vmem>> -> memref<1x56x1024xf32, #tpu.memory_space<vmem>>
    %dma_start3A_653 = tpu.memref_squeeze %dma_start3A_652 : memref<1x56x1024xf32, #tpu.memory_space<vmem>> -> memref<56x1024xf32, #tpu.memory_space<vmem>>
    tpu.enqueue_dma source(%dma_start3A_653 : memref<56x1024xf32, #tpu.memory_space<vmem>>) target(%dma_start3A_649 : memref<56x1024xf32, #tpu.memory_space<hbm>>) target_semaphore(%arg9 : memref<!tpu.dma_semaphore, #tpu.memory_space<semaphore_mem>>)
    %dma_wait3A_654 = arith.constant 0 : i32
    %dma_wait3A_655 = arith.constant 0 : i32
    %dma_wait3A_656 = arith.constant 0 : i32
    %dma_wait3A_657 = tpu.memref_slice %arg6[%dma_wait3A_654, %dma_wait3A_655, %dma_wait3A_656] : memref<2x56x1024xf32, #tpu.memory_space<vmem>> -> memref<1x56x1024xf32, #tpu.memory_space<vmem>>
    %dma_wait3A_658 = tpu.memref_squeeze %dma_wait3A_657 : memref<1x56x1024xf32, #tpu.memory_space<vmem>> -> memref<56x1024xf32, #tpu.memory_space<vmem>>
    %dma_wait3A_659 = arith.constant 0 : i32
    %dma_wait3A_660 = tpu.memref_slice %arg4[%add3A_640, %dma_wait3A_659] : memref<32768x1024xf32, #tpu.memory_space<hbm>> -> memref<56x1024xf32, #tpu.memory_space<hbm>>
    %dma_wait3A_661 = arith.constant 0 : i32
    %dma_wait3A_662 = tpu.memref_slice %arg4[%add3A_640, %dma_wait3A_661] : memref<32768x1024xf32, #tpu.memory_space<hbm>> -> memref<56x1024xf32, #tpu.memory_space<hbm>>
    %dma_wait3A_663 = arith.constant 0 : i32
    %dma_wait3A_664 = arith.constant 0 : i32
    %dma_wait3A_665 = tpu.memref_slice %arg6[%dma_wait3A_654, %dma_wait3A_663, %dma_wait3A_664] : memref<2x56x1024xf32, #tpu.memory_space<vmem>> -> memref<1x56x1024xf32, #tpu.memory_space<vmem>>
    %dma_wait3A_666 = tpu.memref_squeeze %dma_wait3A_665 : memref<1x56x1024xf32, #tpu.memory_space<vmem>> -> memref<56x1024xf32, #tpu.memory_space<vmem>>
    tpu.wait_dma2 semaphore(%arg9 : memref<!tpu.dma_semaphore, #tpu.memory_space<semaphore_mem>>) src(%dma_wait3A_666 : memref<56x1024xf32, #tpu.memory_space<vmem>>) dst(%dma_wait3A_662 : memref<56x1024xf32, #tpu.memory_space<hbm>>)
    %dma_start3A_667 = arith.constant 0 : i32
    %dma_start3A_668 = arith.constant 0 : i32
    %dma_start3A_669 = arith.constant 0 : i32
    %dma_start3A_670 = tpu.memref_slice %arg6[%dma_start3A_667, %dma_start3A_668, %dma_start3A_669] : memref<2x56x1024xf32, #tpu.memory_space<vmem>> -> memref<1x56x1024xf32, #tpu.memory_space<vmem>>
    %dma_start3A_671 = tpu.memref_squeeze %dma_start3A_670 : memref<1x56x1024xf32, #tpu.memory_space<vmem>> -> memref<56x1024xf32, #tpu.memory_space<vmem>>
    %dma_start3A_672 = arith.constant 784 : i32
    %dma_start3A_673 = tpu.memref_slice %arg5[%dma_start3A_672] : memref<1024xi32, #tpu.memory_space<vmem>> -> memref<56xi32, #tpu.memory_space<vmem>>
    %dma_start3A_674 = arith.constant 0 : i32
    %dma_start3A_675 = arith.constant 0 : i32
    %dma_start3A_676 = tpu.memref_slice %arg2[%dma_start3A_674, %dma_start3A_675] : memref<8192x1024xf32, #tpu.memory_space<hbm>> -> memref<8192x1024xf32, #tpu.memory_space<hbm>>
    tpu.enqueue_indirect_dma source(%dma_start3A_676 : memref<8192x1024xf32, #tpu.memory_space<hbm>>) target(%dma_start3A_671 : memref<56x1024xf32, #tpu.memory_space<vmem>>) offsets(%dma_start3A_673 : memref<56xi32, #tpu.memory_space<vmem>>) semaphore(%arg7 : memref<!tpu.dma_semaphore, #tpu.memory_space<semaphore_mem>>)
    %dma_wait3A_677 = arith.constant 1 : i32
    %dma_wait3A_678 = arith.constant 0 : i32
    %dma_wait3A_679 = arith.constant 0 : i32
    %dma_wait3A_680 = tpu.memref_slice %arg6[%dma_wait3A_677, %dma_wait3A_678, %dma_wait3A_679] : memref<2x56x1024xf32, #tpu.memory_space<vmem>> -> memref<1x56x1024xf32, #tpu.memory_space<vmem>>
    %dma_wait3A_681 = tpu.memref_squeeze %dma_wait3A_680 : memref<1x56x1024xf32, #tpu.memory_space<vmem>> -> memref<56x1024xf32, #tpu.memory_space<vmem>>
    %dma_wait3A_682 = arith.constant 728 : i32
    %dma_wait3A_683 = tpu.memref_slice %arg5[%dma_wait3A_682] : memref<1024xi32, #tpu.memory_space<vmem>> -> memref<56xi32, #tpu.memory_space<vmem>>
    %dma_wait3A_684 = arith.constant 0 : i32
    %dma_wait3A_685 = arith.constant 0 : i32
    %dma_wait3A_686 = tpu.memref_slice %arg2[%dma_wait3A_684, %dma_wait3A_685] : memref<8192x1024xf32, #tpu.memory_space<hbm>> -> memref<8192x1024xf32, #tpu.memory_space<hbm>>
    tpu.wait_indirect_dma semaphore(%arg8 : memref<!tpu.dma_semaphore, #tpu.memory_space<semaphore_mem>>) src(%dma_wait3A_686 : memref<8192x1024xf32, #tpu.memory_space<hbm>>) dst(%dma_wait3A_681 : memref<56x1024xf32, #tpu.memory_space<vmem>>)
    %add3A_687 = arith.constant 728 : i32
    %add3A_688 = arith.addi %mul3A_2, %add3A_687 : i32
    %dma_start3A_689 = arith.constant 1 : i32
    %dma_start3A_690 = arith.constant 0 : i32
    %dma_start3A_691 = arith.constant 0 : i32
    %dma_start3A_692 = tpu.memref_slice %arg6[%dma_start3A_689, %dma_start3A_690, %dma_start3A_691] : memref<2x56x1024xf32, #tpu.memory_space<vmem>> -> memref<1x56x1024xf32, #tpu.memory_space<vmem>>
    %dma_start3A_693 = tpu.memref_squeeze %dma_start3A_692 : memref<1x56x1024xf32, #tpu.memory_space<vmem>> -> memref<56x1024xf32, #tpu.memory_space<vmem>>
    %dma_start3A_694 = arith.constant 0 : i32
    %dma_start3A_695 = tpu.memref_slice %arg4[%add3A_688, %dma_start3A_694] : memref<32768x1024xf32, #tpu.memory_space<hbm>> -> memref<56x1024xf32, #tpu.memory_space<hbm>>
    %dma_start3A_696 = arith.constant 0 : i32
    %dma_start3A_697 = tpu.memref_slice %arg4[%add3A_688, %dma_start3A_696] : memref<32768x1024xf32, #tpu.memory_space<hbm>> -> memref<56x1024xf32, #tpu.memory_space<hbm>>
    %dma_start3A_698 = arith.constant 0 : i32
    %dma_start3A_699 = arith.constant 0 : i32
    %dma_start3A_700 = tpu.memref_slice %arg6[%dma_start3A_689, %dma_start3A_698, %dma_start3A_699] : memref<2x56x1024xf32, #tpu.memory_space<vmem>> -> memref<1x56x1024xf32, #tpu.memory_space<vmem>>
    %dma_start3A_701 = tpu.memref_squeeze %dma_start3A_700 : memref<1x56x1024xf32, #tpu.memory_space<vmem>> -> memref<56x1024xf32, #tpu.memory_space<vmem>>
    tpu.enqueue_dma source(%dma_start3A_701 : memref<56x1024xf32, #tpu.memory_space<vmem>>) target(%dma_start3A_697 : memref<56x1024xf32, #tpu.memory_space<hbm>>) target_semaphore(%arg10 : memref<!tpu.dma_semaphore, #tpu.memory_space<semaphore_mem>>)
    %dma_wait3A_702 = arith.constant 1 : i32
    %dma_wait3A_703 = arith.constant 0 : i32
    %dma_wait3A_704 = arith.constant 0 : i32
    %dma_wait3A_705 = tpu.memref_slice %arg6[%dma_wait3A_702, %dma_wait3A_703, %dma_wait3A_704] : memref<2x56x1024xf32, #tpu.memory_space<vmem>> -> memref<1x56x1024xf32, #tpu.memory_space<vmem>>
    %dma_wait3A_706 = tpu.memref_squeeze %dma_wait3A_705 : memref<1x56x1024xf32, #tpu.memory_space<vmem>> -> memref<56x1024xf32, #tpu.memory_space<vmem>>
    %dma_wait3A_707 = arith.constant 0 : i32
    %dma_wait3A_708 = tpu.memref_slice %arg4[%add3A_688, %dma_wait3A_707] : memref<32768x1024xf32, #tpu.memory_space<hbm>> -> memref<56x1024xf32, #tpu.memory_space<hbm>>
    %dma_wait3A_709 = arith.constant 0 : i32
    %dma_wait3A_710 = tpu.memref_slice %arg4[%add3A_688, %dma_wait3A_709] : memref<32768x1024xf32, #tpu.memory_space<hbm>> -> memref<56x1024xf32, #tpu.memory_space<hbm>>
    %dma_wait3A_711 = arith.constant 0 : i32
    %dma_wait3A_712 = arith.constant 0 : i32
    %dma_wait3A_713 = tpu.memref_slice %arg6[%dma_wait3A_702, %dma_wait3A_711, %dma_wait3A_712] : memref<2x56x1024xf32, #tpu.memory_space<vmem>> -> memref<1x56x1024xf32, #tpu.memory_space<vmem>>
    %dma_wait3A_714 = tpu.memref_squeeze %dma_wait3A_713 : memref<1x56x1024xf32, #tpu.memory_space<vmem>> -> memref<56x1024xf32, #tpu.memory_space<vmem>>
    tpu.wait_dma2 semaphore(%arg10 : memref<!tpu.dma_semaphore, #tpu.memory_space<semaphore_mem>>) src(%dma_wait3A_714 : memref<56x1024xf32, #tpu.memory_space<vmem>>) dst(%dma_wait3A_710 : memref<56x1024xf32, #tpu.memory_space<hbm>>)
    %dma_start3A_715 = arith.constant 1 : i32
    %dma_start3A_716 = arith.constant 0 : i32
    %dma_start3A_717 = arith.constant 0 : i32
    %dma_start3A_718 = tpu.memref_slice %arg6[%dma_start3A_715, %dma_start3A_716, %dma_start3A_717] : memref<2x56x1024xf32, #tpu.memory_space<vmem>> -> memref<1x56x1024xf32, #tpu.memory_space<vmem>>
    %dma_start3A_719 = tpu.memref_squeeze %dma_start3A_718 : memref<1x56x1024xf32, #tpu.memory_space<vmem>> -> memref<56x1024xf32, #tpu.memory_space<vmem>>
    %dma_start3A_720 = arith.constant 840 : i32
    %dma_start3A_721 = tpu.memref_slice %arg5[%dma_start3A_720] : memref<1024xi32, #tpu.memory_space<vmem>> -> memref<56xi32, #tpu.memory_space<vmem>>
    %dma_start3A_722 = arith.constant 0 : i32
    %dma_start3A_723 = arith.constant 0 : i32
    %dma_start3A_724 = tpu.memref_slice %arg2[%dma_start3A_722, %dma_start3A_723] : memref<8192x1024xf32, #tpu.memory_space<hbm>> -> memref<8192x1024xf32, #tpu.memory_space<hbm>>
    tpu.enqueue_indirect_dma source(%dma_start3A_724 : memref<8192x1024xf32, #tpu.memory_space<hbm>>) target(%dma_start3A_719 : memref<56x1024xf32, #tpu.memory_space<vmem>>) offsets(%dma_start3A_721 : memref<56xi32, #tpu.memory_space<vmem>>) semaphore(%arg8 : memref<!tpu.dma_semaphore, #tpu.memory_space<semaphore_mem>>)
    %dma_wait3A_725 = arith.constant 0 : i32
    %dma_wait3A_726 = arith.constant 0 : i32
    %dma_wait3A_727 = arith.constant 0 : i32
    %dma_wait3A_728 = tpu.memref_slice %arg6[%dma_wait3A_725, %dma_wait3A_726, %dma_wait3A_727] : memref<2x56x1024xf32, #tpu.memory_space<vmem>> -> memref<1x56x1024xf32, #tpu.memory_space<vmem>>
    %dma_wait3A_729 = tpu.memref_squeeze %dma_wait3A_728 : memref<1x56x1024xf32, #tpu.memory_space<vmem>> -> memref<56x1024xf32, #tpu.memory_space<vmem>>
    %dma_wait3A_730 = arith.constant 784 : i32
    %dma_wait3A_731 = tpu.memref_slice %arg5[%dma_wait3A_730] : memref<1024xi32, #tpu.memory_space<vmem>> -> memref<56xi32, #tpu.memory_space<vmem>>
    %dma_wait3A_732 = arith.constant 0 : i32
    %dma_wait3A_733 = arith.constant 0 : i32
    %dma_wait3A_734 = tpu.memref_slice %arg2[%dma_wait3A_732, %dma_wait3A_733] : memref<8192x1024xf32, #tpu.memory_space<hbm>> -> memref<8192x1024xf32, #tpu.memory_space<hbm>>
    tpu.wait_indirect_dma semaphore(%arg7 : memref<!tpu.dma_semaphore, #tpu.memory_space<semaphore_mem>>) src(%dma_wait3A_734 : memref<8192x1024xf32, #tpu.memory_space<hbm>>) dst(%dma_wait3A_729 : memref<56x1024xf32, #tpu.memory_space<vmem>>)
    %add3A_735 = arith.constant 784 : i32
    %add3A_736 = arith.addi %mul3A_2, %add3A_735 : i32
    %dma_start3A_737 = arith.constant 0 : i32
    %dma_start3A_738 = arith.constant 0 : i32
    %dma_start3A_739 = arith.constant 0 : i32
    %dma_start3A_740 = tpu.memref_slice %arg6[%dma_start3A_737, %dma_start3A_738, %dma_start3A_739] : memref<2x56x1024xf32, #tpu.memory_space<vmem>> -> memref<1x56x1024xf32, #tpu.memory_space<vmem>>
    %dma_start3A_741 = tpu.memref_squeeze %dma_start3A_740 : memref<1x56x1024xf32, #tpu.memory_space<vmem>> -> memref<56x1024xf32, #tpu.memory_space<vmem>>
    %dma_start3A_742 = arith.constant 0 : i32
    %dma_start3A_743 = tpu.memref_slice %arg4[%add3A_736, %dma_start3A_742] : memref<32768x1024xf32, #tpu.memory_space<hbm>> -> memref<56x1024xf32, #tpu.memory_space<hbm>>
    %dma_start3A_744 = arith.constant 0 : i32
    %dma_start3A_745 = tpu.memref_slice %arg4[%add3A_736, %dma_start3A_744] : memref<32768x1024xf32, #tpu.memory_space<hbm>> -> memref<56x1024xf32, #tpu.memory_space<hbm>>
    %dma_start3A_746 = arith.constant 0 : i32
    %dma_start3A_747 = arith.constant 0 : i32
    %dma_start3A_748 = tpu.memref_slice %arg6[%dma_start3A_737, %dma_start3A_746, %dma_start3A_747] : memref<2x56x1024xf32, #tpu.memory_space<vmem>> -> memref<1x56x1024xf32, #tpu.memory_space<vmem>>
    %dma_start3A_749 = tpu.memref_squeeze %dma_start3A_748 : memref<1x56x1024xf32, #tpu.memory_space<vmem>> -> memref<56x1024xf32, #tpu.memory_space<vmem>>
    tpu.enqueue_dma source(%dma_start3A_749 : memref<56x1024xf32, #tpu.memory_space<vmem>>) target(%dma_start3A_745 : memref<56x1024xf32, #tpu.memory_space<hbm>>) target_semaphore(%arg9 : memref<!tpu.dma_semaphore, #tpu.memory_space<semaphore_mem>>)
    %dma_wait3A_750 = arith.constant 0 : i32
    %dma_wait3A_751 = arith.constant 0 : i32
    %dma_wait3A_752 = arith.constant 0 : i32
    %dma_wait3A_753 = tpu.memref_slice %arg6[%dma_wait3A_750, %dma_wait3A_751, %dma_wait3A_752] : memref<2x56x1024xf32, #tpu.memory_space<vmem>> -> memref<1x56x1024xf32, #tpu.memory_space<vmem>>
    %dma_wait3A_754 = tpu.memref_squeeze %dma_wait3A_753 : memref<1x56x1024xf32, #tpu.memory_space<vmem>> -> memref<56x1024xf32, #tpu.memory_space<vmem>>
    %dma_wait3A_755 = arith.constant 0 : i32
    %dma_wait3A_756 = tpu.memref_slice %arg4[%add3A_736, %dma_wait3A_755] : memref<32768x1024xf32, #tpu.memory_space<hbm>> -> memref<56x1024xf32, #tpu.memory_space<hbm>>
    %dma_wait3A_757 = arith.constant 0 : i32
    %dma_wait3A_758 = tpu.memref_slice %arg4[%add3A_736, %dma_wait3A_757] : memref<32768x1024xf32, #tpu.memory_space<hbm>> -> memref<56x1024xf32, #tpu.memory_space<hbm>>
    %dma_wait3A_759 = arith.constant 0 : i32
    %dma_wait3A_760 = arith.constant 0 : i32
    %dma_wait3A_761 = tpu.memref_slice %arg6[%dma_wait3A_750, %dma_wait3A_759, %dma_wait3A_760] : memref<2x56x1024xf32, #tpu.memory_space<vmem>> -> memref<1x56x1024xf32, #tpu.memory_space<vmem>>
    %dma_wait3A_762 = tpu.memref_squeeze %dma_wait3A_761 : memref<1x56x1024xf32, #tpu.memory_space<vmem>> -> memref<56x1024xf32, #tpu.memory_space<vmem>>
    tpu.wait_dma2 semaphore(%arg9 : memref<!tpu.dma_semaphore, #tpu.memory_space<semaphore_mem>>) src(%dma_wait3A_762 : memref<56x1024xf32, #tpu.memory_space<vmem>>) dst(%dma_wait3A_758 : memref<56x1024xf32, #tpu.memory_space<hbm>>)
    %dma_start3A_763 = arith.constant 0 : i32
    %dma_start3A_764 = arith.constant 0 : i32
    %dma_start3A_765 = arith.constant 0 : i32
    %dma_start3A_766 = tpu.memref_slice %arg6[%dma_start3A_763, %dma_start3A_764, %dma_start3A_765] : memref<2x56x1024xf32, #tpu.memory_space<vmem>> -> memref<1x56x1024xf32, #tpu.memory_space<vmem>>
    %dma_start3A_767 = tpu.memref_squeeze %dma_start3A_766 : memref<1x56x1024xf32, #tpu.memory_space<vmem>> -> memref<56x1024xf32, #tpu.memory_space<vmem>>
    %dma_start3A_768 = arith.constant 896 : i32
    %dma_start3A_769 = tpu.memref_slice %arg5[%dma_start3A_768] : memref<1024xi32, #tpu.memory_space<vmem>> -> memref<56xi32, #tpu.memory_space<vmem>>
    %dma_start3A_770 = arith.constant 0 : i32
    %dma_start3A_771 = arith.constant 0 : i32
    %dma_start3A_772 = tpu.memref_slice %arg2[%dma_start3A_770, %dma_start3A_771] : memref<8192x1024xf32, #tpu.memory_space<hbm>> -> memref<8192x1024xf32, #tpu.memory_space<hbm>>
    tpu.enqueue_indirect_dma source(%dma_start3A_772 : memref<8192x1024xf32, #tpu.memory_space<hbm>>) target(%dma_start3A_767 : memref<56x1024xf32, #tpu.memory_space<vmem>>) offsets(%dma_start3A_769 : memref<56xi32, #tpu.memory_space<vmem>>) semaphore(%arg7 : memref<!tpu.dma_semaphore, #tpu.memory_space<semaphore_mem>>)
    %dma_wait3A_773 = arith.constant 1 : i32
    %dma_wait3A_774 = arith.constant 0 : i32
    %dma_wait3A_775 = arith.constant 0 : i32
    %dma_wait3A_776 = tpu.memref_slice %arg6[%dma_wait3A_773, %dma_wait3A_774, %dma_wait3A_775] : memref<2x56x1024xf32, #tpu.memory_space<vmem>> -> memref<1x56x1024xf32, #tpu.memory_space<vmem>>
    %dma_wait3A_777 = tpu.memref_squeeze %dma_wait3A_776 : memref<1x56x1024xf32, #tpu.memory_space<vmem>> -> memref<56x1024xf32, #tpu.memory_space<vmem>>
    %dma_wait3A_778 = arith.constant 840 : i32
    %dma_wait3A_779 = tpu.memref_slice %arg5[%dma_wait3A_778] : memref<1024xi32, #tpu.memory_space<vmem>> -> memref<56xi32, #tpu.memory_space<vmem>>
    %dma_wait3A_780 = arith.constant 0 : i32
    %dma_wait3A_781 = arith.constant 0 : i32
    %dma_wait3A_782 = tpu.memref_slice %arg2[%dma_wait3A_780, %dma_wait3A_781] : memref<8192x1024xf32, #tpu.memory_space<hbm>> -> memref<8192x1024xf32, #tpu.memory_space<hbm>>
    tpu.wait_indirect_dma semaphore(%arg8 : memref<!tpu.dma_semaphore, #tpu.memory_space<semaphore_mem>>) src(%dma_wait3A_782 : memref<8192x1024xf32, #tpu.memory_space<hbm>>) dst(%dma_wait3A_777 : memref<56x1024xf32, #tpu.memory_space<vmem>>)
    %add3A_783 = arith.constant 840 : i32
    %add3A_784 = arith.addi %mul3A_2, %add3A_783 : i32
    %dma_start3A_785 = arith.constant 1 : i32
    %dma_start3A_786 = arith.constant 0 : i32
    %dma_start3A_787 = arith.constant 0 : i32
    %dma_start3A_788 = tpu.memref_slice %arg6[%dma_start3A_785, %dma_start3A_786, %dma_start3A_787] : memref<2x56x1024xf32, #tpu.memory_space<vmem>> -> memref<1x56x1024xf32, #tpu.memory_space<vmem>>
    %dma_start3A_789 = tpu.memref_squeeze %dma_start3A_788 : memref<1x56x1024xf32, #tpu.memory_space<vmem>> -> memref<56x1024xf32, #tpu.memory_space<vmem>>
    %dma_start3A_790 = arith.constant 0 : i32
    %dma_start3A_791 = tpu.memref_slice %arg4[%add3A_784, %dma_start3A_790] : memref<32768x1024xf32, #tpu.memory_space<hbm>> -> memref<56x1024xf32, #tpu.memory_space<hbm>>
    %dma_start3A_792 = arith.constant 0 : i32
    %dma_start3A_793 = tpu.memref_slice %arg4[%add3A_784, %dma_start3A_792] : memref<32768x1024xf32, #tpu.memory_space<hbm>> -> memref<56x1024xf32, #tpu.memory_space<hbm>>
    %dma_start3A_794 = arith.constant 0 : i32
    %dma_start3A_795 = arith.constant 0 : i32
    %dma_start3A_796 = tpu.memref_slice %arg6[%dma_start3A_785, %dma_start3A_794, %dma_start3A_795] : memref<2x56x1024xf32, #tpu.memory_space<vmem>> -> memref<1x56x1024xf32, #tpu.memory_space<vmem>>
    %dma_start3A_797 = tpu.memref_squeeze %dma_start3A_796 : memref<1x56x1024xf32, #tpu.memory_space<vmem>> -> memref<56x1024xf32, #tpu.memory_space<vmem>>
    tpu.enqueue_dma source(%dma_start3A_797 : memref<56x1024xf32, #tpu.memory_space<vmem>>) target(%dma_start3A_793 : memref<56x1024xf32, #tpu.memory_space<hbm>>) target_semaphore(%arg10 : memref<!tpu.dma_semaphore, #tpu.memory_space<semaphore_mem>>)
    %dma_wait3A_798 = arith.constant 1 : i32
    %dma_wait3A_799 = arith.constant 0 : i32
    %dma_wait3A_800 = arith.constant 0 : i32
    %dma_wait3A_801 = tpu.memref_slice %arg6[%dma_wait3A_798, %dma_wait3A_799, %dma_wait3A_800] : memref<2x56x1024xf32, #tpu.memory_space<vmem>> -> memref<1x56x1024xf32, #tpu.memory_space<vmem>>
    %dma_wait3A_802 = tpu.memref_squeeze %dma_wait3A_801 : memref<1x56x1024xf32, #tpu.memory_space<vmem>> -> memref<56x1024xf32, #tpu.memory_space<vmem>>
    %dma_wait3A_803 = arith.constant 0 : i32
    %dma_wait3A_804 = tpu.memref_slice %arg4[%add3A_784, %dma_wait3A_803] : memref<32768x1024xf32, #tpu.memory_space<hbm>> -> memref<56x1024xf32, #tpu.memory_space<hbm>>
    %dma_wait3A_805 = arith.constant 0 : i32
    %dma_wait3A_806 = tpu.memref_slice %arg4[%add3A_784, %dma_wait3A_805] : memref<32768x1024xf32, #tpu.memory_space<hbm>> -> memref<56x1024xf32, #tpu.memory_space<hbm>>
    %dma_wait3A_807 = arith.constant 0 : i32
    %dma_wait3A_808 = arith.constant 0 : i32
    %dma_wait3A_809 = tpu.memref_slice %arg6[%dma_wait3A_798, %dma_wait3A_807, %dma_wait3A_808] : memref<2x56x1024xf32, #tpu.memory_space<vmem>> -> memref<1x56x1024xf32, #tpu.memory_space<vmem>>
    %dma_wait3A_810 = tpu.memref_squeeze %dma_wait3A_809 : memref<1x56x1024xf32, #tpu.memory_space<vmem>> -> memref<56x1024xf32, #tpu.memory_space<vmem>>
    tpu.wait_dma2 semaphore(%arg10 : memref<!tpu.dma_semaphore, #tpu.memory_space<semaphore_mem>>) src(%dma_wait3A_810 : memref<56x1024xf32, #tpu.memory_space<vmem>>) dst(%dma_wait3A_806 : memref<56x1024xf32, #tpu.memory_space<hbm>>)
    %dma_start3A_811 = arith.constant 1 : i32
    %dma_start3A_812 = arith.constant 0 : i32
    %dma_start3A_813 = arith.constant 0 : i32
    %dma_start3A_814 = tpu.memref_slice %arg6[%dma_start3A_811, %dma_start3A_812, %dma_start3A_813] : memref<2x56x1024xf32, #tpu.memory_space<vmem>> -> memref<1x56x1024xf32, #tpu.memory_space<vmem>>
    %dma_start3A_815 = tpu.memref_squeeze %dma_start3A_814 : memref<1x56x1024xf32, #tpu.memory_space<vmem>> -> memref<56x1024xf32, #tpu.memory_space<vmem>>
    %dma_start3A_816 = arith.constant 952 : i32
    %dma_start3A_817 = tpu.memref_slice %arg5[%dma_start3A_816] : memref<1024xi32, #tpu.memory_space<vmem>> -> memref<56xi32, #tpu.memory_space<vmem>>
    %dma_start3A_818 = arith.constant 0 : i32
    %dma_start3A_819 = arith.constant 0 : i32
    %dma_start3A_820 = tpu.memref_slice %arg2[%dma_start3A_818, %dma_start3A_819] : memref<8192x1024xf32, #tpu.memory_space<hbm>> -> memref<8192x1024xf32, #tpu.memory_space<hbm>>
    tpu.enqueue_indirect_dma source(%dma_start3A_820 : memref<8192x1024xf32, #tpu.memory_space<hbm>>) target(%dma_start3A_815 : memref<56x1024xf32, #tpu.memory_space<vmem>>) offsets(%dma_start3A_817 : memref<56xi32, #tpu.memory_space<vmem>>) semaphore(%arg8 : memref<!tpu.dma_semaphore, #tpu.memory_space<semaphore_mem>>)
    %dma_wait3A_821 = arith.constant 0 : i32
    %dma_wait3A_822 = arith.constant 0 : i32
    %dma_wait3A_823 = arith.constant 0 : i32
    %dma_wait3A_824 = tpu.memref_slice %arg6[%dma_wait3A_821, %dma_wait3A_822, %dma_wait3A_823] : memref<2x56x1024xf32, #tpu.memory_space<vmem>> -> memref<1x56x1024xf32, #tpu.memory_space<vmem>>
    %dma_wait3A_825 = tpu.memref_squeeze %dma_wait3A_824 : memref<1x56x1024xf32, #tpu.memory_space<vmem>> -> memref<56x1024xf32, #tpu.memory_space<vmem>>
    %dma_wait3A_826 = arith.constant 896 : i32
    %dma_wait3A_827 = tpu.memref_slice %arg5[%dma_wait3A_826] : memref<1024xi32, #tpu.memory_space<vmem>> -> memref<56xi32, #tpu.memory_space<vmem>>
    %dma_wait3A_828 = arith.constant 0 : i32
    %dma_wait3A_829 = arith.constant 0 : i32
    %dma_wait3A_830 = tpu.memref_slice %arg2[%dma_wait3A_828, %dma_wait3A_829] : memref<8192x1024xf32, #tpu.memory_space<hbm>> -> memref<8192x1024xf32, #tpu.memory_space<hbm>>
    tpu.wait_indirect_dma semaphore(%arg7 : memref<!tpu.dma_semaphore, #tpu.memory_space<semaphore_mem>>) src(%dma_wait3A_830 : memref<8192x1024xf32, #tpu.memory_space<hbm>>) dst(%dma_wait3A_825 : memref<56x1024xf32, #tpu.memory_space<vmem>>)
    %add3A_831 = arith.constant 896 : i32
    %add3A_832 = arith.addi %mul3A_2, %add3A_831 : i32
    %dma_start3A_833 = arith.constant 0 : i32
    %dma_start3A_834 = arith.constant 0 : i32
    %dma_start3A_835 = arith.constant 0 : i32
    %dma_start3A_836 = tpu.memref_slice %arg6[%dma_start3A_833, %dma_start3A_834, %dma_start3A_835] : memref<2x56x1024xf32, #tpu.memory_space<vmem>> -> memref<1x56x1024xf32, #tpu.memory_space<vmem>>
    %dma_start3A_837 = tpu.memref_squeeze %dma_start3A_836 : memref<1x56x1024xf32, #tpu.memory_space<vmem>> -> memref<56x1024xf32, #tpu.memory_space<vmem>>
    %dma_start3A_838 = arith.constant 0 : i32
    %dma_start3A_839 = tpu.memref_slice %arg4[%add3A_832, %dma_start3A_838] : memref<32768x1024xf32, #tpu.memory_space<hbm>> -> memref<56x1024xf32, #tpu.memory_space<hbm>>
    %dma_start3A_840 = arith.constant 0 : i32
    %dma_start3A_841 = tpu.memref_slice %arg4[%add3A_832, %dma_start3A_840] : memref<32768x1024xf32, #tpu.memory_space<hbm>> -> memref<56x1024xf32, #tpu.memory_space<hbm>>
    %dma_start3A_842 = arith.constant 0 : i32
    %dma_start3A_843 = arith.constant 0 : i32
    %dma_start3A_844 = tpu.memref_slice %arg6[%dma_start3A_833, %dma_start3A_842, %dma_start3A_843] : memref<2x56x1024xf32, #tpu.memory_space<vmem>> -> memref<1x56x1024xf32, #tpu.memory_space<vmem>>
    %dma_start3A_845 = tpu.memref_squeeze %dma_start3A_844 : memref<1x56x1024xf32, #tpu.memory_space<vmem>> -> memref<56x1024xf32, #tpu.memory_space<vmem>>
    tpu.enqueue_dma source(%dma_start3A_845 : memref<56x1024xf32, #tpu.memory_space<vmem>>) target(%dma_start3A_841 : memref<56x1024xf32, #tpu.memory_space<hbm>>) target_semaphore(%arg9 : memref<!tpu.dma_semaphore, #tpu.memory_space<semaphore_mem>>)
    %dma_wait3A_846 = arith.constant 0 : i32
    %dma_wait3A_847 = arith.constant 0 : i32
    %dma_wait3A_848 = arith.constant 0 : i32
    %dma_wait3A_849 = tpu.memref_slice %arg6[%dma_wait3A_846, %dma_wait3A_847, %dma_wait3A_848] : memref<2x56x1024xf32, #tpu.memory_space<vmem>> -> memref<1x56x1024xf32, #tpu.memory_space<vmem>>
    %dma_wait3A_850 = tpu.memref_squeeze %dma_wait3A_849 : memref<1x56x1024xf32, #tpu.memory_space<vmem>> -> memref<56x1024xf32, #tpu.memory_space<vmem>>
    %dma_wait3A_851 = arith.constant 0 : i32
    %dma_wait3A_852 = tpu.memref_slice %arg4[%add3A_832, %dma_wait3A_851] : memref<32768x1024xf32, #tpu.memory_space<hbm>> -> memref<56x1024xf32, #tpu.memory_space<hbm>>
    %dma_wait3A_853 = arith.constant 0 : i32
    %dma_wait3A_854 = tpu.memref_slice %arg4[%add3A_832, %dma_wait3A_853] : memref<32768x1024xf32, #tpu.memory_space<hbm>> -> memref<56x1024xf32, #tpu.memory_space<hbm>>
    %dma_wait3A_855 = arith.constant 0 : i32
    %dma_wait3A_856 = arith.constant 0 : i32
    %dma_wait3A_857 = tpu.memref_slice %arg6[%dma_wait3A_846, %dma_wait3A_855, %dma_wait3A_856] : memref<2x56x1024xf32, #tpu.memory_space<vmem>> -> memref<1x56x1024xf32, #tpu.memory_space<vmem>>
    %dma_wait3A_858 = tpu.memref_squeeze %dma_wait3A_857 : memref<1x56x1024xf32, #tpu.memory_space<vmem>> -> memref<56x1024xf32, #tpu.memory_space<vmem>>
    tpu.wait_dma2 semaphore(%arg9 : memref<!tpu.dma_semaphore, #tpu.memory_space<semaphore_mem>>) src(%dma_wait3A_858 : memref<56x1024xf32, #tpu.memory_space<vmem>>) dst(%dma_wait3A_854 : memref<56x1024xf32, #tpu.memory_space<hbm>>)
    %dma_start3A_859 = arith.constant 0 : i32
    %dma_start3A_860 = arith.constant 0 : i32
    %dma_start3A_861 = arith.constant 0 : i32
    %dma_start3A_862 = tpu.memref_slice %arg6[%dma_start3A_859, %dma_start3A_860, %dma_start3A_861] : memref<2x56x1024xf32, #tpu.memory_space<vmem>> -> memref<1x16x1024xf32, #tpu.memory_space<vmem>>
    %dma_start3A_863 = tpu.memref_squeeze %dma_start3A_862 : memref<1x16x1024xf32, #tpu.memory_space<vmem>> -> memref<16x1024xf32, #tpu.memory_space<vmem>>
    %dma_start3A_864 = arith.constant 1008 : i32
    %dma_start3A_865 = tpu.memref_slice %arg5[%dma_start3A_864] : memref<1024xi32, #tpu.memory_space<vmem>> -> memref<16xi32, #tpu.memory_space<vmem>>
    %dma_start3A_866 = arith.constant 0 : i32
    %dma_start3A_867 = arith.constant 0 : i32
    %dma_start3A_868 = tpu.memref_slice %arg2[%dma_start3A_866, %dma_start3A_867] : memref<8192x1024xf32, #tpu.memory_space<hbm>> -> memref<8192x1024xf32, #tpu.memory_space<hbm>>
    tpu.enqueue_indirect_dma source(%dma_start3A_868 : memref<8192x1024xf32, #tpu.memory_space<hbm>>) target(%dma_start3A_863 : memref<16x1024xf32, #tpu.memory_space<vmem>>) offsets(%dma_start3A_865 : memref<16xi32, #tpu.memory_space<vmem>>) semaphore(%arg7 : memref<!tpu.dma_semaphore, #tpu.memory_space<semaphore_mem>>)
    %dma_wait3A_869 = arith.constant 1 : i32
    %dma_wait3A_870 = arith.constant 0 : i32
    %dma_wait3A_871 = arith.constant 0 : i32
    %dma_wait3A_872 = tpu.memref_slice %arg6[%dma_wait3A_869, %dma_wait3A_870, %dma_wait3A_871] : memref<2x56x1024xf32, #tpu.memory_space<vmem>> -> memref<1x56x1024xf32, #tpu.memory_space<vmem>>
    %dma_wait3A_873 = tpu.memref_squeeze %dma_wait3A_872 : memref<1x56x1024xf32, #tpu.memory_space<vmem>> -> memref<56x1024xf32, #tpu.memory_space<vmem>>
    %dma_wait3A_874 = arith.constant 952 : i32
    %dma_wait3A_875 = tpu.memref_slice %arg5[%dma_wait3A_874] : memref<1024xi32, #tpu.memory_space<vmem>> -> memref<56xi32, #tpu.memory_space<vmem>>
    %dma_wait3A_876 = arith.constant 0 : i32
    %dma_wait3A_877 = arith.constant 0 : i32
    %dma_wait3A_878 = tpu.memref_slice %arg2[%dma_wait3A_876, %dma_wait3A_877] : memref<8192x1024xf32, #tpu.memory_space<hbm>> -> memref<8192x1024xf32, #tpu.memory_space<hbm>>
    tpu.wait_indirect_dma semaphore(%arg8 : memref<!tpu.dma_semaphore, #tpu.memory_space<semaphore_mem>>) src(%dma_wait3A_878 : memref<8192x1024xf32, #tpu.memory_space<hbm>>) dst(%dma_wait3A_873 : memref<56x1024xf32, #tpu.memory_space<vmem>>)
    %add3A_879 = arith.constant 952 : i32
    %add3A_880 = arith.addi %mul3A_2, %add3A_879 : i32
    %dma_start3A_881 = arith.constant 1 : i32
    %dma_start3A_882 = arith.constant 0 : i32
    %dma_start3A_883 = arith.constant 0 : i32
    %dma_start3A_884 = tpu.memref_slice %arg6[%dma_start3A_881, %dma_start3A_882, %dma_start3A_883] : memref<2x56x1024xf32, #tpu.memory_space<vmem>> -> memref<1x56x1024xf32, #tpu.memory_space<vmem>>
    %dma_start3A_885 = tpu.memref_squeeze %dma_start3A_884 : memref<1x56x1024xf32, #tpu.memory_space<vmem>> -> memref<56x1024xf32, #tpu.memory_space<vmem>>
    %dma_start3A_886 = arith.constant 0 : i32
    %dma_start3A_887 = tpu.memref_slice %arg4[%add3A_880, %dma_start3A_886] : memref<32768x1024xf32, #tpu.memory_space<hbm>> -> memref<56x1024xf32, #tpu.memory_space<hbm>>
    %dma_start3A_888 = arith.constant 0 : i32
    %dma_start3A_889 = tpu.memref_slice %arg4[%add3A_880, %dma_start3A_888] : memref<32768x1024xf32, #tpu.memory_space<hbm>> -> memref<56x1024xf32, #tpu.memory_space<hbm>>
    %dma_start3A_890 = arith.constant 0 : i32
    %dma_start3A_891 = arith.constant 0 : i32
    %dma_start3A_892 = tpu.memref_slice %arg6[%dma_start3A_881, %dma_start3A_890, %dma_start3A_891] : memref<2x56x1024xf32, #tpu.memory_space<vmem>> -> memref<1x56x1024xf32, #tpu.memory_space<vmem>>
    %dma_start3A_893 = tpu.memref_squeeze %dma_start3A_892 : memref<1x56x1024xf32, #tpu.memory_space<vmem>> -> memref<56x1024xf32, #tpu.memory_space<vmem>>
    tpu.enqueue_dma source(%dma_start3A_893 : memref<56x1024xf32, #tpu.memory_space<vmem>>) target(%dma_start3A_889 : memref<56x1024xf32, #tpu.memory_space<hbm>>) target_semaphore(%arg10 : memref<!tpu.dma_semaphore, #tpu.memory_space<semaphore_mem>>)
    %dma_wait3A_894 = arith.constant 0 : i32
    %dma_wait3A_895 = arith.constant 0 : i32
    %dma_wait3A_896 = arith.constant 0 : i32
    %dma_wait3A_897 = tpu.memref_slice %arg6[%dma_wait3A_894, %dma_wait3A_895, %dma_wait3A_896] : memref<2x56x1024xf32, #tpu.memory_space<vmem>> -> memref<1x16x1024xf32, #tpu.memory_space<vmem>>
    %dma_wait3A_898 = tpu.memref_squeeze %dma_wait3A_897 : memref<1x16x1024xf32, #tpu.memory_space<vmem>> -> memref<16x1024xf32, #tpu.memory_space<vmem>>
    %dma_wait3A_899 = arith.constant 1008 : i32
    %dma_wait3A_900 = tpu.memref_slice %arg5[%dma_wait3A_899] : memref<1024xi32, #tpu.memory_space<vmem>> -> memref<16xi32, #tpu.memory_space<vmem>>
    %dma_wait3A_901 = arith.constant 0 : i32
    %dma_wait3A_902 = arith.constant 0 : i32
    %dma_wait3A_903 = tpu.memref_slice %arg2[%dma_wait3A_901, %dma_wait3A_902] : memref<8192x1024xf32, #tpu.memory_space<hbm>> -> memref<8192x1024xf32, #tpu.memory_space<hbm>>
    tpu.wait_indirect_dma semaphore(%arg7 : memref<!tpu.dma_semaphore, #tpu.memory_space<semaphore_mem>>) src(%dma_wait3A_903 : memref<8192x1024xf32, #tpu.memory_space<hbm>>) dst(%dma_wait3A_898 : memref<16x1024xf32, #tpu.memory_space<vmem>>)
    %add3A_904 = arith.constant 1008 : i32
    %add3A_905 = arith.addi %mul3A_2, %add3A_904 : i32
    %dma_start3A_906 = arith.constant 0 : i32
    %dma_start3A_907 = arith.constant 0 : i32
    %dma_start3A_908 = arith.constant 0 : i32
    %dma_start3A_909 = tpu.memref_slice %arg6[%dma_start3A_906, %dma_start3A_907, %dma_start3A_908] : memref<2x56x1024xf32, #tpu.memory_space<vmem>> -> memref<1x16x1024xf32, #tpu.memory_space<vmem>>
    %dma_start3A_910 = tpu.memref_squeeze %dma_start3A_909 : memref<1x16x1024xf32, #tpu.memory_space<vmem>> -> memref<16x1024xf32, #tpu.memory_space<vmem>>
    %dma_start3A_911 = arith.constant 0 : i32
    %dma_start3A_912 = tpu.memref_slice %arg4[%add3A_905, %dma_start3A_911] : memref<32768x1024xf32, #tpu.memory_space<hbm>> -> memref<16x1024xf32, #tpu.memory_space<hbm>>
    %dma_start3A_913 = arith.constant 0 : i32
    %dma_start3A_914 = tpu.memref_slice %arg4[%add3A_905, %dma_start3A_913] : memref<32768x1024xf32, #tpu.memory_space<hbm>> -> memref<16x1024xf32, #tpu.memory_space<hbm>>
    %dma_start3A_915 = arith.constant 0 : i32
    %dma_start3A_916 = arith.constant 0 : i32
    %dma_start3A_917 = tpu.memref_slice %arg6[%dma_start3A_906, %dma_start3A_915, %dma_start3A_916] : memref<2x56x1024xf32, #tpu.memory_space<vmem>> -> memref<1x16x1024xf32, #tpu.memory_space<vmem>>
    %dma_start3A_918 = tpu.memref_squeeze %dma_start3A_917 : memref<1x16x1024xf32, #tpu.memory_space<vmem>> -> memref<16x1024xf32, #tpu.memory_space<vmem>>
    tpu.enqueue_dma source(%dma_start3A_918 : memref<16x1024xf32, #tpu.memory_space<vmem>>) target(%dma_start3A_914 : memref<16x1024xf32, #tpu.memory_space<hbm>>) target_semaphore(%arg9 : memref<!tpu.dma_semaphore, #tpu.memory_space<semaphore_mem>>)
    %dma_wait3A_919 = arith.constant 1 : i32
    %dma_wait3A_920 = arith.constant 0 : i32
    %dma_wait3A_921 = arith.constant 0 : i32
    %dma_wait3A_922 = tpu.memref_slice %arg6[%dma_wait3A_919, %dma_wait3A_920, %dma_wait3A_921] : memref<2x56x1024xf32, #tpu.memory_space<vmem>> -> memref<1x56x1024xf32, #tpu.memory_space<vmem>>
    %dma_wait3A_923 = tpu.memref_squeeze %dma_wait3A_922 : memref<1x56x1024xf32, #tpu.memory_space<vmem>> -> memref<56x1024xf32, #tpu.memory_space<vmem>>
    %dma_wait3A_924 = arith.constant 0 : i32
    %dma_wait3A_925 = tpu.memref_slice %arg4[%add3A_880, %dma_wait3A_924] : memref<32768x1024xf32, #tpu.memory_space<hbm>> -> memref<56x1024xf32, #tpu.memory_space<hbm>>
    %dma_wait3A_926 = arith.constant 0 : i32
    %dma_wait3A_927 = tpu.memref_slice %arg4[%add3A_880, %dma_wait3A_926] : memref<32768x1024xf32, #tpu.memory_space<hbm>> -> memref<56x1024xf32, #tpu.memory_space<hbm>>
    %dma_wait3A_928 = arith.constant 0 : i32
    %dma_wait3A_929 = arith.constant 0 : i32
    %dma_wait3A_930 = tpu.memref_slice %arg6[%dma_wait3A_919, %dma_wait3A_928, %dma_wait3A_929] : memref<2x56x1024xf32, #tpu.memory_space<vmem>> -> memref<1x56x1024xf32, #tpu.memory_space<vmem>>
    %dma_wait3A_931 = tpu.memref_squeeze %dma_wait3A_930 : memref<1x56x1024xf32, #tpu.memory_space<vmem>> -> memref<56x1024xf32, #tpu.memory_space<vmem>>
    tpu.wait_dma2 semaphore(%arg10 : memref<!tpu.dma_semaphore, #tpu.memory_space<semaphore_mem>>) src(%dma_wait3A_931 : memref<56x1024xf32, #tpu.memory_space<vmem>>) dst(%dma_wait3A_927 : memref<56x1024xf32, #tpu.memory_space<hbm>>)
    %dma_wait3A_932 = arith.constant 0 : i32
    %dma_wait3A_933 = arith.constant 0 : i32
    %dma_wait3A_934 = arith.constant 0 : i32
    %dma_wait3A_935 = tpu.memref_slice %arg6[%dma_wait3A_932, %dma_wait3A_933, %dma_wait3A_934] : memref<2x56x1024xf32, #tpu.memory_space<vmem>> -> memref<1x16x1024xf32, #tpu.memory_space<vmem>>
    %dma_wait3A_936 = tpu.memref_squeeze %dma_wait3A_935 : memref<1x16x1024xf32, #tpu.memory_space<vmem>> -> memref<16x1024xf32, #tpu.memory_space<vmem>>
    %dma_wait3A_937 = arith.constant 0 : i32
    %dma_wait3A_938 = tpu.memref_slice %arg4[%add3A_905, %dma_wait3A_937] : memref<32768x1024xf32, #tpu.memory_space<hbm>> -> memref<16x1024xf32, #tpu.memory_space<hbm>>
    %dma_wait3A_939 = arith.constant 0 : i32
    %dma_wait3A_940 = tpu.memref_slice %arg4[%add3A_905, %dma_wait3A_939] : memref<32768x1024xf32, #tpu.memory_space<hbm>> -> memref<16x1024xf32, #tpu.memory_space<hbm>>
    %dma_wait3A_941 = arith.constant 0 : i32
    %dma_wait3A_942 = arith.constant 0 : i32
    %dma_wait3A_943 = tpu.memref_slice %arg6[%dma_wait3A_932, %dma_wait3A_941, %dma_wait3A_942] : memref<2x56x1024xf32, #tpu.memory_space<vmem>> -> memref<1x16x1024xf32, #tpu.memory_space<vmem>>
    %dma_wait3A_944 = tpu.memref_squeeze %dma_wait3A_943 : memref<1x16x1024xf32, #tpu.memory_space<vmem>> -> memref<16x1024xf32, #tpu.memory_space<vmem>>
    tpu.wait_dma2 semaphore(%arg9 : memref<!tpu.dma_semaphore, #tpu.memory_space<semaphore_mem>>) src(%dma_wait3A_944 : memref<16x1024xf32, #tpu.memory_space<vmem>>) dst(%dma_wait3A_940 : memref<16x1024xf32, #tpu.memory_space<hbm>>)
    return
  }
}

</mosaic_0001>

<sc_bundles>
// kernel: kernel.3.cloned.1.call-start
scs
__scs_entry_jumppad:
0x0: {  	(pc) =	sbr.rel $0x88, $3  }
0x1: {  	(tag) =	ssettag $0x0;
	lr =	simm.s32 $0x1  }
0x2: {  	[smem:$0x3F9F] =	sst lr;
	_ =	strace $0xD0000000  }
0x3: {  	_ = 	snop  }
0x4: {  	_ = 	snop  }
0x5: {  	_ = 	snop  }
0x6: {  	_ = 	snop  }
0x7: {  	_ = 	snop  }
__scs_overlays_trampoline_lowered:
0x8: {  	[smem:$0x3FAE] =	sst s0  }
0x9: {  	[smem:$0x3FAF] =	sst s1  }
0xa: {  	[smem:$0x3FB0] =	sst s2  }
0xb: {  	[smem:$0x3FB1] =	sst s3  }
0xc: {  	[smem:$0x3FB2] =	sst s4  }
0xd: {  	[smem:$0x3FB3] =	sst s5  }
0xe: {  	[smem:$0x3FB4] =	sst s6  }
0xf: {  	[smem:$0x3FB5] =	sst s7  }
0x10: {  	[smem:$0x3FB6] =	sst s8  }
0x11: {  	[smem:$0x3FB7] =	sst s9;
	s0 =	simm.s32 @!p0 $0x0  }
0x12: {  	s1 =	sld [smem:$0x3F9D];
	s0 =	simm.s32 @p0 $0x1  }
0x13: {  	[smem:$0x3FB8] =	sst s0;
	s0 =	simm.s32 @!p1 $0x0  }
0x14: {  	s2 =	sld [smem:$0x3F9C];
	s0 =	simm.s32 @p1 $0x1  }
0x15: {  	[smem:$0x3FB9] =	sst s0;
	s0 =	simm.s32 @!p2 $0x0  }
0x16: {  	s3 =	sld [smem:$0x3FDB];
	s0 =	simm.s32 @p2 $0x1  }
0x17: {  	s4 =	simm.s32 $0x1BF5;
	[smem:$0x3FBB] =	sst s0  }
0x18: {  	s0 =	sld [smem:$0x3F9E];
	_ =	swait.ge [sflag:s4], $0x0  }
0x19: {  	s7 =	sld [smem:$0x3F9F]  }
0x1a: {  	s8 =	sadd.s32 $0xFFFFE003, lr  }
0x1b: {  	s9 =	sadd.s32 $0xFFFFFEF7, lr;
	s5 =	simm.s32 $0xFFFFFFFF;
	p2 =	slt.u32 s8, $0xFFFFF086  }
0x1c: {  	p1 =	slt.u32 s9, $0xF7A;
	s5 =	simm.s32 @!p2 $0x0  }
0x1d: {  	s5 =	simm.s32 @p1 $0x1;
	p0 =	seq.s32 s7, s2  }
0x1e: {  	s7 =	smul.u32 @!p0 $0xF7A, s2;
	p2 =	seq.s32 @!p0 s5, $0x0  }
0x1f: {  	s9 =	smul.u32 $0xF7A, s1;
	s8 =	simm.s32 @!p0 $0x1BF5;
	p2 =	por !p2, p0  }
0x20: {  	[sflag:s8] =	ssyncset.s32 @!p0 $0xFFFFF086;
	s6 =	sadd.s32 @!p0 s3, s7;
	s7 =	simm.s32 @!p0 $0x108  }
0x21: {  	s3 =	sadd.s32 s3, s9;
	s6 =	sadd.s32 @!p0 $0x88, s6;
	s7 =	simm.s32 @p2 $0x1082  }
0x22: {  	[simem:s7], [sflag:s8] =	dma.local @!p0 [hbm:s6], $0xF7A  }
0x23: {  	s9 =	sor.u32 $0xD0000000, s2;
	s6 =	simm.s32 $0x108;
	_ =	swait.ge @!p0 [sflag:s8], $0x0  }
0x24: {  	s3 =	sadd.s32 $0x88, s3;
	s6 =	simm.s32 @!p1 $0x1082;
	[sflag:s4] =	ssyncset.s32 $0xFFFFF086  }
0x25: {  	[simem:s6], [sflag:s4] =	dma.local [hbm:s3], $0xF7A  }
0x26: {  	[smem:$0x3F9F] =	sst s1;
	(tag) =	ssettag s2;
	_ =	strace s9  }
0x27: {  	s1 =	sld [smem:$0x3FAF]  }
0x28: {  	s2 =	sld [smem:$0x3FB0]  }
0x29: {  	s4 =	sld [smem:$0x3FB2]  }
0x2a: {  	p0 =	seq.s32 s5, $0x0;
	s5 =	sld [smem:$0x3FB3]  }
0x2b: {  	s6 =	sld [smem:$0x3FB4]  }
0x2c: {  	s7 =	sld [smem:$0x3FB5]  }
0x2d: {  	s3 =	simm.s32 $0x108;
	s8 =	sld [smem:$0x3FB6]  }
0x2e: {  	s3 =	simm.s32 @!p0 $0x1082;
	s9 =	sld [smem:$0x3FB7]  }
0x2f: {  	lr =	sadd.s32 s0, s3;
	s0 =	sld [smem:$0x3FAE]  }
0x30: {  	s3 =	sld [smem:$0x3FB1]  }
0x31: {  	[smem:$0x3FBA] =	sst s10  }
0x32: {  	s10 =	sld [smem:$0x3FB8];
	_ =	sdelay $0x3  }
0x33: {  	p0 =	seq.s32 s10, $0x1;
	s10 =	sld [smem:$0x3FBA];
	_ =	sdelay $0x3  }
0x34: {  	[smem:$0x3FBA] =	sst s10  }
0x35: {  	s10 =	sld [smem:$0x3FB9];
	_ =	sdelay $0x3  }
0x36: {  	p1 =	seq.s32 s10, $0x1;
	s10 =	sld [smem:$0x3FBA];
	_ =	sdelay $0x3  }
0x37: {  	[smem:$0x3FBA] =	sst s10  }
0x38: {  	s10 =	sld [smem:$0x3FBB]  }
0x39: {  	_ = 	snop;
	(pc) =	sbr.ind lr, $3  }
0x3a: {  	_ = 	snop  }
0x3b: {  	_ = 	snop  }
0x3c: {  	p2 =	seq.s32 s10, $0x1;
	s10 =	sld [smem:$0x3FBA]  }
0x3d: {  	_ =	shalt  }
0x3e: {  	_ =	shalt  }
0x3f: {  	_ =	shalt  }
0x40: {  	_ =	shalt  }
0x41: {  	_ =	shalt  }
0x42: {  	_ =	shalt  }
0x43: {  	_ =	shalt  }
0x44: {  	_ =	shalt  }
0x45: {  	_ =	shalt  }
0x46: {  	_ =	shalt  }
0x47: {  	_ =	shalt  }
0x48: {  	_ =	shalt  }
0x49: {  	_ =	shalt  }
0x4a: {  	_ =	shalt  }
0x4b: {  	_ =	shalt  }
0x4c: {  	_ =	shalt  }
0x4d: {  	_ =	shalt  }
0x4e: {  	_ =	shalt  }
0x4f: {  	_ =	shalt  }
0x50: {  	_ =	shalt  }
0x51: {  	_ =	shalt  }
0x52: {  	_ =	shalt  }
0x53: {  	_ =	shalt  }
0x54: {  	_ =	shalt  }
0x55: {  	_ =	shalt  }
0x56: {  	_ =	shalt  }
0x57: {  	_ =	shalt  }
0x58: {  	_ =	shalt  }
0x59: {  	_ =	shalt  }
0x5a: {  	_ =	shalt  }
0x5b: {  	_ =	shalt  }
0x5c: {  	_ =	shalt  }
0x5d: {  	_ =	shalt  }
0x5e: {  	_ =	shalt  }
0x5f: {  	_ =	shalt  }
0x60: {  	_ =	shalt  }
0x61: {  	_ =	shalt  }
0x62: {  	_ =	shalt  }
0x63: {  	_ =	shalt  }
0x64: {  	_ =	shalt  }
0x65: {  	_ =	shalt  }
0x66: {  	_ =	shalt  }
0x67: {  	_ =	shalt  }
0x68: {  	_ =	shalt  }
0x69: {  	_ =	shalt  }
0x6a: {  	_ =	shalt  }
0x6b: {  	_ =	shalt  }
0x6c: {  	_ =	shalt  }
0x6d: {  	_ =	shalt  }
0x6e: {  	_ =	shalt  }
0x6f: {  	_ =	shalt  }
0x70: {  	_ =	shalt  }
0x71: {  	_ =	shalt  }
0x72: {  	_ =	shalt  }
0x73: {  	_ =	shalt  }
0x74: {  	_ =	shalt  }
0x75: {  	_ =	shalt  }
0x76: {  	_ =	shalt  }
0x77: {  	_ =	shalt  }
0x78: {  	_ =	shalt  }
0x79: {  	_ =	shalt  }
0x7a: {  	_ =	shalt  }
0x7b: {  	_ =	shalt  }
0x7c: {  	_ =	shalt  }
0x7d: {  	_ =	shalt  }
0x7e: {  	_ =	shalt  }
0x7f: {  	_ =	shalt  }
0x80: {  	_ =	shalt  }
0x81: {  	_ =	shalt  }
0x82: {  	_ =	shalt  }
0x83: {  	_ =	shalt  }
0x84: {  	_ =	shalt  }
0x85: {  	_ =	shalt  }
0x86: {  	_ =	shalt  }
0x87: {  	_ =	shalt  }
.Lfunc_end0:
.L_simem_size_0:
called_computation_lowered:
.L_overlay_start_0:
0x88: {  	s2 =	sld [smem:$0x3FD9]  }
0x89: {  	s3 =	sld [smem:$0x3FFE];
	_ =	sdelay $0x1  }
0x8a: {  	s1 =	srdreg.scid  }
0x8b: {  	s0 =	sand.u32 $0x1, s1  }
0x8c: {  	s18 =	sshll.u32 s0, $0xA;
	s2 =	sadd.s32 s3, s2  }
0x8d: {  	s2 =	sadd.s32 s2, s18  }
0x8e: {  	[smem:$0x3FC6] =	sst s2  }
0x8f: {  	_ = 	snop  }
0x90: {  	s2 =	sld [smem:$0x3FC9]  }
0x91: {  	s19 =	sld [smem:$0x3FC8]  }
0x92: {  	s4 =	sld [smem:$0x3FD0];
	(tm) =	ssettm $0x1  }
0x93: {  	s5 =	sld [smem:$0x3FFB];
	_ =	sdelay $0x3  }
0x94: {  	_ =	strace s5  }
0x95: {  	s5 =	sld [smem:$0x3FFC];
	_ =	sdelay $0x3  }
0x96: {  	_ =	strace s5  }
0x97: {  	s5 =	sld [smem:$0x3FFD];
	_ =	sdelay $0x3  }
0x98: {  	_ =	strace s5  }
0x99: {  	_ =	strace $0x8FFFFFFF  }
0x9a: {  	s20 =	sld [smem:$0x3FDB];
	_ =	sdelay $0x1  }
0x9b: {  	s6 =	simm.s32 $_scs_section_size  }
0x9c: {  	s7 =	simm.s32 $_size__tile_overlayer_lowered;
	s8 =	simm.s32 $_tile_overlayer_lowered  }
0x9d: {  	s23 =	simm.s32 $0x1BFF;
	s22 =	sshll.u32 s8, $0x1;
	s5 =	sadd.s32 s6, s20  }
0x9e: {  	s9 =	simm.s32 $0x0;
	s21 =	sshll.u32 s7, $0x1;
	s7 =	sadd.s32 s22, s5  }
0x9f: {  	[timem:s9], [sflag:s23] =	dma.local [hbm:s7], s21  }
0xa0: {  	_ =	swait.ge [sflag:s23], s21  }
0xa1: {  	s6 =	ssub.s32 $0x0, s21;
	[sflag:s23] =	ssyncset.done $0x0  }
0xa2: {  	[sflag:s23] =	ssyncadd.s32 s6;
	_ =	sdelay $0x1  }
0xa3: {  	s24 =	simm.s32 $0x1B8B  }
0xa4: {  	_ =	swait.ge [sflag:s24], $0x1  }
0xa5: {  	[sflag:s24] =	ssyncset.done $0x0  }
0xa6: {  	s25 =	simm.s32 $0x1B8E;
	[sflag:s24] =	ssyncadd.s32 $0xFFFFFFFF  }
0xa7: {  	s26 =	simm.s32 $execute0_lowered;
	[smem:$0x3FD2] =	sst s25  }
0xa8: {  	s6 =	sshll.u32 s26, $0x1;
	_ =	strace $0x80000046;
	[dreg:$0x1] =	wrdreg $0xFFFFFFFF  }
0xa9: {  	s28 =	simm.s32 $_size_execute0_lowered;
	s5 =	sadd.s32 s5, s6;
	[dreg:$0x0] =	wrdreg $0x0  }
0xaa: {  	s6 =	sshll.u32 s28, $0x1;
	[dreg:$0x2] =	wrdreg s5  }
0xab: {  	[dreg:$0x3] =	wrdreg s6  }
0xac: {  	[dreg:$0x4] =	wrdreg $0xC0  }
0xad: {  	_ =	task [dreg:s9], $0x5FFFF  }
0xae: {  	[dreg:$0x1] =	wrdreg $0xFFFFFFFF  }
0xaf: {  	[dreg:$0x0] =	wrdreg $0x60  }
0xb0: {  	[dreg:$0x2] =	wrdreg s19  }
0xb1: {  	[dreg:$0x3] =	wrdreg s2  }
0xb2: {  	[dreg:$0x4] =	wrdreg s4  }
0xb3: {  	[dreg:$0x5] =	wrdreg $0x9  }
0xb4: {  	_ =	task.clear_ibuf [dreg:s9], $0x6FFFF;
	_ =	strace $0x90000046  }
0xb5: {  	s29 =	simm.s32 $0x9;
	_ =	strace $0x80000048  }
0xb6: {  	_ =	swait.ge [sflag:s29], $0x1  }
0xb7: {  	[sflag:s29] =	ssyncadd.s32 $0xFFFFFFFF  }
0xb8: {  	_ =	strace $0x90000048  }
0xb9: {  	_ =	sfence  }
0xba: {  	s30 =	sld [smem:$0x0];
	_ =	sdelay $0x2  }
0xbb: {  	s31 =	sshll.u32 s1, $0xD;
	s1 =	sshrl.u32 s1, $0x2  }
0xbc: {  	s3 =	sand.u32 $0x4000, s31;
	s1 =	sadd.s32 s1, s30  }
0xbd: {  	s0 =	sor.u32 s3, s0;
	s1 =	sshll.u32 s1, $0x11  }
0xbe: {  	s0 =	sor.u32 s1, s0  }
0xbf: {  	s0 =	sadd.s32 $0x8F2B, s0  }
0xc0: {  	[sflag:s0] =	ssyncadd.remote.s32 $0x1  }
0xc1: {  	_ =	sfence.sel $0xFFFF  }
0xc2: {  	[dreg:$0x0] =	wrdreg $0xFFFFFFFF;
	(pc) =	sbr.abs _section_cstart, $3  }
0xc3: {  	[dreg:$0x1] =	wrdreg $0xFFFFFFFF  }
0xc4: {  	_ =	task.clear_ibuf [dreg:s9], $0x2FFFF;
	_ =	strace $0x9FFFFFFF  }
0xc5: {  	(tm) =	ssettm $0x7FFFFFFF  }
tec
execute0_lowered:
.L_overlay_start_1:
0x0: {  	(tag) =	ssettag $0x1  }
0x1: {  	s2 =	rddreg [dreg:$0x0]  }
0x2: {  	s0 =	rddreg [dreg:$0x1]  }
0x3: {  	s1 =	rddreg [dreg:$0x2];
	s3 =	srdreg.scid  }
0x4: {  	s6 =	stileid.u32;
	s30 =	simm.s32 $0x80;
	s31 =	simm.s32 $0x200  }
0x5: {  	s4 =	sand.u32 $0x1, s3;
	s5 =	sshll.u32 s6, $0x1;
	s6 =	sshll.u32 s6, $0x2  }
0x6: {  	s3 =	simm.s32 $0x0;
	s5 =	sor.u32 s4, s5;
	s6 =	sand.u32 $0x30, s6  }
0x7: {  	[smem:$0x7FF] =	sst s3;
	s7 =	sshll.u32 s5, $0x9;
	s0 =	sadd.s32 s0, s6  }
0x8: {  	s5 =	sshll.u32 s5, $0x11;
	_ =	strace $0x80000047;
	[dreg:$0x17] =	wrdreg s30  }
0x9: {  	[dreg:$0x18] =	wrdreg s31;
	s7 =	sand.u32 $0xE00, s7;
	s9 =	sadd.s32 s1, s5  }
0xa: {  	s0 =	sadd.s32 s7, s0;
	[dreg:$0x19] =	wrdreg s9  }
0xb: {  	s10 =	sadd.s32 $0x1C00, s9;
	[dreg:$0x4] =	wrdreg s0  }
0xc: {  	s11 =	sadd.s32 $0x3800, s9;
	[dreg:$0x5] =	wrdreg s10  }
0xd: {  	s12 =	sadd.s32 $0x5400, s9;
	[dreg:$0x6] =	wrdreg s11  }
0xe: {  	s13 =	sadd.s32 $0x7000, s9;
	[dreg:$0x7] =	wrdreg s12  }
0xf: {  	s14 =	sadd.s32 $0x8C00, s9;
	[dreg:$0x8] =	wrdreg s13  }
0x10: {  	s15 =	sadd.s32 $0xA800, s9;
	[dreg:$0x9] =	wrdreg s14  }
0x11: {  	s16 =	sadd.s32 $0xC400, s9;
	[dreg:$0xa] =	wrdreg s15  }
0x12: {  	s17 =	sadd.s32 $0xE000, s9;
	[dreg:$0xb] =	wrdreg s16  }
0x13: {  	s18 =	sadd.s32 $0xFC00, s9;
	[dreg:$0xc] =	wrdreg s17  }
0x14: {  	s24 =	ssub.s32 $0x2, s4;
	s19 =	sadd.s32 $0x11800, s9;
	[dreg:$0xd] =	wrdreg s18  }
0x15: {  	s4 =	sshrl.u32 s24, $0x1;
	s20 =	sadd.s32 $0x13400, s9;
	[dreg:$0xe] =	wrdreg s19  }
0x16: {  	s6 =	sadd.s32 $0x200, s2;
	s21 =	sadd.s32 $0x15000, s9;
	[dreg:$0xf] =	wrdreg s20  }
0x17: {  	s1 =	ssub.s32 s24, s4;
	s22 =	sadd.s32 $0x16C00, s9;
	[dreg:$0x10] =	wrdreg s21  }
0x18: {  	s5 =	sadd.s32 $0x100, s2;
	s23 =	sadd.s32 $0x18800, s9;
	[dreg:$0x11] =	wrdreg s22  }
0x19: {  	s4 =	simm.s32 $0x3;
	s25 =	sadd.s32 $0x1A400, s9;
	[dreg:$0x12] =	wrdreg s23  }
0x1a: {  	s26 =	sadd.s32 $0x1C000, s9;
	s28 =	sadd.s32 $0x1DC00, s9;
	[dreg:$0x13] =	wrdreg s25  }
0x1b: {  	v2 =	vlaneseq.u32;
	s29 =	sadd.s32 $0x1F800, s9;
	s7 =	sadd.s32 $0x300, s2;
	[dreg:$0x14] =	wrdreg s26  }
0x1c: {  	vm0 =	vmmov $0xffff;
	v1 =	vshrl.u32 v2, $0x3;
	s1 =	smax.u32 s1, $0x1;
	s9 =	simm.s32 $0x1;
	[dreg:$0x15] =	wrdreg s28  }
0x1d: {  	v0 =	vand.u32 $0x7, v2;
	v2 =	vor.u32 $0x8, v2;
	v1 =	vmul.u32 $0x8, v1;
	[dreg:$0x16] =	wrdreg s29;
	s18 =	simm.s32 $0x2;
	s19 =	simm.s32 $0x4  }
.LBB2_1:
0x1e: {  	[dreg:$0x1a] =	wrdreg s1  }
0x1f: {  	s20 =	rddreg [dreg:$0x4]  }
0x20: {  	s22 =	rddreg [dreg:$0x17]  }
0x21: {  	s23 =	rddreg [dreg:$0x18];
	s17 =	simm.s32 $0x5  }
0x22: {  	[tilespmem:s3], [sflag:$0x5] =	stream.strided.gather [hbm4b:s20+s22], $0x400, s23, s22, $0x38;
	[tilespmem:$0x1C400] =	vst v63  }
0x23: {  	_ =	swait.ge [sflag:s17], $0x400  }
0x24: {  	[sflag:s17] =	ssyncset.done $0x0  }
0x25: {  	[sflag:s17] =	ssyncadd.s32 $0xFFFFFC00  }
0x26: {  	v3 =	vld [tilespmem:$0x0];
	_ =	sdelay $0x4  }
0x27: {  	v4 =	vshll.u32 v3, $0x3  }
0x28: {  	v3 =	vand.u32 $0x7, v3;
	v4 =	vand.u32 $0xFFFFFFC0, v4  }
0x29: {  	v3 =	vor.u32 v3, v4  }
0x2a: {  	v4 =	vperm.xlane v3, v0;
	_ =	sdelay $0x1  }
0x2b: {  	v4 =	vadd.s32 v1, v4;
	_ =	sdelay $0x3  }
0x2c: {  	s0 =	simm.s32 $0x400  }
0x2d: {  	[tilespmem:s0], [sflag:$0x1] =	stream.indirect_vreg.gather [hbm4b:s2+s3], $0x80, v4, vm0, $0xb8;
	[tilespmem:$0x1C400] =	vst v63  }
0x2e: {  	s20 =	simm.s32 $0xC00;
	v3 =	vperm.xlane v3, v2  }
0x2f: {  	[tilespmem:s20], [sflag:$0x1] =	stream.indirect_vreg.gather [hbm4b:s5+s3], $0x80, v4, vm0, $0xb8;
	[tilespmem:$0x1C400] =	vst v63  }
0x30: {  	s21 =	simm.s32 $0x1400;
	v3 =	vadd.s32 v1, v3  }
0x31: {  	[tilespmem:s21], [sflag:$0x1] =	stream.indirect_vreg.gather [hbm4b:s6+s3], $0x80, v4, vm0, $0xb8;
	[tilespmem:$0x1C400] =	vst v63  }
0x32: {  	s22 =	simm.s32 $0x1C00  }
0x33: {  	[tilespmem:s22], [sflag:$0x1] =	stream.indirect_vreg.gather [hbm4b:s7+s3], $0x80, v4, vm0, $0xb8;
	[tilespmem:$0x1C400] =	vst v63  }
0x34: {  	s23 =	simm.s32 $0x2400  }
0x35: {  	[tilespmem:s23], [sflag:$0x1] =	stream.indirect_vreg.gather [hbm4b:s2+s3], $0x80, v3, vm0, $0xb8;
	[tilespmem:$0x1C400] =	vst v63  }
0x36: {  	s24 =	simm.s32 $0x2C00  }
0x37: {  	[tilespmem:s24], [sflag:$0x1] =	stream.indirect_vreg.gather [hbm4b:s5+s3], $0x80, v3, vm0, $0xb8;
	[tilespmem:$0x1C400] =	vst v63  }
0x38: {  	s25 =	simm.s32 $0x3400  }
0x39: {  	[tilespmem:s25], [sflag:$0x1] =	stream.indirect_vreg.gather [hbm4b:s6+s3], $0x80, v3, vm0, $0xb8;
	[tilespmem:$0x1C400] =	vst v63  }
0x3a: {  	s28 =	simm.s32 $0x3C00  }
0x3b: {  	[tilespmem:s28], [sflag:$0x1] =	stream.indirect_vreg.gather [hbm4b:s7+s3], $0x80, v3, vm0, $0xb8;
	[tilespmem:$0x1C400] =	vst v63  }
0x3c: {  	v3 =	vld [tilespmem:$0x10];
	_ =	sdelay $0x4  }
0x3d: {  	v48 =	vshll.u32 v3, $0x3  }
0x3e: {  	v3 =	vand.u32 $0x7, v3;
	v4 =	vand.u32 $0xFFFFFFC0, v48  }
0x3f: {  	v3 =	vor.u32 v3, v4  }
0x40: {  	v4 =	vperm.xlane v3, v0;
	_ =	sdelay $0x1  }
0x41: {  	v4 =	vadd.s32 v1, v4;
	_ =	sdelay $0x3  }
0x42: {  	s29 =	simm.s32 $0x4400  }
0x43: {  	[tilespmem:s29], [sflag:$0x1] =	stream.indirect_vreg.gather [hbm4b:s2+s3], $0x80, v4, vm0, $0xb8;
	[tilespmem:$0x1C400] =	vst v63  }
0x44: {  	s30 =	simm.s32 $0x4C00;
	v3 =	vperm.xlane v3, v2  }
0x45: {  	[tilespmem:s30], [sflag:$0x1] =	stream.indirect_vreg.gather [hbm4b:s5+s3], $0x80, v4, vm0, $0xb8;
	[tilespmem:$0x1C400] =	vst v63  }
0x46: {  	s31 =	simm.s32 $0x5400;
	v3 =	vadd.s32 v1, v3  }
0x47: {  	[tilespmem:s31], [sflag:$0x1] =	stream.indirect_vreg.gather [hbm4b:s6+s3], $0x80, v4, vm0, $0xb8;
	[tilespmem:$0x1C400] =	vst v63  }
0x48: {  	s10 =	simm.s32 $0x5C00  }
0x49: {  	[tilespmem:s10], [sflag:$0x1] =	stream.indirect_vreg.gather [hbm4b:s7+s3], $0x80, v4, vm0, $0xb8;
	[tilespmem:$0x1C400] =	vst v63  }
0x4a: {  	s11 =	simm.s32 $0x6400  }
0x4b: {  	[tilespmem:s11], [sflag:$0x1] =	stream.indirect_vreg.gather [hbm4b:s2+s3], $0x80, v3, vm0, $0xb8;
	[tilespmem:$0x1C400] =	vst v63  }
0x4c: {  	s14 =	simm.s32 $0x6C00  }
0x4d: {  	[tilespmem:s14], [sflag:$0x1] =	stream.indirect_vreg.gather [hbm4b:s5+s3], $0x80, v3, vm0, $0xb8;
	[tilespmem:$0x1C400] =	vst v63  }
0x4e: {  	s15 =	simm.s32 $0x7400  }
0x4f: {  	[tilespmem:s15], [sflag:$0x1] =	stream.indirect_vreg.gather [hbm4b:s6+s3], $0x80, v3, vm0, $0xb8;
	[tilespmem:$0x1C400] =	vst v63  }
0x50: {  	s16 =	simm.s32 $0x7C00  }
0x51: {  	[tilespmem:s16], [sflag:$0x1] =	stream.indirect_vreg.gather [hbm4b:s7+s3], $0x80, v3, vm0, $0xb8;
	[tilespmem:$0x1C400] =	vst v63  }
0x52: {  	v3 =	vld [tilespmem:$0x20];
	_ =	sdelay $0x4  }
0x53: {  	v49 =	vshll.u32 v3, $0x3  }
0x54: {  	v3 =	vand.u32 $0x7, v3;
	v4 =	vand.u32 $0xFFFFFFC0, v49  }
0x55: {  	v3 =	vor.u32 v3, v4  }
0x56: {  	v4 =	vperm.xlane v3, v0;
	_ =	sdelay $0x1  }
0x57: {  	v4 =	vadd.s32 v1, v4;
	_ =	sdelay $0x3  }
0x58: {  	s20 =	simm.s32 $0x8400  }
0x59: {  	[tilespmem:s20], [sflag:$0x1] =	stream.indirect_vreg.gather [hbm4b:s2+s3], $0x80, v4, vm0, $0xb8;
	[tilespmem:$0x1C400] =	vst v63  }
0x5a: {  	s21 =	simm.s32 $0x8C00;
	v3 =	vperm.xlane v3, v2  }
0x5b: {  	[tilespmem:s21], [sflag:$0x1] =	stream.indirect_vreg.gather [hbm4b:s5+s3], $0x80, v4, vm0, $0xb8;
	[tilespmem:$0x1C400] =	vst v63  }
0x5c: {  	s25 =	simm.s32 $0x9400;
	v3 =	vadd.s32 v1, v3  }
0x5d: {  	[tilespmem:s25], [sflag:$0x1] =	stream.indirect_vreg.gather [hbm4b:s6+s3], $0x80, v4, vm0, $0xb8;
	[tilespmem:$0x1C400] =	vst v63  }
0x5e: {  	s28 =	simm.s32 $0x9C00  }
0x5f: {  	[tilespmem:s28], [sflag:$0x1] =	stream.indirect_vreg.gather [hbm4b:s7+s3], $0x80, v4, vm0, $0xb8;
	[tilespmem:$0x1C400] =	vst v63  }
0x60: {  	s29 =	simm.s32 $0xA400  }
0x61: {  	[tilespmem:s29], [sflag:$0x1] =	stream.indirect_vreg.gather [hbm4b:s2+s3], $0x80, v3, vm0, $0xb8;
	[tilespmem:$0x1C400] =	vst v63  }
0x62: {  	s30 =	simm.s32 $0xAC00  }
0x63: {  	[tilespmem:s30], [sflag:$0x1] =	stream.indirect_vreg.gather [hbm4b:s5+s3], $0x80, v3, vm0, $0xb8;
	[tilespmem:$0x1C400] =	vst v63  }
0x64: {  	s31 =	simm.s32 $0xB400  }
0x65: {  	[tilespmem:s31], [sflag:$0x1] =	stream.indirect_vreg.gather [hbm4b:s6+s3], $0x80, v3, vm0, $0xb8;
	[tilespmem:$0x1C400] =	vst v63  }
0x66: {  	s15 =	simm.s32 $0xBC00  }
0x67: {  	[tilespmem:s15], [sflag:$0x1] =	stream.indirect_vreg.gather [hbm4b:s7+s3], $0x80, v3, vm0, $0xb8;
	[tilespmem:$0x1C400] =	vst v63  }
0x68: {  	v3 =	vld.msk [tilespmem:$0x30], $0xff;
	_ =	sdelay $0x4  }
0x69: {  	v50 =	vshll.u32 v3, $0x3  }
0x6a: {  	v3 =	vand.u32 $0x7, v3;
	v4 =	vand.u32 $0xFFFFFFC0, v50  }
0x6b: {  	v3 =	vor.u32 v3, v4  }
0x6c: {  	v3 =	vperm.xlane v3, v0;
	_ =	sdelay $0x1  }
0x6d: {  	v3 =	vadd.s32 v1, v3;
	_ =	sdelay $0x3  }
0x6e: {  	s16 =	simm.s32 $0xC400  }
0x6f: {  	[tilespmem:s16], [sflag:$0x1] =	stream.indirect_vreg.gather [hbm4b:s2+s3], $0x80, v3, vm0, $0xb8;
	[tilespmem:$0x1C400] =	vst v63  }
0x70: {  	s20 =	simm.s32 $0xCC00  }
0x71: {  	[tilespmem:s20], [sflag:$0x1] =	stream.indirect_vreg.gather [hbm4b:s5+s3], $0x80, v3, vm0, $0xb8;
	[tilespmem:$0x1C400] =	vst v63  }
0x72: {  	s21 =	simm.s32 $0xD400  }
0x73: {  	[tilespmem:s21], [sflag:$0x1] =	stream.indirect_vreg.gather [hbm4b:s6+s3], $0x80, v3, vm0, $0xb8;
	[tilespmem:$0x1C400] =	vst v63  }
0x74: {  	s16 =	simm.s32 $0xDC00  }
0x75: {  	[tilespmem:s16], [sflag:$0x1] =	stream.indirect_vreg.gather [hbm4b:s7+s3], $0x80, v3, vm0, $0xb8;
	[tilespmem:$0x1C400] =	vst v63  }
0x76: {  	v3 =	vld [tilespmem:$0x38];
	_ =	sdelay $0x4  }
0x77: {  	v51 =	vshll.u32 v3, $0x3  }
0x78: {  	v3 =	vand.u32 $0x7, v3;
	v4 =	vand.u32 $0xFFFFFFC0, v51  }
0x79: {  	v3 =	vor.u32 v3, v4  }
0x7a: {  	v4 =	vperm.xlane v3, v0;
	_ =	sdelay $0x1  }
0x7b: {  	v4 =	vadd.s32 v1, v4;
	_ =	sdelay $0x3  }
0x7c: {  	s20 =	simm.s32 $0xE400  }
0x7d: {  	[tilespmem:s20], [sflag:$0x2] =	stream.indirect_vreg.gather [hbm4b:s2+s3], $0x80, v4, vm0, $0xb8;
	[tilespmem:$0x1C400] =	vst v63  }
0x7e: {  	v3 =	vperm.xlane v3, v2;
	s20 =	simm.s32 $0xEC00  }
0x7f: {  	[tilespmem:s20], [sflag:$0x2] =	stream.indirect_vreg.gather [hbm4b:s5+s3], $0x80, v4, vm0, $0xb8;
	[tilespmem:$0x1C400] =	vst v63  }
0x80: {  	v3 =	vadd.s32 v1, v3;
	s20 =	simm.s32 $0xF400  }
0x81: {  	[tilespmem:s20], [sflag:$0x2] =	stream.indirect_vreg.gather [hbm4b:s6+s3], $0x80, v4, vm0, $0xb8;
	[tilespmem:$0x1C400] =	vst v63  }
0x82: {  	s20 =	simm.s32 $0xFC00  }
0x83: {  	[tilespmem:s20], [sflag:$0x2] =	stream.indirect_vreg.gather [hbm4b:s7+s3], $0x80, v4, vm0, $0xb8;
	[tilespmem:$0x1C400] =	vst v63  }
0x84: {  	s20 =	simm.s32 $0x10400  }
0x85: {  	[tilespmem:s20], [sflag:$0x2] =	stream.indirect_vreg.gather [hbm4b:s2+s3], $0x80, v3, vm0, $0xb8;
	[tilespmem:$0x1C400] =	vst v63  }
0x86: {  	s20 =	simm.s32 $0x10C00  }
0x87: {  	[tilespmem:s20], [sflag:$0x2] =	stream.indirect_vreg.gather [hbm4b:s5+s3], $0x80, v3, vm0, $0xb8;
	[tilespmem:$0x1C400] =	vst v63  }
0x88: {  	s20 =	simm.s32 $0x11400  }
0x89: {  	[tilespmem:s20], [sflag:$0x2] =	stream.indirect_vreg.gather [hbm4b:s6+s3], $0x80, v3, vm0, $0xb8;
	[tilespmem:$0x1C400] =	vst v63  }
0x8a: {  	s20 =	simm.s32 $0x11C00  }
0x8b: {  	[tilespmem:s20], [sflag:$0x2] =	stream.indirect_vreg.gather [hbm4b:s7+s3], $0x80, v3, vm0, $0xb8;
	[tilespmem:$0x1C400] =	vst v63  }
0x8c: {  	v3 =	vld [tilespmem:$0x48];
	_ =	sdelay $0x4  }
0x8d: {  	v52 =	vshll.u32 v3, $0x3  }
0x8e: {  	v3 =	vand.u32 $0x7, v3;
	v4 =	vand.u32 $0xFFFFFFC0, v52  }
0x8f: {  	v3 =	vor.u32 v3, v4  }
0x90: {  	v4 =	vperm.xlane v3, v0;
	_ =	sdelay $0x1  }
0x91: {  	v4 =	vadd.s32 v1, v4;
	_ =	sdelay $0x3  }
0x92: {  	s20 =	simm.s32 $0x12400  }
0x93: {  	[tilespmem:s20], [sflag:$0x2] =	stream.indirect_vreg.gather [hbm4b:s2+s3], $0x80, v4, vm0, $0xb8;
	[tilespmem:$0x1C400] =	vst v63  }
0x94: {  	v3 =	vperm.xlane v3, v2;
	s20 =	simm.s32 $0x12C00  }
0x95: {  	[tilespmem:s20], [sflag:$0x2] =	stream.indirect_vreg.gather [hbm4b:s5+s3], $0x80, v4, vm0, $0xb8;
	[tilespmem:$0x1C400] =	vst v63  }
0x96: {  	v3 =	vadd.s32 v1, v3;
	s20 =	simm.s32 $0x13400  }
0x97: {  	[tilespmem:s20], [sflag:$0x2] =	stream.indirect_vreg.gather [hbm4b:s6+s3], $0x80, v4, vm0, $0xb8;
	[tilespmem:$0x1C400] =	vst v63  }
0x98: {  	s20 =	simm.s32 $0x13C00  }
0x99: {  	[tilespmem:s20], [sflag:$0x2] =	stream.indirect_vreg.gather [hbm4b:s7+s3], $0x80, v4, vm0, $0xb8;
	[tilespmem:$0x1C400] =	vst v63  }
0x9a: {  	s20 =	simm.s32 $0x14400  }
0x9b: {  	[tilespmem:s20], [sflag:$0x2] =	stream.indirect_vreg.gather [hbm4b:s2+s3], $0x80, v3, vm0, $0xb8;
	[tilespmem:$0x1C400] =	vst v63  }
0x9c: {  	s20 =	simm.s32 $0x14C00  }
0x9d: {  	[tilespmem:s20], [sflag:$0x2] =	stream.indirect_vreg.gather [hbm4b:s5+s3], $0x80, v3, vm0, $0xb8;
	[tilespmem:$0x1C400] =	vst v63  }
0x9e: {  	s20 =	simm.s32 $0x15400  }
0x9f: {  	[tilespmem:s20], [sflag:$0x2] =	stream.indirect_vreg.gather [hbm4b:s6+s3], $0x80, v3, vm0, $0xb8;
	[tilespmem:$0x1C400] =	vst v63  }
0xa0: {  	s20 =	simm.s32 $0x15C00  }
0xa1: {  	[tilespmem:s20], [sflag:$0x2] =	stream.indirect_vreg.gather [hbm4b:s7+s3], $0x80, v3, vm0, $0xb8;
	[tilespmem:$0x1C400] =	vst v63  }
0xa2: {  	v3 =	vld [tilespmem:$0x58];
	_ =	sdelay $0x4  }
0xa3: {  	v53 =	vshll.u32 v3, $0x3  }
0xa4: {  	v3 =	vand.u32 $0x7, v3;
	v4 =	vand.u32 $0xFFFFFFC0, v53  }
0xa5: {  	v3 =	vor.u32 v3, v4  }
0xa6: {  	v4 =	vperm.xlane v3, v0;
	_ =	sdelay $0x1  }
0xa7: {  	v4 =	vadd.s32 v1, v4;
	_ =	sdelay $0x3  }
0xa8: {  	s20 =	simm.s32 $0x16400  }
0xa9: {  	[tilespmem:s20], [sflag:$0x2] =	stream.indirect_vreg.gather [hbm4b:s2+s3], $0x80, v4, vm0, $0xb8;
	[tilespmem:$0x1C400] =	vst v63  }
0xaa: {  	v3 =	vperm.xlane v3, v2;
	s20 =	simm.s32 $0x16C00  }
0xab: {  	[tilespmem:s20], [sflag:$0x2] =	stream.indirect_vreg.gather [hbm4b:s5+s3], $0x80, v4, vm0, $0xb8;
	[tilespmem:$0x1C400] =	vst v63  }
0xac: {  	v3 =	vadd.s32 v1, v3;
	s20 =	simm.s32 $0x17400  }
0xad: {  	[tilespmem:s20], [sflag:$0x2] =	stream.indirect_vreg.gather [hbm4b:s6+s3], $0x80, v4, vm0, $0xb8;
	[tilespmem:$0x1C400] =	vst v63  }
0xae: {  	s20 =	simm.s32 $0x17C00  }
0xaf: {  	[tilespmem:s20], [sflag:$0x2] =	stream.indirect_vreg.gather [hbm4b:s7+s3], $0x80, v4, vm0, $0xb8;
	[tilespmem:$0x1C400] =	vst v63  }
0xb0: {  	s20 =	simm.s32 $0x18400  }
0xb1: {  	[tilespmem:s20], [sflag:$0x2] =	stream.indirect_vreg.gather [hbm4b:s2+s3], $0x80, v3, vm0, $0xb8;
	[tilespmem:$0x1C400] =	vst v63  }
0xb2: {  	s20 =	simm.s32 $0x18C00  }
0xb3: {  	[tilespmem:s20], [sflag:$0x2] =	stream.indirect_vreg.gather [hbm4b:s5+s3], $0x80, v3, vm0, $0xb8;
	[tilespmem:$0x1C400] =	vst v63  }
0xb4: {  	s20 =	simm.s32 $0x19400  }
0xb5: {  	[tilespmem:s20], [sflag:$0x2] =	stream.indirect_vreg.gather [hbm4b:s6+s3], $0x80, v3, vm0, $0xb8;
	[tilespmem:$0x1C400] =	vst v63  }
0xb6: {  	s20 =	simm.s32 $0x19C00  }
0xb7: {  	[tilespmem:s20], [sflag:$0x2] =	stream.indirect_vreg.gather [hbm4b:s7+s3], $0x80, v3, vm0, $0xb8;
	[tilespmem:$0x1C400] =	vst v63  }
0xb8: {  	v3 =	vld.msk [tilespmem:$0x68], $0xff;
	_ =	sdelay $0x4  }
0xb9: {  	v54 =	vshll.u32 v3, $0x3  }
0xba: {  	v3 =	vand.u32 $0x7, v3;
	v4 =	vand.u32 $0xFFFFFFC0, v54  }
0xbb: {  	v3 =	vor.u32 v3, v4  }
0xbc: {  	v3 =	vperm.xlane v3, v0;
	_ =	sdelay $0x1  }
0xbd: {  	v3 =	vadd.s32 v1, v3;
	_ =	sdelay $0x3  }
0xbe: {  	s20 =	simm.s32 $0x1A400  }
0xbf: {  	[tilespmem:s20], [sflag:$0x2] =	stream.indirect_vreg.gather [hbm4b:s2+s3], $0x80, v3, vm0, $0xb8;
	[tilespmem:$0x1C400] =	vst v63  }
0xc0: {  	s20 =	simm.s32 $0x1AC00  }
0xc1: {  	[tilespmem:s20], [sflag:$0x2] =	stream.indirect_vreg.gather [hbm4b:s5+s3], $0x80, v3, vm0, $0xb8;
	[tilespmem:$0x1C400] =	vst v63  }
0xc2: {  	s20 =	simm.s32 $0x1B400  }
0xc3: {  	[tilespmem:s20], [sflag:$0x2] =	stream.indirect_vreg.gather [hbm4b:s6+s3], $0x80, v3, vm0, $0xb8;
	[tilespmem:$0x1C400] =	vst v63  }
0xc4: {  	s20 =	simm.s32 $0x1BC00  }
0xc5: {  	[tilespmem:s20], [sflag:$0x2] =	stream.indirect_vreg.gather [hbm4b:s7+s3], $0x80, v3, vm0, $0xb8;
	[tilespmem:$0x1C400] =	vst v63  }
0xc6: {  	_ =	swait.ge [sflag:s9], $0xE000  }
0xc7: {  	[sflag:s9] =	ssyncset.done $0x0  }
0xc8: {  	s0 =	simm.s32 $0x400;
	s20 =	rddreg [dreg:$0x19];
	[sflag:s9] =	ssyncadd.s32 $0xFFFF2000  }
0xc9: {  	[hbm4b:s20+s3] =	stream.linear.scatter [tilespmem:s0], [sflag:$0x3], $0xE000, $0x38;
	[tilespmem:$0x1C400] =	vst v63  }
0xca: {  	_ =	swait.ge [sflag:s4], $0xE000  }
0xcb: {  	[sflag:s4] =	ssyncset.done $0x0  }
0xcc: {  	[sflag:s4] =	ssyncadd.s32 $0xFFFF2000  }
0xcd: {  	v3 =	vld [tilespmem:$0x70];
	_ =	sdelay $0x4  }
0xce: {  	v55 =	vshll.u32 v3, $0x3  }
0xcf: {  	v3 =	vand.u32 $0x7, v3;
	v4 =	vand.u32 $0xFFFFFFC0, v55  }
0xd0: {  	v3 =	vor.u32 v3, v4  }
0xd1: {  	v4 =	vperm.xlane v3, v0;
	_ =	sdelay $0x1  }
0xd2: {  	v4 =	vadd.s32 v1, v4;
	_ =	sdelay $0x4  }
0xd3: {  	[tilespmem:s0], [sflag:$0x1] =	stream.indirect_vreg.gather [hbm4b:s2+s3], $0x80, v4, vm0, $0xb8;
	[tilespmem:$0x1C400] =	vst v63  }
0xd4: {  	s12 =	simm.s32 $0xC00;
	v3 =	vperm.xlane v3, v2  }
0xd5: {  	[tilespmem:s12], [sflag:$0x1] =	stream.indirect_vreg.gather [hbm4b:s5+s3], $0x80, v4, vm0, $0xb8;
	[tilespmem:$0x1C400] =	vst v63  }
0xd6: {  	s20 =	simm.s32 $0x1400;
	v3 =	vadd.s32 v1, v3  }
0xd7: {  	[tilespmem:s20], [sflag:$0x1] =	stream.indirect_vreg.gather [hbm4b:s6+s3], $0x80, v4, vm0, $0xb8;
	[tilespmem:$0x1C400] =	vst v63  }
0xd8: {  	s26 =	simm.s32 $0x1C00  }
0xd9: {  	[tilespmem:s26], [sflag:$0x1] =	stream.indirect_vreg.gather [hbm4b:s7+s3], $0x80, v4, vm0, $0xb8;
	[tilespmem:$0x1C400] =	vst v63  }
0xda: {  	s26 =	simm.s32 $0x2400  }
0xdb: {  	[tilespmem:s26], [sflag:$0x1] =	stream.indirect_vreg.gather [hbm4b:s2+s3], $0x80, v3, vm0, $0xb8;
	[tilespmem:$0x1C400] =	vst v63  }
0xdc: {  	s12 =	simm.s32 $0x2C00  }
0xdd: {  	[tilespmem:s12], [sflag:$0x1] =	stream.indirect_vreg.gather [hbm4b:s5+s3], $0x80, v3, vm0, $0xb8;
	[tilespmem:$0x1C400] =	vst v63  }
0xde: {  	s20 =	simm.s32 $0x3400  }
0xdf: {  	[tilespmem:s20], [sflag:$0x1] =	stream.indirect_vreg.gather [hbm4b:s6+s3], $0x80, v3, vm0, $0xb8;
	[tilespmem:$0x1C400] =	vst v63  }
0xe0: {  	s13 =	simm.s32 $0x3C00  }
0xe1: {  	[tilespmem:s13], [sflag:$0x1] =	stream.indirect_vreg.gather [hbm4b:s7+s3], $0x80, v3, vm0, $0xb8;
	[tilespmem:$0x1C400] =	vst v63  }
0xe2: {  	v3 =	vld [tilespmem:$0x80];
	_ =	sdelay $0x4  }
0xe3: {  	v56 =	vshll.u32 v3, $0x3  }
0xe4: {  	v3 =	vand.u32 $0x7, v3;
	v4 =	vand.u32 $0xFFFFFFC0, v56  }
0xe5: {  	v3 =	vor.u32 v3, v4  }
0xe6: {  	v4 =	vperm.xlane v3, v0;
	_ =	sdelay $0x1  }
0xe7: {  	v4 =	vadd.s32 v1, v4;
	_ =	sdelay $0x3  }
0xe8: {  	s1 =	simm.s32 $0x4400  }
0xe9: {  	[tilespmem:s1], [sflag:$0x1] =	stream.indirect_vreg.gather [hbm4b:s2+s3], $0x80, v4, vm0, $0xb8;
	[tilespmem:$0x1C400] =	vst v63  }
0xea: {  	s8 =	simm.s32 $0x4C00;
	v3 =	vperm.xlane v3, v2  }
0xeb: {  	[tilespmem:s8], [sflag:$0x1] =	stream.indirect_vreg.gather [hbm4b:s5+s3], $0x80, v4, vm0, $0xb8;
	[tilespmem:$0x1C400] =	vst v63  }
0xec: {  	s26 =	simm.s32 $0x5400;
	v3 =	vadd.s32 v1, v3  }
0xed: {  	[tilespmem:s26], [sflag:$0x1] =	stream.indirect_vreg.gather [hbm4b:s6+s3], $0x80, v4, vm0, $0xb8;
	[tilespmem:$0x1C400] =	vst v63  }
0xee: {  	s17 =	simm.s32 $0x5C00  }
0xef: {  	[tilespmem:s17], [sflag:$0x1] =	stream.indirect_vreg.gather [hbm4b:s7+s3], $0x80, v4, vm0, $0xb8;
	[tilespmem:$0x1C400] =	vst v63  }
0xf0: {  	s22 =	simm.s32 $0x6400  }
0xf1: {  	[tilespmem:s22], [sflag:$0x1] =	stream.indirect_vreg.gather [hbm4b:s2+s3], $0x80, v3, vm0, $0xb8;
	[tilespmem:$0x1C400] =	vst v63  }
0xf2: {  	s23 =	simm.s32 $0x6C00  }
0xf3: {  	[tilespmem:s23], [sflag:$0x1] =	stream.indirect_vreg.gather [hbm4b:s5+s3], $0x80, v3, vm0, $0xb8;
	[tilespmem:$0x1C400] =	vst v63  }
0xf4: {  	s24 =	simm.s32 $0x7400  }
0xf5: {  	[tilespmem:s24], [sflag:$0x1] =	stream.indirect_vreg.gather [hbm4b:s6+s3], $0x80, v3, vm0, $0xb8;
	[tilespmem:$0x1C400] =	vst v63  }
0xf6: {  	s10 =	simm.s32 $0x7C00  }
0xf7: {  	[tilespmem:s10], [sflag:$0x1] =	stream.indirect_vreg.gather [hbm4b:s7+s3], $0x80, v3, vm0, $0xb8;
	[tilespmem:$0x1C400] =	vst v63  }
0xf8: {  	v3 =	vld [tilespmem:$0x90];
	_ =	sdelay $0x4  }
0xf9: {  	v57 =	vshll.u32 v3, $0x3  }
0xfa: {  	v3 =	vand.u32 $0x7, v3;
	v4 =	vand.u32 $0xFFFFFFC0, v57  }
0xfb: {  	v3 =	vor.u32 v3, v4  }
0xfc: {  	v4 =	vperm.xlane v3, v0;
	_ =	sdelay $0x1  }
0xfd: {  	v4 =	vadd.s32 v1, v4;
	_ =	sdelay $0x3  }
0xfe: {  	s11 =	simm.s32 $0x8400  }
0xff: {  	[tilespmem:s11], [sflag:$0x1] =	stream.indirect_vreg.gather [hbm4b:s2+s3], $0x80, v4, vm0, $0xb8;
	[tilespmem:$0x1C400] =	vst v63  }
0x100: {  	s14 =	simm.s32 $0x8C00;
	v3 =	vperm.xlane v3, v2  }
0x101: {  	[tilespmem:s14], [sflag:$0x1] =	stream.indirect_vreg.gather [hbm4b:s5+s3], $0x80, v4, vm0, $0xb8;
	[tilespmem:$0x1C400] =	vst v63  }
0x102: {  	s25 =	simm.s32 $0x9400;
	v3 =	vadd.s32 v1, v3  }
0x103: {  	[tilespmem:s25], [sflag:$0x1] =	stream.indirect_vreg.gather [hbm4b:s6+s3], $0x80, v4, vm0, $0xb8;
	[tilespmem:$0x1C400] =	vst v63  }
0x104: {  	s28 =	simm.s32 $0x9C00  }
0x105: {  	[tilespmem:s28], [sflag:$0x1] =	stream.indirect_vreg.gather [hbm4b:s7+s3], $0x80, v4, vm0, $0xb8;
	[tilespmem:$0x1C400] =	vst v63  }
0x106: {  	s29 =	simm.s32 $0xA400  }
0x107: {  	[tilespmem:s29], [sflag:$0x1] =	stream.indirect_vreg.gather [hbm4b:s2+s3], $0x80, v3, vm0, $0xb8;
	[tilespmem:$0x1C400] =	vst v63  }
0x108: {  	s30 =	simm.s32 $0xAC00  }
0x109: {  	[tilespmem:s30], [sflag:$0x1] =	stream.indirect_vreg.gather [hbm4b:s5+s3], $0x80, v3, vm0, $0xb8;
	[tilespmem:$0x1C400] =	vst v63  }
0x10a: {  	s31 =	simm.s32 $0xB400  }
0x10b: {  	[tilespmem:s31], [sflag:$0x1] =	stream.indirect_vreg.gather [hbm4b:s6+s3], $0x80, v3, vm0, $0xb8;
	[tilespmem:$0x1C400] =	vst v63  }
0x10c: {  	s15 =	simm.s32 $0xBC00  }
0x10d: {  	[tilespmem:s15], [sflag:$0x1] =	stream.indirect_vreg.gather [hbm4b:s7+s3], $0x80, v3, vm0, $0xb8;
	[tilespmem:$0x1C400] =	vst v63  }
0x10e: {  	v3 =	vld.msk [tilespmem:$0xA0], $0xff;
	_ =	sdelay $0x4  }
0x10f: {  	v58 =	vshll.u32 v3, $0x3  }
0x110: {  	v3 =	vand.u32 $0x7, v3;
	v4 =	vand.u32 $0xFFFFFFC0, v58  }
0x111: {  	v3 =	vor.u32 v3, v4  }
0x112: {  	v3 =	vperm.xlane v3, v0;
	_ =	sdelay $0x1  }
0x113: {  	v3 =	vadd.s32 v1, v3;
	_ =	sdelay $0x3  }
0x114: {  	s29 =	simm.s32 $0xC400  }
0x115: {  	[tilespmem:s29], [sflag:$0x1] =	stream.indirect_vreg.gather [hbm4b:s2+s3], $0x80, v3, vm0, $0xb8;
	[tilespmem:$0x1C400] =	vst v63  }
0x116: {  	s30 =	simm.s32 $0xCC00  }
0x117: {  	[tilespmem:s30], [sflag:$0x1] =	stream.indirect_vreg.gather [hbm4b:s5+s3], $0x80, v3, vm0, $0xb8;
	[tilespmem:$0x1C400] =	vst v63  }
0x118: {  	s21 =	simm.s32 $0xD400  }
0x119: {  	[tilespmem:s21], [sflag:$0x1] =	stream.indirect_vreg.gather [hbm4b:s6+s3], $0x80, v3, vm0, $0xb8;
	[tilespmem:$0x1C400] =	vst v63  }
0x11a: {  	s16 =	simm.s32 $0xDC00  }
0x11b: {  	[tilespmem:s16], [sflag:$0x1] =	stream.indirect_vreg.gather [hbm4b:s7+s3], $0x80, v3, vm0, $0xb8;
	[tilespmem:$0x1C400] =	vst v63  }
0x11c: {  	_ =	swait.ge [sflag:s18], $0xE000  }
0x11d: {  	[sflag:s18] =	ssyncset.done $0x0  }
0x11e: {  	s0 =	simm.s32 $0xE400;
	s31 =	rddreg [dreg:$0x5];
	[sflag:s18] =	ssyncadd.s32 $0xFFFF2000  }
0x11f: {  	[hbm4b:s31+s3] =	stream.linear.scatter [tilespmem:s0], [sflag:$0x4], $0xE000, $0x38;
	[tilespmem:$0x1C400] =	vst v63  }
0x120: {  	_ =	swait.ge [sflag:s19], $0xE000  }
0x121: {  	[sflag:s19] =	ssyncset.done $0x0  }
0x122: {  	[sflag:s19] =	ssyncadd.s32 $0xFFFF2000  }
0x123: {  	v3 =	vld [tilespmem:$0xA8];
	_ =	sdelay $0x4  }
0x124: {  	v59 =	vshll.u32 v3, $0x3  }
0x125: {  	v3 =	vand.u32 $0x7, v3;
	v4 =	vand.u32 $0xFFFFFFC0, v59  }
0x126: {  	v3 =	vor.u32 v3, v4  }
0x127: {  	v4 =	vperm.xlane v3, v0;
	_ =	sdelay $0x1  }
0x128: {  	v4 =	vadd.s32 v1, v4;
	_ =	sdelay $0x4  }
0x129: {  	[tilespmem:s0], [sflag:$0x2] =	stream.indirect_vreg.gather [hbm4b:s2+s3], $0x80, v4, vm0, $0xb8;
	[tilespmem:$0x1C400] =	vst v63  }
0x12a: {  	s8 =	simm.s32 $0xEC00;
	v3 =	vperm.xlane v3, v2  }
0x12b: {  	[tilespmem:s8], [sflag:$0x2] =	stream.indirect_vreg.gather [hbm4b:s5+s3], $0x80, v4, vm0, $0xb8;
	[tilespmem:$0x1C400] =	vst v63  }
0x12c: {  	s15 =	simm.s32 $0xF400;
	v3 =	vadd.s32 v1, v3  }
0x12d: {  	[tilespmem:s15], [sflag:$0x2] =	stream.indirect_vreg.gather [hbm4b:s6+s3], $0x80, v4, vm0, $0xb8;
	[tilespmem:$0x1C400] =	vst v63  }
0x12e: {  	s16 =	simm.s32 $0xFC00  }
0x12f: {  	[tilespmem:s16], [sflag:$0x2] =	stream.indirect_vreg.gather [hbm4b:s7+s3], $0x80, v4, vm0, $0xb8;
	[tilespmem:$0x1C400] =	vst v63  }
0x130: {  	s17 =	simm.s32 $0x10400  }
0x131: {  	[tilespmem:s17], [sflag:$0x2] =	stream.indirect_vreg.gather [hbm4b:s2+s3], $0x80, v3, vm0, $0xb8;
	[tilespmem:$0x1C400] =	vst v63  }
0x132: {  	s24 =	simm.s32 $0x10C00  }
0x133: {  	[tilespmem:s24], [sflag:$0x2] =	stream.indirect_vreg.gather [hbm4b:s5+s3], $0x80, v3, vm0, $0xb8;
	[tilespmem:$0x1C400] =	vst v63  }
0x134: {  	s25 =	simm.s32 $0x11400  }
0x135: {  	[tilespmem:s25], [sflag:$0x2] =	stream.indirect_vreg.gather [hbm4b:s6+s3], $0x80, v3, vm0, $0xb8;
	[tilespmem:$0x1C400] =	vst v63  }
0x136: {  	s10 =	simm.s32 $0x11C00  }
0x137: {  	[tilespmem:s10], [sflag:$0x2] =	stream.indirect_vreg.gather [hbm4b:s7+s3], $0x80, v3, vm0, $0xb8;
	[tilespmem:$0x1C400] =	vst v63  }
0x138: {  	v3 =	vld [tilespmem:$0xB8];
	_ =	sdelay $0x4  }
0x139: {  	v60 =	vshll.u32 v3, $0x3  }
0x13a: {  	v3 =	vand.u32 $0x7, v3;
	v4 =	vand.u32 $0xFFFFFFC0, v60  }
0x13b: {  	v3 =	vor.u32 v3, v4  }
0x13c: {  	v4 =	vperm.xlane v3, v0;
	_ =	sdelay $0x1  }
0x13d: {  	v4 =	vadd.s32 v1, v4;
	_ =	sdelay $0x3  }
0x13e: {  	s11 =	simm.s32 $0x12400  }
0x13f: {  	[tilespmem:s11], [sflag:$0x2] =	stream.indirect_vreg.gather [hbm4b:s2+s3], $0x80, v4, vm0, $0xb8;
	[tilespmem:$0x1C400] =	vst v63  }
0x140: {  	s12 =	simm.s32 $0x12C00;
	v3 =	vperm.xlane v3, v2  }
0x141: {  	[tilespmem:s12], [sflag:$0x2] =	stream.indirect_vreg.gather [hbm4b:s5+s3], $0x80, v4, vm0, $0xb8;
	[tilespmem:$0x1C400] =	vst v63  }
0x142: {  	s26 =	simm.s32 $0x13400;
	v3 =	vadd.s32 v1, v3  }
0x143: {  	[tilespmem:s26], [sflag:$0x2] =	stream.indirect_vreg.gather [hbm4b:s6+s3], $0x80, v4, vm0, $0xb8;
	[tilespmem:$0x1C400] =	vst v63  }
0x144: {  	s28 =	simm.s32 $0x13C00  }
0x145: {  	[tilespmem:s28], [sflag:$0x2] =	stream.indirect_vreg.gather [hbm4b:s7+s3], $0x80, v4, vm0, $0xb8;
	[tilespmem:$0x1C400] =	vst v63  }
0x146: {  	s29 =	simm.s32 $0x14400  }
0x147: {  	[tilespmem:s29], [sflag:$0x2] =	stream.indirect_vreg.gather [hbm4b:s2+s3], $0x80, v3, vm0, $0xb8;
	[tilespmem:$0x1C400] =	vst v63  }
0x148: {  	s30 =	simm.s32 $0x14C00  }
0x149: {  	[tilespmem:s30], [sflag:$0x2] =	stream.indirect_vreg.gather [hbm4b:s5+s3], $0x80, v3, vm0, $0xb8;
	[tilespmem:$0x1C400] =	vst v63  }
0x14a: {  	s31 =	simm.s32 $0x15400  }
0x14b: {  	[tilespmem:s31], [sflag:$0x2] =	stream.indirect_vreg.gather [hbm4b:s6+s3], $0x80, v3, vm0, $0xb8;
	[tilespmem:$0x1C400] =	vst v63  }
0x14c: {  	s22 =	simm.s32 $0x15C00  }
0x14d: {  	[tilespmem:s22], [sflag:$0x2] =	stream.indirect_vreg.gather [hbm4b:s7+s3], $0x80, v3, vm0, $0xb8;
	[tilespmem:$0x1C400] =	vst v63  }
0x14e: {  	v3 =	vld [tilespmem:$0xC8];
	_ =	sdelay $0x4  }
0x14f: {  	v61 =	vshll.u32 v3, $0x3  }
0x150: {  	v3 =	vand.u32 $0x7, v3;
	v4 =	vand.u32 $0xFFFFFFC0, v61  }
0x151: {  	v3 =	vor.u32 v3, v4  }
0x152: {  	v4 =	vperm.xlane v3, v0;
	_ =	sdelay $0x1  }
0x153: {  	v4 =	vadd.s32 v1, v4;
	_ =	sdelay $0x3  }
0x154: {  	s23 =	simm.s32 $0x16400  }
0x155: {  	[tilespmem:s23], [sflag:$0x2] =	stream.indirect_vreg.gather [hbm4b:s2+s3], $0x80, v4, vm0, $0xb8;
	[tilespmem:$0x1C400] =	vst v63  }
0x156: {  	s13 =	simm.s32 $0x16C00;
	v3 =	vperm.xlane v3, v2  }
0x157: {  	[tilespmem:s13], [sflag:$0x2] =	stream.indirect_vreg.gather [hbm4b:s5+s3], $0x80, v4, vm0, $0xb8;
	[tilespmem:$0x1C400] =	vst v63  }
0x158: {  	s1 =	simm.s32 $0x17400;
	v3 =	vadd.s32 v1, v3  }
0x159: {  	[tilespmem:s1], [sflag:$0x2] =	stream.indirect_vreg.gather [hbm4b:s6+s3], $0x80, v4, vm0, $0xb8;
	[tilespmem:$0x1C400] =	vst v63  }
0x15a: {  	s8 =	simm.s32 $0x17C00  }
0x15b: {  	[tilespmem:s8], [sflag:$0x2] =	stream.indirect_vreg.gather [hbm4b:s7+s3], $0x80, v4, vm0, $0xb8;
	[tilespmem:$0x1C400] =	vst v63  }
0x15c: {  	s21 =	simm.s32 $0x18400  }
0x15d: {  	[tilespmem:s21], [sflag:$0x2] =	stream.indirect_vreg.gather [hbm4b:s2+s3], $0x80, v3, vm0, $0xb8;
	[tilespmem:$0x1C400] =	vst v63  }
0x15e: {  	s11 =	simm.s32 $0x18C00  }
0x15f: {  	[tilespmem:s11], [sflag:$0x2] =	stream.indirect_vreg.gather [hbm4b:s5+s3], $0x80, v3, vm0, $0xb8;
	[tilespmem:$0x1C400] =	vst v63  }
0x160: {  	s12 =	simm.s32 $0x19400  }
0x161: {  	[tilespmem:s12], [sflag:$0x2] =	stream.indirect_vreg.gather [hbm4b:s6+s3], $0x80, v3, vm0, $0xb8;
	[tilespmem:$0x1C400] =	vst v63  }
0x162: {  	s14 =	simm.s32 $0x19C00  }
0x163: {  	[tilespmem:s14], [sflag:$0x2] =	stream.indirect_vreg.gather [hbm4b:s7+s3], $0x80, v3, vm0, $0xb8;
	[tilespmem:$0x1C400] =	vst v63  }
0x164: {  	v3 =	vld.msk [tilespmem:$0xD8], $0xff;
	_ =	sdelay $0x4  }
0x165: {  	v62 =	vshll.u32 v3, $0x3  }
0x166: {  	v3 =	vand.u32 $0x7, v3;
	v4 =	vand.u32 $0xFFFFFFC0, v62  }
0x167: {  	v3 =	vor.u32 v3, v4  }
0x168: {  	v3 =	vperm.xlane v3, v0;
	_ =	sdelay $0x1  }
0x169: {  	v3 =	vadd.s32 v1, v3;
	_ =	sdelay $0x3  }
0x16a: {  	s13 =	simm.s32 $0x1A400  }
0x16b: {  	[tilespmem:s13], [sflag:$0x2] =	stream.indirect_vreg.gather [hbm4b:s2+s3], $0x80, v3, vm0, $0xb8;
	[tilespmem:$0x1C400] =	vst v63  }
0x16c: {  	s14 =	simm.s32 $0x1AC00  }
0x16d: {  	[tilespmem:s14], [sflag:$0x2] =	stream.indirect_vreg.gather [hbm4b:s5+s3], $0x80, v3, vm0, $0xb8;
	[tilespmem:$0x1C400] =	vst v63  }
0x16e: {  	s10 =	simm.s32 $0x1B400  }
0x16f: {  	[tilespmem:s10], [sflag:$0x2] =	stream.indirect_vreg.gather [hbm4b:s6+s3], $0x80, v3, vm0, $0xb8;
	[tilespmem:$0x1C400] =	vst v63  }
0x170: {  	s20 =	simm.s32 $0x1BC00  }
0x171: {  	[tilespmem:s20], [sflag:$0x2] =	stream.indirect_vreg.gather [hbm4b:s7+s3], $0x80, v3, vm0, $0xb8;
	[tilespmem:$0x1C400] =	vst v63  }
0x172: {  	_ =	swait.ge [sflag:s9], $0xE000  }
0x173: {  	[sflag:s9] =	ssyncset.done $0x0  }
0x174: {  	s0 =	simm.s32 $0x400;
	s20 =	rddreg [dreg:$0x6];
	[sflag:s9] =	ssyncadd.s32 $0xFFFF2000  }
0x175: {  	[hbm4b:s20+s3] =	stream.linear.scatter [tilespmem:s0], [sflag:$0x3], $0xE000, $0x38;
	[tilespmem:$0x1C400] =	vst v63  }
0x176: {  	_ =	swait.ge [sflag:s4], $0xE000  }
0x177: {  	[sflag:s4] =	ssyncset.done $0x0  }
0x178: {  	[sflag:s4] =	ssyncadd.s32 $0xFFFF2000  }
0x179: {  	v3 =	vld [tilespmem:$0xE0];
	_ =	sdelay $0x4  }
0x17a: {  	v63 =	vshll.u32 v3, $0x3  }
0x17b: {  	v3 =	vand.u32 $0x7, v3;
	v4 =	vand.u32 $0xFFFFFFC0, v63  }
0x17c: {  	v3 =	vor.u32 v3, v4  }
0x17d: {  	v4 =	vperm.xlane v3, v0;
	_ =	sdelay $0x1  }
0x17e: {  	v4 =	vadd.s32 v1, v4;
	_ =	sdelay $0x4  }
0x17f: {  	[tilespmem:s0], [sflag:$0x1] =	stream.indirect_vreg.gather [hbm4b:s2+s3], $0x80, v4, vm0, $0xb8;
	[tilespmem:$0x1C400] =	vst v63  }
0x180: {  	s20 =	simm.s32 $0xC00;
	v3 =	vperm.xlane v3, v2  }
0x181: {  	[tilespmem:s20], [sflag:$0x1] =	stream.indirect_vreg.gather [hbm4b:s5+s3], $0x80, v4, vm0, $0xb8;
	[tilespmem:$0x1C400] =	vst v63  }
0x182: {  	v3 =	vadd.s32 v1, v3;
	s20 =	simm.s32 $0x1400  }
0x183: {  	[tilespmem:s20], [sflag:$0x1] =	stream.indirect_vreg.gather [hbm4b:s6+s3], $0x80, v4, vm0, $0xb8;
	[tilespmem:$0x1C400] =	vst v63  }
0x184: {  	s20 =	simm.s32 $0x1C00  }
0x185: {  	[tilespmem:s20], [sflag:$0x1] =	stream.indirect_vreg.gather [hbm4b:s7+s3], $0x80, v4, vm0, $0xb8;
	[tilespmem:$0x1C400] =	vst v63  }
0x186: {  	s20 =	simm.s32 $0x2400  }
0x187: {  	[tilespmem:s20], [sflag:$0x1] =	stream.indirect_vreg.gather [hbm4b:s2+s3], $0x80, v3, vm0, $0xb8;
	[tilespmem:$0x1C400] =	vst v63  }
0x188: {  	s20 =	simm.s32 $0x2C00  }
0x189: {  	[tilespmem:s20], [sflag:$0x1] =	stream.indirect_vreg.gather [hbm4b:s5+s3], $0x80, v3, vm0, $0xb8;
	[tilespmem:$0x1C400] =	vst v63  }
0x18a: {  	s20 =	simm.s32 $0x3400  }
0x18b: {  	[tilespmem:s20], [sflag:$0x1] =	stream.indirect_vreg.gather [hbm4b:s6+s3], $0x80, v3, vm0, $0xb8;
	[tilespmem:$0x1C400] =	vst v63  }
0x18c: {  	s20 =	simm.s32 $0x3C00  }
0x18d: {  	[tilespmem:s20], [sflag:$0x1] =	stream.indirect_vreg.gather [hbm4b:s7+s3], $0x80, v3, vm0, $0xb8;
	[tilespmem:$0x1C400] =	vst v63  }
0x18e: {  	v3 =	vld [tilespmem:$0xF0];
	_ =	sdelay $0x4  }
0x18f: {  	v8 =	vshll.u32 v3, $0x3  }
0x190: {  	v3 =	vand.u32 $0x7, v3;
	v4 =	vand.u32 $0xFFFFFFC0, v8  }
0x191: {  	v3 =	vor.u32 v3, v4  }
0x192: {  	v4 =	vperm.xlane v3, v0;
	_ =	sdelay $0x1  }
0x193: {  	v4 =	vadd.s32 v1, v4;
	_ =	sdelay $0x3  }
0x194: {  	s20 =	simm.s32 $0x4400  }
0x195: {  	[tilespmem:s20], [sflag:$0x1] =	stream.indirect_vreg.gather [hbm4b:s2+s3], $0x80, v4, vm0, $0xb8;
	[tilespmem:$0x1C400] =	vst v63  }
0x196: {  	v3 =	vperm.xlane v3, v2;
	s20 =	simm.s32 $0x4C00  }
0x197: {  	[tilespmem:s20], [sflag:$0x1] =	stream.indirect_vreg.gather [hbm4b:s5+s3], $0x80, v4, vm0, $0xb8;
	[tilespmem:$0x1C400] =	vst v63  }
0x198: {  	v3 =	vadd.s32 v1, v3;
	s20 =	simm.s32 $0x5400  }
0x199: {  	[tilespmem:s20], [sflag:$0x1] =	stream.indirect_vreg.gather [hbm4b:s6+s3], $0x80, v4, vm0, $0xb8;
	[tilespmem:$0x1C400] =	vst v63  }
0x19a: {  	s20 =	simm.s32 $0x5C00  }
0x19b: {  	[tilespmem:s20], [sflag:$0x1] =	stream.indirect_vreg.gather [hbm4b:s7+s3], $0x80, v4, vm0, $0xb8;
	[tilespmem:$0x1C400] =	vst v63  }
0x19c: {  	s20 =	simm.s32 $0x6400  }
0x19d: {  	[tilespmem:s20], [sflag:$0x1] =	stream.indirect_vreg.gather [hbm4b:s2+s3], $0x80, v3, vm0, $0xb8;
	[tilespmem:$0x1C400] =	vst v63  }
0x19e: {  	s20 =	simm.s32 $0x6C00  }
0x19f: {  	[tilespmem:s20], [sflag:$0x1] =	stream.indirect_vreg.gather [hbm4b:s5+s3], $0x80, v3, vm0, $0xb8;
	[tilespmem:$0x1C400] =	vst v63  }
0x1a0: {  	s20 =	simm.s32 $0x7400  }
0x1a1: {  	[tilespmem:s20], [sflag:$0x1] =	stream.indirect_vreg.gather [hbm4b:s6+s3], $0x80, v3, vm0, $0xb8;
	[tilespmem:$0x1C400] =	vst v63  }
0x1a2: {  	s20 =	simm.s32 $0x7C00  }
0x1a3: {  	[tilespmem:s20], [sflag:$0x1] =	stream.indirect_vreg.gather [hbm4b:s7+s3], $0x80, v3, vm0, $0xb8;
	[tilespmem:$0x1C400] =	vst v63  }
0x1a4: {  	v3 =	vld [tilespmem:$0x100];
	_ =	sdelay $0x4  }
0x1a5: {  	v9 =	vshll.u32 v3, $0x3  }
0x1a6: {  	v3 =	vand.u32 $0x7, v3;
	v4 =	vand.u32 $0xFFFFFFC0, v9  }
0x1a7: {  	v3 =	vor.u32 v3, v4  }
0x1a8: {  	v4 =	vperm.xlane v3, v0;
	_ =	sdelay $0x1  }
0x1a9: {  	v4 =	vadd.s32 v1, v4;
	_ =	sdelay $0x3  }
0x1aa: {  	s20 =	simm.s32 $0x8400  }
0x1ab: {  	[tilespmem:s20], [sflag:$0x1] =	stream.indirect_vreg.gather [hbm4b:s2+s3], $0x80, v4, vm0, $0xb8;
	[tilespmem:$0x1C400] =	vst v63  }
0x1ac: {  	v3 =	vperm.xlane v3, v2;
	s20 =	simm.s32 $0x8C00  }
0x1ad: {  	[tilespmem:s20], [sflag:$0x1] =	stream.indirect_vreg.gather [hbm4b:s5+s3], $0x80, v4, vm0, $0xb8;
	[tilespmem:$0x1C400] =	vst v63  }
0x1ae: {  	v3 =	vadd.s32 v1, v3;
	s20 =	simm.s32 $0x9400  }
0x1af: {  	[tilespmem:s20], [sflag:$0x1] =	stream.indirect_vreg.gather [hbm4b:s6+s3], $0x80, v4, vm0, $0xb8;
	[tilespmem:$0x1C400] =	vst v63  }
0x1b0: {  	s20 =	simm.s32 $0x9C00  }
0x1b1: {  	[tilespmem:s20], [sflag:$0x1] =	stream.indirect_vreg.gather [hbm4b:s7+s3], $0x80, v4, vm0, $0xb8;
	[tilespmem:$0x1C400] =	vst v63  }
0x1b2: {  	s20 =	simm.s32 $0xA400  }
0x1b3: {  	[tilespmem:s20], [sflag:$0x1] =	stream.indirect_vreg.gather [hbm4b:s2+s3], $0x80, v3, vm0, $0xb8;
	[tilespmem:$0x1C400] =	vst v63  }
0x1b4: {  	s20 =	simm.s32 $0xAC00  }
0x1b5: {  	[tilespmem:s20], [sflag:$0x1] =	stream.indirect_vreg.gather [hbm4b:s5+s3], $0x80, v3, vm0, $0xb8;
	[tilespmem:$0x1C400] =	vst v63  }
0x1b6: {  	s20 =	simm.s32 $0xB400  }
0x1b7: {  	[tilespmem:s20], [sflag:$0x1] =	stream.indirect_vreg.gather [hbm4b:s6+s3], $0x80, v3, vm0, $0xb8;
	[tilespmem:$0x1C400] =	vst v63  }
0x1b8: {  	s20 =	simm.s32 $0xBC00  }
0x1b9: {  	[tilespmem:s20], [sflag:$0x1] =	stream.indirect_vreg.gather [hbm4b:s7+s3], $0x80, v3, vm0, $0xb8;
	[tilespmem:$0x1C400] =	vst v63  }
0x1ba: {  	v3 =	vld.msk [tilespmem:$0x110], $0xff;
	_ =	sdelay $0x4  }
0x1bb: {  	v10 =	vshll.u32 v3, $0x3  }
0x1bc: {  	v3 =	vand.u32 $0x7, v3;
	v4 =	vand.u32 $0xFFFFFFC0, v10  }
0x1bd: {  	v3 =	vor.u32 v3, v4  }
0x1be: {  	v3 =	vperm.xlane v3, v0;
	_ =	sdelay $0x1  }
0x1bf: {  	v3 =	vadd.s32 v1, v3;
	_ =	sdelay $0x3  }
0x1c0: {  	s20 =	simm.s32 $0xC400  }
0x1c1: {  	[tilespmem:s20], [sflag:$0x1] =	stream.indirect_vreg.gather [hbm4b:s2+s3], $0x80, v3, vm0, $0xb8;
	[tilespmem:$0x1C400] =	vst v63  }
0x1c2: {  	s20 =	simm.s32 $0xCC00  }
0x1c3: {  	[tilespmem:s20], [sflag:$0x1] =	stream.indirect_vreg.gather [hbm4b:s5+s3], $0x80, v3, vm0, $0xb8;
	[tilespmem:$0x1C400] =	vst v63  }
0x1c4: {  	s20 =	simm.s32 $0xD400  }
0x1c5: {  	[tilespmem:s20], [sflag:$0x1] =	stream.indirect_vreg.gather [hbm4b:s6+s3], $0x80, v3, vm0, $0xb8;
	[tilespmem:$0x1C400] =	vst v63  }
0x1c6: {  	s20 =	simm.s32 $0xDC00  }
0x1c7: {  	[tilespmem:s20], [sflag:$0x1] =	stream.indirect_vreg.gather [hbm4b:s7+s3], $0x80, v3, vm0, $0xb8;
	[tilespmem:$0x1C400] =	vst v63  }
0x1c8: {  	_ =	swait.ge [sflag:s18], $0xE000  }
0x1c9: {  	[sflag:s18] =	ssyncset.done $0x0  }
0x1ca: {  	s0 =	simm.s32 $0xE400;
	s20 =	rddreg [dreg:$0x7];
	[sflag:s18] =	ssyncadd.s32 $0xFFFF2000  }
0x1cb: {  	[hbm4b:s20+s3] =	stream.linear.scatter [tilespmem:s0], [sflag:$0x4], $0xE000, $0x38;
	[tilespmem:$0x1C400] =	vst v63  }
0x1cc: {  	_ =	swait.ge [sflag:s19], $0xE000  }
0x1cd: {  	[sflag:s19] =	ssyncset.done $0x0  }
0x1ce: {  	[sflag:s19] =	ssyncadd.s32 $0xFFFF2000  }
0x1cf: {  	v3 =	vld [tilespmem:$0x118];
	_ =	sdelay $0x4  }
0x1d0: {  	v11 =	vshll.u32 v3, $0x3  }
0x1d1: {  	v3 =	vand.u32 $0x7, v3;
	v4 =	vand.u32 $0xFFFFFFC0, v11  }
0x1d2: {  	v3 =	vor.u32 v3, v4  }
0x1d3: {  	v4 =	vperm.xlane v3, v0;
	_ =	sdelay $0x1  }
0x1d4: {  	v4 =	vadd.s32 v1, v4;
	_ =	sdelay $0x4  }
0x1d5: {  	[tilespmem:s0], [sflag:$0x2] =	stream.indirect_vreg.gather [hbm4b:s2+s3], $0x80, v4, vm0, $0xb8;
	[tilespmem:$0x1C400] =	vst v63  }
0x1d6: {  	s20 =	simm.s32 $0xEC00;
	v3 =	vperm.xlane v3, v2  }
0x1d7: {  	[tilespmem:s20], [sflag:$0x2] =	stream.indirect_vreg.gather [hbm4b:s5+s3], $0x80, v4, vm0, $0xb8;
	[tilespmem:$0x1C400] =	vst v63  }
0x1d8: {  	v3 =	vadd.s32 v1, v3  }
0x1d9: {  	[tilespmem:s15], [sflag:$0x2] =	stream.indirect_vreg.gather [hbm4b:s6+s3], $0x80, v4, vm0, $0xb8;
	[tilespmem:$0x1C400] =	vst v63  }
0x1da: {  	_ = 	snop  }
0x1db: {  	[tilespmem:s16], [sflag:$0x2] =	stream.indirect_vreg.gather [hbm4b:s7+s3], $0x80, v4, vm0, $0xb8;
	[tilespmem:$0x1C400] =	vst v63  }
0x1dc: {  	_ = 	snop  }
0x1dd: {  	[tilespmem:s17], [sflag:$0x2] =	stream.indirect_vreg.gather [hbm4b:s2+s3], $0x80, v3, vm0, $0xb8;
	[tilespmem:$0x1C400] =	vst v63  }
0x1de: {  	_ = 	snop  }
0x1df: {  	[tilespmem:s24], [sflag:$0x2] =	stream.indirect_vreg.gather [hbm4b:s5+s3], $0x80, v3, vm0, $0xb8;
	[tilespmem:$0x1C400] =	vst v63  }
0x1e0: {  	_ = 	snop  }
0x1e1: {  	[tilespmem:s25], [sflag:$0x2] =	stream.indirect_vreg.gather [hbm4b:s6+s3], $0x80, v3, vm0, $0xb8;
	[tilespmem:$0x1C400] =	vst v63  }
0x1e2: {  	s24 =	simm.s32 $0x11C00  }
0x1e3: {  	[tilespmem:s24], [sflag:$0x2] =	stream.indirect_vreg.gather [hbm4b:s7+s3], $0x80, v3, vm0, $0xb8;
	[tilespmem:$0x1C400] =	vst v63  }
0x1e4: {  	v3 =	vld [tilespmem:$0x128];
	_ =	sdelay $0x4  }
0x1e5: {  	v12 =	vshll.u32 v3, $0x3  }
0x1e6: {  	v3 =	vand.u32 $0x7, v3;
	v4 =	vand.u32 $0xFFFFFFC0, v12  }
0x1e7: {  	v3 =	vor.u32 v3, v4  }
0x1e8: {  	v4 =	vperm.xlane v3, v0;
	_ =	sdelay $0x1  }
0x1e9: {  	v4 =	vadd.s32 v1, v4;
	_ =	sdelay $0x3  }
0x1ea: {  	s25 =	simm.s32 $0x12400  }
0x1eb: {  	[tilespmem:s25], [sflag:$0x2] =	stream.indirect_vreg.gather [hbm4b:s2+s3], $0x80, v4, vm0, $0xb8;
	[tilespmem:$0x1C400] =	vst v63  }
0x1ec: {  	s20 =	simm.s32 $0x12C00;
	v3 =	vperm.xlane v3, v2  }
0x1ed: {  	[tilespmem:s20], [sflag:$0x2] =	stream.indirect_vreg.gather [hbm4b:s5+s3], $0x80, v4, vm0, $0xb8;
	[tilespmem:$0x1C400] =	vst v63  }
0x1ee: {  	v3 =	vadd.s32 v1, v3  }
0x1ef: {  	[tilespmem:s26], [sflag:$0x2] =	stream.indirect_vreg.gather [hbm4b:s6+s3], $0x80, v4, vm0, $0xb8;
	[tilespmem:$0x1C400] =	vst v63  }
0x1f0: {  	_ = 	snop  }
0x1f1: {  	[tilespmem:s28], [sflag:$0x2] =	stream.indirect_vreg.gather [hbm4b:s7+s3], $0x80, v4, vm0, $0xb8;
	[tilespmem:$0x1C400] =	vst v63  }
0x1f2: {  	_ = 	snop  }
0x1f3: {  	[tilespmem:s29], [sflag:$0x2] =	stream.indirect_vreg.gather [hbm4b:s2+s3], $0x80, v3, vm0, $0xb8;
	[tilespmem:$0x1C400] =	vst v63  }
0x1f4: {  	_ = 	snop  }
0x1f5: {  	[tilespmem:s30], [sflag:$0x2] =	stream.indirect_vreg.gather [hbm4b:s5+s3], $0x80, v3, vm0, $0xb8;
	[tilespmem:$0x1C400] =	vst v63  }
0x1f6: {  	_ = 	snop  }
0x1f7: {  	[tilespmem:s31], [sflag:$0x2] =	stream.indirect_vreg.gather [hbm4b:s6+s3], $0x80, v3, vm0, $0xb8;
	[tilespmem:$0x1C400] =	vst v63  }
0x1f8: {  	_ = 	snop  }
0x1f9: {  	[tilespmem:s22], [sflag:$0x2] =	stream.indirect_vreg.gather [hbm4b:s7+s3], $0x80, v3, vm0, $0xb8;
	[tilespmem:$0x1C400] =	vst v63  }
0x1fa: {  	v3 =	vld [tilespmem:$0x138];
	_ =	sdelay $0x4  }
0x1fb: {  	v13 =	vshll.u32 v3, $0x3  }
0x1fc: {  	v3 =	vand.u32 $0x7, v3;
	v4 =	vand.u32 $0xFFFFFFC0, v13  }
0x1fd: {  	v3 =	vor.u32 v3, v4  }
0x1fe: {  	v4 =	vperm.xlane v3, v0;
	_ =	sdelay $0x1  }
0x1ff: {  	v4 =	vadd.s32 v1, v4;
	_ =	sdelay $0x4  }
0x200: {  	[tilespmem:s23], [sflag:$0x2] =	stream.indirect_vreg.gather [hbm4b:s2+s3], $0x80, v4, vm0, $0xb8;
	[tilespmem:$0x1C400] =	vst v63  }
0x201: {  	v3 =	vperm.xlane v3, v2;
	s23 =	simm.s32 $0x16C00  }
0x202: {  	[tilespmem:s23], [sflag:$0x2] =	stream.indirect_vreg.gather [hbm4b:s5+s3], $0x80, v4, vm0, $0xb8;
	[tilespmem:$0x1C400] =	vst v63  }
0x203: {  	v3 =	vadd.s32 v1, v3  }
0x204: {  	[tilespmem:s1], [sflag:$0x2] =	stream.indirect_vreg.gather [hbm4b:s6+s3], $0x80, v4, vm0, $0xb8;
	[tilespmem:$0x1C400] =	vst v63  }
0x205: {  	_ = 	snop  }
0x206: {  	[tilespmem:s8], [sflag:$0x2] =	stream.indirect_vreg.gather [hbm4b:s7+s3], $0x80, v4, vm0, $0xb8;
	[tilespmem:$0x1C400] =	vst v63  }
0x207: {  	_ = 	snop  }
0x208: {  	[tilespmem:s21], [sflag:$0x2] =	stream.indirect_vreg.gather [hbm4b:s2+s3], $0x80, v3, vm0, $0xb8;
	[tilespmem:$0x1C400] =	vst v63  }
0x209: {  	_ = 	snop  }
0x20a: {  	[tilespmem:s11], [sflag:$0x2] =	stream.indirect_vreg.gather [hbm4b:s5+s3], $0x80, v3, vm0, $0xb8;
	[tilespmem:$0x1C400] =	vst v63  }
0x20b: {  	_ = 	snop  }
0x20c: {  	[tilespmem:s12], [sflag:$0x2] =	stream.indirect_vreg.gather [hbm4b:s6+s3], $0x80, v3, vm0, $0xb8;
	[tilespmem:$0x1C400] =	vst v63  }
0x20d: {  	s0 =	simm.s32 $0x19C00  }
0x20e: {  	[tilespmem:s0], [sflag:$0x2] =	stream.indirect_vreg.gather [hbm4b:s7+s3], $0x80, v3, vm0, $0xb8;
	[tilespmem:$0x1C400] =	vst v63  }
0x20f: {  	v3 =	vld.msk [tilespmem:$0x148], $0xff;
	_ =	sdelay $0x4  }
0x210: {  	v14 =	vshll.u32 v3, $0x3  }
0x211: {  	v3 =	vand.u32 $0x7, v3;
	v4 =	vand.u32 $0xFFFFFFC0, v14  }
0x212: {  	v3 =	vor.u32 v3, v4  }
0x213: {  	v3 =	vperm.xlane v3, v0;
	_ =	sdelay $0x1  }
0x214: {  	v3 =	vadd.s32 v1, v3;
	_ =	sdelay $0x4  }
0x215: {  	[tilespmem:s13], [sflag:$0x2] =	stream.indirect_vreg.gather [hbm4b:s2+s3], $0x80, v3, vm0, $0xb8;
	[tilespmem:$0x1C400] =	vst v63  }
0x216: {  	_ = 	snop  }
0x217: {  	[tilespmem:s14], [sflag:$0x2] =	stream.indirect_vreg.gather [hbm4b:s5+s3], $0x80, v3, vm0, $0xb8;
	[tilespmem:$0x1C400] =	vst v63  }
0x218: {  	_ = 	snop  }
0x219: {  	[tilespmem:s10], [sflag:$0x2] =	stream.indirect_vreg.gather [hbm4b:s6+s3], $0x80, v3, vm0, $0xb8;
	[tilespmem:$0x1C400] =	vst v63  }
0x21a: {  	s22 =	simm.s32 $0x1BC00  }
0x21b: {  	[tilespmem:s22], [sflag:$0x2] =	stream.indirect_vreg.gather [hbm4b:s7+s3], $0x80, v3, vm0, $0xb8;
	[tilespmem:$0x1C400] =	vst v63  }
0x21c: {  	_ =	swait.ge [sflag:s9], $0xE000  }
0x21d: {  	[sflag:s9] =	ssyncset.done $0x0  }
0x21e: {  	s25 =	simm.s32 $0x400;
	s24 =	rddreg [dreg:$0x8];
	[sflag:s9] =	ssyncadd.s32 $0xFFFF2000  }
0x21f: {  	[hbm4b:s24+s3] =	stream.linear.scatter [tilespmem:s25], [sflag:$0x3], $0xE000, $0x38;
	[tilespmem:$0x1C400] =	vst v63  }
0x220: {  	_ =	swait.ge [sflag:s4], $0xE000  }
0x221: {  	[sflag:s4] =	ssyncset.done $0x0  }
0x222: {  	[sflag:s4] =	ssyncadd.s32 $0xFFFF2000  }
0x223: {  	v3 =	vld [tilespmem:$0x150];
	_ =	sdelay $0x4  }
0x224: {  	v15 =	vshll.u32 v3, $0x3  }
0x225: {  	v3 =	vand.u32 $0x7, v3;
	v4 =	vand.u32 $0xFFFFFFC0, v15  }
0x226: {  	v3 =	vor.u32 v3, v4  }
0x227: {  	v4 =	vperm.xlane v3, v0;
	_ =	sdelay $0x1  }
0x228: {  	v4 =	vadd.s32 v1, v4;
	_ =	sdelay $0x4  }
0x229: {  	[tilespmem:s25], [sflag:$0x1] =	stream.indirect_vreg.gather [hbm4b:s2+s3], $0x80, v4, vm0, $0xb8;
	[tilespmem:$0x1C400] =	vst v63  }
0x22a: {  	v3 =	vperm.xlane v3, v2;
	s25 =	simm.s32 $0xC00  }
0x22b: {  	[tilespmem:s25], [sflag:$0x1] =	stream.indirect_vreg.gather [hbm4b:s5+s3], $0x80, v4, vm0, $0xb8;
	[tilespmem:$0x1C400] =	vst v63  }
0x22c: {  	s1 =	simm.s32 $0x1400;
	v3 =	vadd.s32 v1, v3  }
0x22d: {  	[tilespmem:s1], [sflag:$0x1] =	stream.indirect_vreg.gather [hbm4b:s6+s3], $0x80, v4, vm0, $0xb8;
	[tilespmem:$0x1C400] =	vst v63  }
0x22e: {  	s8 =	simm.s32 $0x1C00  }
0x22f: {  	[tilespmem:s8], [sflag:$0x1] =	stream.indirect_vreg.gather [hbm4b:s7+s3], $0x80, v4, vm0, $0xb8;
	[tilespmem:$0x1C400] =	vst v63  }
0x230: {  	s10 =	simm.s32 $0x2400  }
0x231: {  	[tilespmem:s10], [sflag:$0x1] =	stream.indirect_vreg.gather [hbm4b:s2+s3], $0x80, v3, vm0, $0xb8;
	[tilespmem:$0x1C400] =	vst v63  }
0x232: {  	s11 =	simm.s32 $0x2C00  }
0x233: {  	[tilespmem:s11], [sflag:$0x1] =	stream.indirect_vreg.gather [hbm4b:s5+s3], $0x80, v3, vm0, $0xb8;
	[tilespmem:$0x1C400] =	vst v63  }
0x234: {  	s12 =	simm.s32 $0x3400  }
0x235: {  	[tilespmem:s12], [sflag:$0x1] =	stream.indirect_vreg.gather [hbm4b:s6+s3], $0x80, v3, vm0, $0xb8;
	[tilespmem:$0x1C400] =	vst v63  }
0x236: {  	s13 =	simm.s32 $0x3C00  }
0x237: {  	[tilespmem:s13], [sflag:$0x1] =	stream.indirect_vreg.gather [hbm4b:s7+s3], $0x80, v3, vm0, $0xb8;
	[tilespmem:$0x1C400] =	vst v63  }
0x238: {  	v3 =	vld [tilespmem:$0x160];
	_ =	sdelay $0x4  }
0x239: {  	v16 =	vshll.u32 v3, $0x3  }
0x23a: {  	v3 =	vand.u32 $0x7, v3;
	v4 =	vand.u32 $0xFFFFFFC0, v16  }
0x23b: {  	v3 =	vor.u32 v3, v4  }
0x23c: {  	v4 =	vperm.xlane v3, v0;
	_ =	sdelay $0x1  }
0x23d: {  	v4 =	vadd.s32 v1, v4;
	_ =	sdelay $0x3  }
0x23e: {  	s26 =	simm.s32 $0x4400  }
0x23f: {  	[tilespmem:s26], [sflag:$0x1] =	stream.indirect_vreg.gather [hbm4b:s2+s3], $0x80, v4, vm0, $0xb8;
	[tilespmem:$0x1C400] =	vst v63  }
0x240: {  	s28 =	simm.s32 $0x4C00;
	v3 =	vperm.xlane v3, v2  }
0x241: {  	[tilespmem:s28], [sflag:$0x1] =	stream.indirect_vreg.gather [hbm4b:s5+s3], $0x80, v4, vm0, $0xb8;
	[tilespmem:$0x1C400] =	vst v63  }
0x242: {  	s21 =	simm.s32 $0x5400;
	v3 =	vadd.s32 v1, v3  }
0x243: {  	[tilespmem:s21], [sflag:$0x1] =	stream.indirect_vreg.gather [hbm4b:s6+s3], $0x80, v4, vm0, $0xb8;
	[tilespmem:$0x1C400] =	vst v63  }
0x244: {  	s22 =	simm.s32 $0x5C00  }
0x245: {  	[tilespmem:s22], [sflag:$0x1] =	stream.indirect_vreg.gather [hbm4b:s7+s3], $0x80, v4, vm0, $0xb8;
	[tilespmem:$0x1C400] =	vst v63  }
0x246: {  	s24 =	simm.s32 $0x6400  }
0x247: {  	[tilespmem:s24], [sflag:$0x1] =	stream.indirect_vreg.gather [hbm4b:s2+s3], $0x80, v3, vm0, $0xb8;
	[tilespmem:$0x1C400] =	vst v63  }
0x248: {  	s26 =	simm.s32 $0x6C00  }
0x249: {  	[tilespmem:s26], [sflag:$0x1] =	stream.indirect_vreg.gather [hbm4b:s5+s3], $0x80, v3, vm0, $0xb8;
	[tilespmem:$0x1C400] =	vst v63  }
0x24a: {  	s28 =	simm.s32 $0x7400  }
0x24b: {  	[tilespmem:s28], [sflag:$0x1] =	stream.indirect_vreg.gather [hbm4b:s6+s3], $0x80, v3, vm0, $0xb8;
	[tilespmem:$0x1C400] =	vst v63  }
0x24c: {  	s29 =	simm.s32 $0x7C00  }
0x24d: {  	[tilespmem:s29], [sflag:$0x1] =	stream.indirect_vreg.gather [hbm4b:s7+s3], $0x80, v3, vm0, $0xb8;
	[tilespmem:$0x1C400] =	vst v63  }
0x24e: {  	v3 =	vld [tilespmem:$0x170];
	_ =	sdelay $0x4  }
0x24f: {  	v17 =	vshll.u32 v3, $0x3  }
0x250: {  	v3 =	vand.u32 $0x7, v3;
	v4 =	vand.u32 $0xFFFFFFC0, v17  }
0x251: {  	v3 =	vor.u32 v3, v4  }
0x252: {  	v4 =	vperm.xlane v3, v0;
	_ =	sdelay $0x1  }
0x253: {  	v4 =	vadd.s32 v1, v4;
	_ =	sdelay $0x3  }
0x254: {  	s30 =	simm.s32 $0x8400  }
0x255: {  	[tilespmem:s30], [sflag:$0x1] =	stream.indirect_vreg.gather [hbm4b:s2+s3], $0x80, v4, vm0, $0xb8;
	[tilespmem:$0x1C400] =	vst v63  }
0x256: {  	s31 =	simm.s32 $0x8C00;
	v3 =	vperm.xlane v3, v2  }
0x257: {  	[tilespmem:s31], [sflag:$0x1] =	stream.indirect_vreg.gather [hbm4b:s5+s3], $0x80, v4, vm0, $0xb8;
	[tilespmem:$0x1C400] =	vst v63  }
0x258: {  	s29 =	simm.s32 $0x9400;
	v3 =	vadd.s32 v1, v3  }
0x259: {  	[tilespmem:s29], [sflag:$0x1] =	stream.indirect_vreg.gather [hbm4b:s6+s3], $0x80, v4, vm0, $0xb8;
	[tilespmem:$0x1C400] =	vst v63  }
0x25a: {  	s30 =	simm.s32 $0x9C00  }
0x25b: {  	[tilespmem:s30], [sflag:$0x1] =	stream.indirect_vreg.gather [hbm4b:s7+s3], $0x80, v4, vm0, $0xb8;
	[tilespmem:$0x1C400] =	vst v63  }
0x25c: {  	s31 =	simm.s32 $0xA400  }
0x25d: {  	[tilespmem:s31], [sflag:$0x1] =	stream.indirect_vreg.gather [hbm4b:s2+s3], $0x80, v3, vm0, $0xb8;
	[tilespmem:$0x1C400] =	vst v63  }
0x25e: {  	s20 =	simm.s32 $0xAC00  }
0x25f: {  	[tilespmem:s20], [sflag:$0x1] =	stream.indirect_vreg.gather [hbm4b:s5+s3], $0x80, v3, vm0, $0xb8;
	[tilespmem:$0x1C400] =	vst v63  }
0x260: {  	s20 =	simm.s32 $0xB400  }
0x261: {  	[tilespmem:s20], [sflag:$0x1] =	stream.indirect_vreg.gather [hbm4b:s6+s3], $0x80, v3, vm0, $0xb8;
	[tilespmem:$0x1C400] =	vst v63  }
0x262: {  	s20 =	simm.s32 $0xBC00  }
0x263: {  	[tilespmem:s20], [sflag:$0x1] =	stream.indirect_vreg.gather [hbm4b:s7+s3], $0x80, v3, vm0, $0xb8;
	[tilespmem:$0x1C400] =	vst v63  }
0x264: {  	v3 =	vld.msk [tilespmem:$0x180], $0xff;
	_ =	sdelay $0x4  }
0x265: {  	v18 =	vshll.u32 v3, $0x3  }
0x266: {  	v3 =	vand.u32 $0x7, v3;
	v4 =	vand.u32 $0xFFFFFFC0, v18  }
0x267: {  	v3 =	vor.u32 v3, v4  }
0x268: {  	v3 =	vperm.xlane v3, v0;
	_ =	sdelay $0x1  }
0x269: {  	v3 =	vadd.s32 v1, v3;
	_ =	sdelay $0x3  }
0x26a: {  	s20 =	simm.s32 $0xC400  }
0x26b: {  	[tilespmem:s20], [sflag:$0x1] =	stream.indirect_vreg.gather [hbm4b:s2+s3], $0x80, v3, vm0, $0xb8;
	[tilespmem:$0x1C400] =	vst v63  }
0x26c: {  	s20 =	simm.s32 $0xCC00  }
0x26d: {  	[tilespmem:s20], [sflag:$0x1] =	stream.indirect_vreg.gather [hbm4b:s5+s3], $0x80, v3, vm0, $0xb8;
	[tilespmem:$0x1C400] =	vst v63  }
0x26e: {  	s20 =	simm.s32 $0xD400  }
0x26f: {  	[tilespmem:s20], [sflag:$0x1] =	stream.indirect_vreg.gather [hbm4b:s6+s3], $0x80, v3, vm0, $0xb8;
	[tilespmem:$0x1C400] =	vst v63  }
0x270: {  	s20 =	simm.s32 $0xDC00  }
0x271: {  	[tilespmem:s20], [sflag:$0x1] =	stream.indirect_vreg.gather [hbm4b:s7+s3], $0x80, v3, vm0, $0xb8;
	[tilespmem:$0x1C400] =	vst v63  }
0x272: {  	_ =	swait.ge [sflag:s18], $0xE000  }
0x273: {  	[sflag:s18] =	ssyncset.done $0x0  }
0x274: {  	s14 =	simm.s32 $0xE400;
	s20 =	rddreg [dreg:$0x9];
	[sflag:s18] =	ssyncadd.s32 $0xFFFF2000  }
0x275: {  	[hbm4b:s20+s3] =	stream.linear.scatter [tilespmem:s14], [sflag:$0x4], $0xE000, $0x38;
	[tilespmem:$0x1C400] =	vst v63  }
0x276: {  	_ =	swait.ge [sflag:s19], $0xE000  }
0x277: {  	[sflag:s19] =	ssyncset.done $0x0  }
0x278: {  	[sflag:s19] =	ssyncadd.s32 $0xFFFF2000  }
0x279: {  	v3 =	vld [tilespmem:$0x188];
	_ =	sdelay $0x4  }
0x27a: {  	v19 =	vshll.u32 v3, $0x3  }
0x27b: {  	v3 =	vand.u32 $0x7, v3;
	v4 =	vand.u32 $0xFFFFFFC0, v19  }
0x27c: {  	v3 =	vor.u32 v3, v4  }
0x27d: {  	v4 =	vperm.xlane v3, v0;
	_ =	sdelay $0x1  }
0x27e: {  	v4 =	vadd.s32 v1, v4;
	_ =	sdelay $0x4  }
0x27f: {  	[tilespmem:s14], [sflag:$0x2] =	stream.indirect_vreg.gather [hbm4b:s2+s3], $0x80, v4, vm0, $0xb8;
	[tilespmem:$0x1C400] =	vst v63  }
0x280: {  	v3 =	vperm.xlane v3, v2;
	s14 =	simm.s32 $0xEC00  }
0x281: {  	[tilespmem:s14], [sflag:$0x2] =	stream.indirect_vreg.gather [hbm4b:s5+s3], $0x80, v4, vm0, $0xb8;
	[tilespmem:$0x1C400] =	vst v63  }
0x282: {  	s15 =	simm.s32 $0xF400;
	v3 =	vadd.s32 v1, v3  }
0x283: {  	[tilespmem:s15], [sflag:$0x2] =	stream.indirect_vreg.gather [hbm4b:s6+s3], $0x80, v4, vm0, $0xb8;
	[tilespmem:$0x1C400] =	vst v63  }
0x284: {  	s16 =	simm.s32 $0xFC00  }
0x285: {  	[tilespmem:s16], [sflag:$0x2] =	stream.indirect_vreg.gather [hbm4b:s7+s3], $0x80, v4, vm0, $0xb8;
	[tilespmem:$0x1C400] =	vst v63  }
0x286: {  	s17 =	simm.s32 $0x10400  }
0x287: {  	[tilespmem:s17], [sflag:$0x2] =	stream.indirect_vreg.gather [hbm4b:s2+s3], $0x80, v3, vm0, $0xb8;
	[tilespmem:$0x1C400] =	vst v63  }
0x288: {  	s16 =	simm.s32 $0x10C00  }
0x289: {  	[tilespmem:s16], [sflag:$0x2] =	stream.indirect_vreg.gather [hbm4b:s5+s3], $0x80, v3, vm0, $0xb8;
	[tilespmem:$0x1C400] =	vst v63  }
0x28a: {  	s17 =	simm.s32 $0x11400  }
0x28b: {  	[tilespmem:s17], [sflag:$0x2] =	stream.indirect_vreg.gather [hbm4b:s6+s3], $0x80, v3, vm0, $0xb8;
	[tilespmem:$0x1C400] =	vst v63  }
0x28c: {  	s15 =	simm.s32 $0x11C00  }
0x28d: {  	[tilespmem:s15], [sflag:$0x2] =	stream.indirect_vreg.gather [hbm4b:s7+s3], $0x80, v3, vm0, $0xb8;
	[tilespmem:$0x1C400] =	vst v63  }
0x28e: {  	v3 =	vld [tilespmem:$0x198];
	_ =	sdelay $0x4  }
0x28f: {  	v20 =	vshll.u32 v3, $0x3  }
0x290: {  	v3 =	vand.u32 $0x7, v3;
	v4 =	vand.u32 $0xFFFFFFC0, v20  }
0x291: {  	v3 =	vor.u32 v3, v4  }
0x292: {  	v4 =	vperm.xlane v3, v0;
	_ =	sdelay $0x1  }
0x293: {  	v4 =	vadd.s32 v1, v4;
	_ =	sdelay $0x3  }
0x294: {  	s16 =	simm.s32 $0x12400  }
0x295: {  	[tilespmem:s16], [sflag:$0x2] =	stream.indirect_vreg.gather [hbm4b:s2+s3], $0x80, v4, vm0, $0xb8;
	[tilespmem:$0x1C400] =	vst v63  }
0x296: {  	s17 =	simm.s32 $0x12C00;
	v3 =	vperm.xlane v3, v2  }
0x297: {  	[tilespmem:s17], [sflag:$0x2] =	stream.indirect_vreg.gather [hbm4b:s5+s3], $0x80, v4, vm0, $0xb8;
	[tilespmem:$0x1C400] =	vst v63  }
0x298: {  	s20 =	simm.s32 $0x13400;
	v3 =	vadd.s32 v1, v3  }
0x299: {  	[tilespmem:s20], [sflag:$0x2] =	stream.indirect_vreg.gather [hbm4b:s6+s3], $0x80, v4, vm0, $0xb8;
	[tilespmem:$0x1C400] =	vst v63  }
0x29a: {  	s20 =	simm.s32 $0x13C00  }
0x29b: {  	[tilespmem:s20], [sflag:$0x2] =	stream.indirect_vreg.gather [hbm4b:s7+s3], $0x80, v4, vm0, $0xb8;
	[tilespmem:$0x1C400] =	vst v63  }
0x29c: {  	s20 =	simm.s32 $0x14400  }
0x29d: {  	[tilespmem:s20], [sflag:$0x2] =	stream.indirect_vreg.gather [hbm4b:s2+s3], $0x80, v3, vm0, $0xb8;
	[tilespmem:$0x1C400] =	vst v63  }
0x29e: {  	s20 =	simm.s32 $0x14C00  }
0x29f: {  	[tilespmem:s20], [sflag:$0x2] =	stream.indirect_vreg.gather [hbm4b:s5+s3], $0x80, v3, vm0, $0xb8;
	[tilespmem:$0x1C400] =	vst v63  }
0x2a0: {  	s20 =	simm.s32 $0x15400  }
0x2a1: {  	[tilespmem:s20], [sflag:$0x2] =	stream.indirect_vreg.gather [hbm4b:s6+s3], $0x80, v3, vm0, $0xb8;
	[tilespmem:$0x1C400] =	vst v63  }
0x2a2: {  	s20 =	simm.s32 $0x15C00  }
0x2a3: {  	[tilespmem:s20], [sflag:$0x2] =	stream.indirect_vreg.gather [hbm4b:s7+s3], $0x80, v3, vm0, $0xb8;
	[tilespmem:$0x1C400] =	vst v63  }
0x2a4: {  	v3 =	vld [tilespmem:$0x1A8];
	_ =	sdelay $0x4  }
0x2a5: {  	v21 =	vshll.u32 v3, $0x3  }
0x2a6: {  	v3 =	vand.u32 $0x7, v3;
	v4 =	vand.u32 $0xFFFFFFC0, v21  }
0x2a7: {  	v3 =	vor.u32 v3, v4  }
0x2a8: {  	v4 =	vperm.xlane v3, v0;
	_ =	sdelay $0x1  }
0x2a9: {  	v4 =	vadd.s32 v1, v4;
	_ =	sdelay $0x3  }
0x2aa: {  	s20 =	simm.s32 $0x16400  }
0x2ab: {  	[tilespmem:s20], [sflag:$0x2] =	stream.indirect_vreg.gather [hbm4b:s2+s3], $0x80, v4, vm0, $0xb8;
	[tilespmem:$0x1C400] =	vst v63  }
0x2ac: {  	v3 =	vperm.xlane v3, v2  }
0x2ad: {  	[tilespmem:s23], [sflag:$0x2] =	stream.indirect_vreg.gather [hbm4b:s5+s3], $0x80, v4, vm0, $0xb8;
	[tilespmem:$0x1C400] =	vst v63  }
0x2ae: {  	v3 =	vadd.s32 v1, v3;
	s23 =	simm.s32 $0x17400  }
0x2af: {  	[tilespmem:s23], [sflag:$0x2] =	stream.indirect_vreg.gather [hbm4b:s6+s3], $0x80, v4, vm0, $0xb8;
	[tilespmem:$0x1C400] =	vst v63  }
0x2b0: {  	s20 =	simm.s32 $0x17C00  }
0x2b1: {  	[tilespmem:s20], [sflag:$0x2] =	stream.indirect_vreg.gather [hbm4b:s7+s3], $0x80, v4, vm0, $0xb8;
	[tilespmem:$0x1C400] =	vst v63  }
0x2b2: {  	s20 =	simm.s32 $0x18400  }
0x2b3: {  	[tilespmem:s20], [sflag:$0x2] =	stream.indirect_vreg.gather [hbm4b:s2+s3], $0x80, v3, vm0, $0xb8;
	[tilespmem:$0x1C400] =	vst v63  }
0x2b4: {  	s20 =	simm.s32 $0x18C00  }
0x2b5: {  	[tilespmem:s20], [sflag:$0x2] =	stream.indirect_vreg.gather [hbm4b:s5+s3], $0x80, v3, vm0, $0xb8;
	[tilespmem:$0x1C400] =	vst v63  }
0x2b6: {  	s20 =	simm.s32 $0x19400  }
0x2b7: {  	[tilespmem:s20], [sflag:$0x2] =	stream.indirect_vreg.gather [hbm4b:s6+s3], $0x80, v3, vm0, $0xb8;
	[tilespmem:$0x1C400] =	vst v63  }
0x2b8: {  	_ = 	snop  }
0x2b9: {  	[tilespmem:s0], [sflag:$0x2] =	stream.indirect_vreg.gather [hbm4b:s7+s3], $0x80, v3, vm0, $0xb8;
	[tilespmem:$0x1C400] =	vst v63  }
0x2ba: {  	v3 =	vld.msk [tilespmem:$0x1B8], $0xff;
	_ =	sdelay $0x4  }
0x2bb: {  	v22 =	vshll.u32 v3, $0x3  }
0x2bc: {  	v3 =	vand.u32 $0x7, v3;
	v4 =	vand.u32 $0xFFFFFFC0, v22  }
0x2bd: {  	v3 =	vor.u32 v3, v4  }
0x2be: {  	v3 =	vperm.xlane v3, v0;
	_ =	sdelay $0x1  }
0x2bf: {  	v3 =	vadd.s32 v1, v3;
	_ =	sdelay $0x3  }
0x2c0: {  	s20 =	simm.s32 $0x1A400  }
0x2c1: {  	[tilespmem:s20], [sflag:$0x2] =	stream.indirect_vreg.gather [hbm4b:s2+s3], $0x80, v3, vm0, $0xb8;
	[tilespmem:$0x1C400] =	vst v63  }
0x2c2: {  	s20 =	simm.s32 $0x1AC00  }
0x2c3: {  	[tilespmem:s20], [sflag:$0x2] =	stream.indirect_vreg.gather [hbm4b:s5+s3], $0x80, v3, vm0, $0xb8;
	[tilespmem:$0x1C400] =	vst v63  }
0x2c4: {  	s20 =	simm.s32 $0x1B400  }
0x2c5: {  	[tilespmem:s20], [sflag:$0x2] =	stream.indirect_vreg.gather [hbm4b:s6+s3], $0x80, v3, vm0, $0xb8;
	[tilespmem:$0x1C400] =	vst v63  }
0x2c6: {  	s20 =	simm.s32 $0x1BC00  }
0x2c7: {  	[tilespmem:s20], [sflag:$0x2] =	stream.indirect_vreg.gather [hbm4b:s7+s3], $0x80, v3, vm0, $0xb8;
	[tilespmem:$0x1C400] =	vst v63  }
0x2c8: {  	_ =	swait.ge [sflag:s9], $0xE000  }
0x2c9: {  	[sflag:s9] =	ssyncset.done $0x0  }
0x2ca: {  	s0 =	simm.s32 $0x400;
	s20 =	rddreg [dreg:$0xa];
	[sflag:s9] =	ssyncadd.s32 $0xFFFF2000  }
0x2cb: {  	[hbm4b:s20+s3] =	stream.linear.scatter [tilespmem:s0], [sflag:$0x3], $0xE000, $0x38;
	[tilespmem:$0x1C400] =	vst v63  }
0x2cc: {  	_ =	swait.ge [sflag:s4], $0xE000  }
0x2cd: {  	[sflag:s4] =	ssyncset.done $0x0  }
0x2ce: {  	[sflag:s4] =	ssyncadd.s32 $0xFFFF2000  }
0x2cf: {  	v3 =	vld [tilespmem:$0x1C0];
	_ =	sdelay $0x4  }
0x2d0: {  	v23 =	vshll.u32 v3, $0x3  }
0x2d1: {  	v3 =	vand.u32 $0x7, v3;
	v4 =	vand.u32 $0xFFFFFFC0, v23  }
0x2d2: {  	v3 =	vor.u32 v3, v4  }
0x2d3: {  	v4 =	vperm.xlane v3, v0;
	_ =	sdelay $0x1  }
0x2d4: {  	v4 =	vadd.s32 v1, v4;
	_ =	sdelay $0x4  }
0x2d5: {  	[tilespmem:s0], [sflag:$0x1] =	stream.indirect_vreg.gather [hbm4b:s2+s3], $0x80, v4, vm0, $0xb8;
	[tilespmem:$0x1C400] =	vst v63  }
0x2d6: {  	v3 =	vperm.xlane v3, v2  }
0x2d7: {  	[tilespmem:s25], [sflag:$0x1] =	stream.indirect_vreg.gather [hbm4b:s5+s3], $0x80, v4, vm0, $0xb8;
	[tilespmem:$0x1C400] =	vst v63  }
0x2d8: {  	v3 =	vadd.s32 v1, v3  }
0x2d9: {  	[tilespmem:s1], [sflag:$0x1] =	stream.indirect_vreg.gather [hbm4b:s6+s3], $0x80, v4, vm0, $0xb8;
	[tilespmem:$0x1C400] =	vst v63  }
0x2da: {  	_ = 	snop  }
0x2db: {  	[tilespmem:s8], [sflag:$0x1] =	stream.indirect_vreg.gather [hbm4b:s7+s3], $0x80, v4, vm0, $0xb8;
	[tilespmem:$0x1C400] =	vst v63  }
0x2dc: {  	_ = 	snop  }
0x2dd: {  	[tilespmem:s10], [sflag:$0x1] =	stream.indirect_vreg.gather [hbm4b:s2+s3], $0x80, v3, vm0, $0xb8;
	[tilespmem:$0x1C400] =	vst v63  }
0x2de: {  	_ = 	snop  }
0x2df: {  	[tilespmem:s11], [sflag:$0x1] =	stream.indirect_vreg.gather [hbm4b:s5+s3], $0x80, v3, vm0, $0xb8;
	[tilespmem:$0x1C400] =	vst v63  }
0x2e0: {  	_ = 	snop  }
0x2e1: {  	[tilespmem:s12], [sflag:$0x1] =	stream.indirect_vreg.gather [hbm4b:s6+s3], $0x80, v3, vm0, $0xb8;
	[tilespmem:$0x1C400] =	vst v63  }
0x2e2: {  	_ = 	snop  }
0x2e3: {  	[tilespmem:s13], [sflag:$0x1] =	stream.indirect_vreg.gather [hbm4b:s7+s3], $0x80, v3, vm0, $0xb8;
	[tilespmem:$0x1C400] =	vst v63  }
0x2e4: {  	v3 =	vld [tilespmem:$0x1D0];
	_ =	sdelay $0x4  }
0x2e5: {  	v24 =	vshll.u32 v3, $0x3  }
0x2e6: {  	v3 =	vand.u32 $0x7, v3;
	v4 =	vand.u32 $0xFFFFFFC0, v24  }
0x2e7: {  	v3 =	vor.u32 v3, v4  }
0x2e8: {  	v4 =	vperm.xlane v3, v0;
	_ =	sdelay $0x1  }
0x2e9: {  	v4 =	vadd.s32 v1, v4;
	_ =	sdelay $0x3  }
0x2ea: {  	s20 =	simm.s32 $0x4400  }
0x2eb: {  	[tilespmem:s20], [sflag:$0x1] =	stream.indirect_vreg.gather [hbm4b:s2+s3], $0x80, v4, vm0, $0xb8;
	[tilespmem:$0x1C400] =	vst v63  }
0x2ec: {  	s25 =	simm.s32 $0x4C00;
	v3 =	vperm.xlane v3, v2  }
0x2ed: {  	[tilespmem:s25], [sflag:$0x1] =	stream.indirect_vreg.gather [hbm4b:s5+s3], $0x80, v4, vm0, $0xb8;
	[tilespmem:$0x1C400] =	vst v63  }
0x2ee: {  	v3 =	vadd.s32 v1, v3  }
0x2ef: {  	[tilespmem:s21], [sflag:$0x1] =	stream.indirect_vreg.gather [hbm4b:s6+s3], $0x80, v4, vm0, $0xb8;
	[tilespmem:$0x1C400] =	vst v63  }
0x2f0: {  	_ = 	snop  }
0x2f1: {  	[tilespmem:s22], [sflag:$0x1] =	stream.indirect_vreg.gather [hbm4b:s7+s3], $0x80, v4, vm0, $0xb8;
	[tilespmem:$0x1C400] =	vst v63  }
0x2f2: {  	_ = 	snop  }
0x2f3: {  	[tilespmem:s24], [sflag:$0x1] =	stream.indirect_vreg.gather [hbm4b:s2+s3], $0x80, v3, vm0, $0xb8;
	[tilespmem:$0x1C400] =	vst v63  }
0x2f4: {  	_ = 	snop  }
0x2f5: {  	[tilespmem:s26], [sflag:$0x1] =	stream.indirect_vreg.gather [hbm4b:s5+s3], $0x80, v3, vm0, $0xb8;
	[tilespmem:$0x1C400] =	vst v63  }
0x2f6: {  	_ = 	snop  }
0x2f7: {  	[tilespmem:s28], [sflag:$0x1] =	stream.indirect_vreg.gather [hbm4b:s6+s3], $0x80, v3, vm0, $0xb8;
	[tilespmem:$0x1C400] =	vst v63  }
0x2f8: {  	s28 =	simm.s32 $0x7C00  }
0x2f9: {  	[tilespmem:s28], [sflag:$0x1] =	stream.indirect_vreg.gather [hbm4b:s7+s3], $0x80, v3, vm0, $0xb8;
	[tilespmem:$0x1C400] =	vst v63  }
0x2fa: {  	v3 =	vld [tilespmem:$0x1E0];
	_ =	sdelay $0x4  }
0x2fb: {  	v25 =	vshll.u32 v3, $0x3  }
0x2fc: {  	v3 =	vand.u32 $0x7, v3;
	v4 =	vand.u32 $0xFFFFFFC0, v25  }
0x2fd: {  	v3 =	vor.u32 v3, v4  }
0x2fe: {  	v4 =	vperm.xlane v3, v0;
	_ =	sdelay $0x1  }
0x2ff: {  	v4 =	vadd.s32 v1, v4;
	_ =	sdelay $0x3  }
0x300: {  	s8 =	simm.s32 $0x8400  }
0x301: {  	[tilespmem:s8], [sflag:$0x1] =	stream.indirect_vreg.gather [hbm4b:s2+s3], $0x80, v4, vm0, $0xb8;
	[tilespmem:$0x1C400] =	vst v63  }
0x302: {  	s20 =	simm.s32 $0x8C00;
	v3 =	vperm.xlane v3, v2  }
0x303: {  	[tilespmem:s20], [sflag:$0x1] =	stream.indirect_vreg.gather [hbm4b:s5+s3], $0x80, v4, vm0, $0xb8;
	[tilespmem:$0x1C400] =	vst v63  }
0x304: {  	v3 =	vadd.s32 v1, v3  }
0x305: {  	[tilespmem:s29], [sflag:$0x1] =	stream.indirect_vreg.gather [hbm4b:s6+s3], $0x80, v4, vm0, $0xb8;
	[tilespmem:$0x1C400] =	vst v63  }
0x306: {  	_ = 	snop  }
0x307: {  	[tilespmem:s30], [sflag:$0x1] =	stream.indirect_vreg.gather [hbm4b:s7+s3], $0x80, v4, vm0, $0xb8;
	[tilespmem:$0x1C400] =	vst v63  }
0x308: {  	_ = 	snop  }
0x309: {  	[tilespmem:s31], [sflag:$0x1] =	stream.indirect_vreg.gather [hbm4b:s2+s3], $0x80, v3, vm0, $0xb8;
	[tilespmem:$0x1C400] =	vst v63  }
0x30a: {  	s25 =	simm.s32 $0xAC00  }
0x30b: {  	[tilespmem:s25], [sflag:$0x1] =	stream.indirect_vreg.gather [hbm4b:s5+s3], $0x80, v3, vm0, $0xb8;
	[tilespmem:$0x1C400] =	vst v63  }
0x30c: {  	s26 =	simm.s32 $0xB400  }
0x30d: {  	[tilespmem:s26], [sflag:$0x1] =	stream.indirect_vreg.gather [hbm4b:s6+s3], $0x80, v3, vm0, $0xb8;
	[tilespmem:$0x1C400] =	vst v63  }
0x30e: {  	s28 =	simm.s32 $0xBC00  }
0x30f: {  	[tilespmem:s28], [sflag:$0x1] =	stream.indirect_vreg.gather [hbm4b:s7+s3], $0x80, v3, vm0, $0xb8;
	[tilespmem:$0x1C400] =	vst v63  }
0x310: {  	v3 =	vld.msk [tilespmem:$0x1F0], $0xff;
	_ =	sdelay $0x4  }
0x311: {  	v26 =	vshll.u32 v3, $0x3  }
0x312: {  	v3 =	vand.u32 $0x7, v3;
	v4 =	vand.u32 $0xFFFFFFC0, v26  }
0x313: {  	v3 =	vor.u32 v3, v4  }
0x314: {  	v3 =	vperm.xlane v3, v0;
	_ =	sdelay $0x1  }
0x315: {  	v3 =	vadd.s32 v1, v3;
	_ =	sdelay $0x3  }
0x316: {  	s29 =	simm.s32 $0xC400  }
0x317: {  	[tilespmem:s29], [sflag:$0x1] =	stream.indirect_vreg.gather [hbm4b:s2+s3], $0x80, v3, vm0, $0xb8;
	[tilespmem:$0x1C400] =	vst v63  }
0x318: {  	s31 =	simm.s32 $0xCC00  }
0x319: {  	[tilespmem:s31], [sflag:$0x1] =	stream.indirect_vreg.gather [hbm4b:s5+s3], $0x80, v3, vm0, $0xb8;
	[tilespmem:$0x1C400] =	vst v63  }
0x31a: {  	s8 =	simm.s32 $0xD400  }
0x31b: {  	[tilespmem:s8], [sflag:$0x1] =	stream.indirect_vreg.gather [hbm4b:s6+s3], $0x80, v3, vm0, $0xb8;
	[tilespmem:$0x1C400] =	vst v63  }
0x31c: {  	s20 =	simm.s32 $0xDC00  }
0x31d: {  	[tilespmem:s20], [sflag:$0x1] =	stream.indirect_vreg.gather [hbm4b:s7+s3], $0x80, v3, vm0, $0xb8;
	[tilespmem:$0x1C400] =	vst v63  }
0x31e: {  	_ =	swait.ge [sflag:s18], $0xE000  }
0x31f: {  	[sflag:s18] =	ssyncset.done $0x0  }
0x320: {  	s26 =	simm.s32 $0xE400;
	s25 =	rddreg [dreg:$0xb];
	[sflag:s18] =	ssyncadd.s32 $0xFFFF2000  }
0x321: {  	[hbm4b:s25+s3] =	stream.linear.scatter [tilespmem:s26], [sflag:$0x4], $0xE000, $0x38;
	[tilespmem:$0x1C400] =	vst v63  }
0x322: {  	_ =	swait.ge [sflag:s19], $0xE000  }
0x323: {  	[sflag:s19] =	ssyncset.done $0x0  }
0x324: {  	[sflag:s19] =	ssyncadd.s32 $0xFFFF2000  }
0x325: {  	v3 =	vld [tilespmem:$0x1F8];
	_ =	sdelay $0x4  }
0x326: {  	v27 =	vshll.u32 v3, $0x3  }
0x327: {  	v3 =	vand.u32 $0x7, v3;
	v4 =	vand.u32 $0xFFFFFFC0, v27  }
0x328: {  	v3 =	vor.u32 v3, v4  }
0x329: {  	v4 =	vperm.xlane v3, v0;
	_ =	sdelay $0x1  }
0x32a: {  	v4 =	vadd.s32 v1, v4;
	_ =	sdelay $0x4  }
0x32b: {  	[tilespmem:s26], [sflag:$0x2] =	stream.indirect_vreg.gather [hbm4b:s2+s3], $0x80, v4, vm0, $0xb8;
	[tilespmem:$0x1C400] =	vst v63  }
0x32c: {  	v3 =	vperm.xlane v3, v2  }
0x32d: {  	[tilespmem:s14], [sflag:$0x2] =	stream.indirect_vreg.gather [hbm4b:s5+s3], $0x80, v4, vm0, $0xb8;
	[tilespmem:$0x1C400] =	vst v63  }
0x32e: {  	s28 =	simm.s32 $0xF400;
	v3 =	vadd.s32 v1, v3  }
0x32f: {  	[tilespmem:s28], [sflag:$0x2] =	stream.indirect_vreg.gather [hbm4b:s6+s3], $0x80, v4, vm0, $0xb8;
	[tilespmem:$0x1C400] =	vst v63  }
0x330: {  	s29 =	simm.s32 $0xFC00  }
0x331: {  	[tilespmem:s29], [sflag:$0x2] =	stream.indirect_vreg.gather [hbm4b:s7+s3], $0x80, v4, vm0, $0xb8;
	[tilespmem:$0x1C400] =	vst v63  }
0x332: {  	s31 =	simm.s32 $0x10400  }
0x333: {  	[tilespmem:s31], [sflag:$0x2] =	stream.indirect_vreg.gather [hbm4b:s2+s3], $0x80, v3, vm0, $0xb8;
	[tilespmem:$0x1C400] =	vst v63  }
0x334: {  	s29 =	simm.s32 $0x10C00  }
0x335: {  	[tilespmem:s29], [sflag:$0x2] =	stream.indirect_vreg.gather [hbm4b:s5+s3], $0x80, v3, vm0, $0xb8;
	[tilespmem:$0x1C400] =	vst v63  }
0x336: {  	s14 =	simm.s32 $0x11400  }
0x337: {  	[tilespmem:s14], [sflag:$0x2] =	stream.indirect_vreg.gather [hbm4b:s6+s3], $0x80, v3, vm0, $0xb8;
	[tilespmem:$0x1C400] =	vst v63  }
0x338: {  	_ = 	snop  }
0x339: {  	[tilespmem:s15], [sflag:$0x2] =	stream.indirect_vreg.gather [hbm4b:s7+s3], $0x80, v3, vm0, $0xb8;
	[tilespmem:$0x1C400] =	vst v63  }
0x33a: {  	v3 =	vld [tilespmem:$0x208];
	_ =	sdelay $0x4  }
0x33b: {  	v28 =	vshll.u32 v3, $0x3  }
0x33c: {  	v3 =	vand.u32 $0x7, v3;
	v4 =	vand.u32 $0xFFFFFFC0, v28  }
0x33d: {  	v3 =	vor.u32 v3, v4  }
0x33e: {  	v4 =	vperm.xlane v3, v0;
	_ =	sdelay $0x1  }
0x33f: {  	v4 =	vadd.s32 v1, v4;
	_ =	sdelay $0x4  }
0x340: {  	[tilespmem:s16], [sflag:$0x2] =	stream.indirect_vreg.gather [hbm4b:s2+s3], $0x80, v4, vm0, $0xb8;
	[tilespmem:$0x1C400] =	vst v63  }
0x341: {  	v3 =	vperm.xlane v3, v2  }
0x342: {  	[tilespmem:s17], [sflag:$0x2] =	stream.indirect_vreg.gather [hbm4b:s5+s3], $0x80, v4, vm0, $0xb8;
	[tilespmem:$0x1C400] =	vst v63  }
0x343: {  	s15 =	simm.s32 $0x13400;
	v3 =	vadd.s32 v1, v3  }
0x344: {  	[tilespmem:s15], [sflag:$0x2] =	stream.indirect_vreg.gather [hbm4b:s6+s3], $0x80, v4, vm0, $0xb8;
	[tilespmem:$0x1C400] =	vst v63  }
0x345: {  	s16 =	simm.s32 $0x13C00  }
0x346: {  	[tilespmem:s16], [sflag:$0x2] =	stream.indirect_vreg.gather [hbm4b:s7+s3], $0x80, v4, vm0, $0xb8;
	[tilespmem:$0x1C400] =	vst v63  }
0x347: {  	s17 =	simm.s32 $0x14400  }
0x348: {  	[tilespmem:s17], [sflag:$0x2] =	stream.indirect_vreg.gather [hbm4b:s2+s3], $0x80, v3, vm0, $0xb8;
	[tilespmem:$0x1C400] =	vst v63  }
0x349: {  	s20 =	simm.s32 $0x14C00  }
0x34a: {  	[tilespmem:s20], [sflag:$0x2] =	stream.indirect_vreg.gather [hbm4b:s5+s3], $0x80, v3, vm0, $0xb8;
	[tilespmem:$0x1C400] =	vst v63  }
0x34b: {  	s25 =	simm.s32 $0x15400  }
0x34c: {  	[tilespmem:s25], [sflag:$0x2] =	stream.indirect_vreg.gather [hbm4b:s6+s3], $0x80, v3, vm0, $0xb8;
	[tilespmem:$0x1C400] =	vst v63  }
0x34d: {  	s26 =	simm.s32 $0x15C00  }
0x34e: {  	[tilespmem:s26], [sflag:$0x2] =	stream.indirect_vreg.gather [hbm4b:s7+s3], $0x80, v3, vm0, $0xb8;
	[tilespmem:$0x1C400] =	vst v63  }
0x34f: {  	v3 =	vld [tilespmem:$0x218];
	_ =	sdelay $0x4  }
0x350: {  	v29 =	vshll.u32 v3, $0x3  }
0x351: {  	v3 =	vand.u32 $0x7, v3;
	v4 =	vand.u32 $0xFFFFFFC0, v29  }
0x352: {  	v3 =	vor.u32 v3, v4  }
0x353: {  	v4 =	vperm.xlane v3, v0;
	_ =	sdelay $0x1  }
0x354: {  	v4 =	vadd.s32 v1, v4;
	_ =	sdelay $0x3  }
0x355: {  	s31 =	simm.s32 $0x16400  }
0x356: {  	[tilespmem:s31], [sflag:$0x2] =	stream.indirect_vreg.gather [hbm4b:s2+s3], $0x80, v4, vm0, $0xb8;
	[tilespmem:$0x1C400] =	vst v63  }
0x357: {  	s14 =	simm.s32 $0x16C00;
	v3 =	vperm.xlane v3, v2  }
0x358: {  	[tilespmem:s14], [sflag:$0x2] =	stream.indirect_vreg.gather [hbm4b:s5+s3], $0x80, v4, vm0, $0xb8;
	[tilespmem:$0x1C400] =	vst v63  }
0x359: {  	v3 =	vadd.s32 v1, v3  }
0x35a: {  	[tilespmem:s23], [sflag:$0x2] =	stream.indirect_vreg.gather [hbm4b:s6+s3], $0x80, v4, vm0, $0xb8;
	[tilespmem:$0x1C400] =	vst v63  }
0x35b: {  	s15 =	simm.s32 $0x17C00  }
0x35c: {  	[tilespmem:s15], [sflag:$0x2] =	stream.indirect_vreg.gather [hbm4b:s7+s3], $0x80, v4, vm0, $0xb8;
	[tilespmem:$0x1C400] =	vst v63  }
0x35d: {  	s16 =	simm.s32 $0x18400  }
0x35e: {  	[tilespmem:s16], [sflag:$0x2] =	stream.indirect_vreg.gather [hbm4b:s2+s3], $0x80, v3, vm0, $0xb8;
	[tilespmem:$0x1C400] =	vst v63  }
0x35f: {  	s17 =	simm.s32 $0x18C00  }
0x360: {  	[tilespmem:s17], [sflag:$0x2] =	stream.indirect_vreg.gather [hbm4b:s5+s3], $0x80, v3, vm0, $0xb8;
	[tilespmem:$0x1C400] =	vst v63  }
0x361: {  	s20 =	simm.s32 $0x19400  }
0x362: {  	[tilespmem:s20], [sflag:$0x2] =	stream.indirect_vreg.gather [hbm4b:s6+s3], $0x80, v3, vm0, $0xb8;
	[tilespmem:$0x1C400] =	vst v63  }
0x363: {  	s23 =	simm.s32 $0x19C00  }
0x364: {  	[tilespmem:s23], [sflag:$0x2] =	stream.indirect_vreg.gather [hbm4b:s7+s3], $0x80, v3, vm0, $0xb8;
	[tilespmem:$0x1C400] =	vst v63  }
0x365: {  	v3 =	vld.msk [tilespmem:$0x228], $0xff;
	_ =	sdelay $0x4  }
0x366: {  	v30 =	vshll.u32 v3, $0x3  }
0x367: {  	v3 =	vand.u32 $0x7, v3;
	v4 =	vand.u32 $0xFFFFFFC0, v30  }
0x368: {  	v3 =	vor.u32 v3, v4  }
0x369: {  	v3 =	vperm.xlane v3, v0;
	_ =	sdelay $0x1  }
0x36a: {  	v3 =	vadd.s32 v1, v3;
	_ =	sdelay $0x3  }
0x36b: {  	s25 =	simm.s32 $0x1A400  }
0x36c: {  	[tilespmem:s25], [sflag:$0x2] =	stream.indirect_vreg.gather [hbm4b:s2+s3], $0x80, v3, vm0, $0xb8;
	[tilespmem:$0x1C400] =	vst v63  }
0x36d: {  	s26 =	simm.s32 $0x1AC00  }
0x36e: {  	[tilespmem:s26], [sflag:$0x2] =	stream.indirect_vreg.gather [hbm4b:s5+s3], $0x80, v3, vm0, $0xb8;
	[tilespmem:$0x1C400] =	vst v63  }
0x36f: {  	s31 =	simm.s32 $0x1B400  }
0x370: {  	[tilespmem:s31], [sflag:$0x2] =	stream.indirect_vreg.gather [hbm4b:s6+s3], $0x80, v3, vm0, $0xb8;
	[tilespmem:$0x1C400] =	vst v63  }
0x371: {  	s14 =	simm.s32 $0x1BC00  }
0x372: {  	[tilespmem:s14], [sflag:$0x2] =	stream.indirect_vreg.gather [hbm4b:s7+s3], $0x80, v3, vm0, $0xb8;
	[tilespmem:$0x1C400] =	vst v63  }
0x373: {  	_ =	swait.ge [sflag:s9], $0xE000  }
0x374: {  	[sflag:s9] =	ssyncset.done $0x0  }
0x375: {  	s16 =	simm.s32 $0x400;
	s15 =	rddreg [dreg:$0xc];
	[sflag:s9] =	ssyncadd.s32 $0xFFFF2000  }
0x376: {  	[hbm4b:s15+s3] =	stream.linear.scatter [tilespmem:s16], [sflag:$0x3], $0xE000, $0x38;
	[tilespmem:$0x1C400] =	vst v63  }
0x377: {  	_ =	swait.ge [sflag:s4], $0xE000  }
0x378: {  	[sflag:s4] =	ssyncset.done $0x0  }
0x379: {  	[sflag:s4] =	ssyncadd.s32 $0xFFFF2000  }
0x37a: {  	v3 =	vld [tilespmem:$0x230];
	_ =	sdelay $0x4  }
0x37b: {  	v31 =	vshll.u32 v3, $0x3  }
0x37c: {  	v3 =	vand.u32 $0x7, v3;
	v4 =	vand.u32 $0xFFFFFFC0, v31  }
0x37d: {  	v3 =	vor.u32 v3, v4  }
0x37e: {  	v4 =	vperm.xlane v3, v0;
	_ =	sdelay $0x1  }
0x37f: {  	v4 =	vadd.s32 v1, v4;
	_ =	sdelay $0x4  }
0x380: {  	[tilespmem:s16], [sflag:$0x1] =	stream.indirect_vreg.gather [hbm4b:s2+s3], $0x80, v4, vm0, $0xb8;
	[tilespmem:$0x1C400] =	vst v63  }
0x381: {  	s25 =	simm.s32 $0xC00;
	v3 =	vperm.xlane v3, v2  }
0x382: {  	[tilespmem:s25], [sflag:$0x1] =	stream.indirect_vreg.gather [hbm4b:s5+s3], $0x80, v4, vm0, $0xb8;
	[tilespmem:$0x1C400] =	vst v63  }
0x383: {  	s1 =	simm.s32 $0x1400;
	v3 =	vadd.s32 v1, v3  }
0x384: {  	[tilespmem:s1], [sflag:$0x1] =	stream.indirect_vreg.gather [hbm4b:s6+s3], $0x80, v4, vm0, $0xb8;
	[tilespmem:$0x1C400] =	vst v63  }
0x385: {  	s26 =	simm.s32 $0x1C00  }
0x386: {  	[tilespmem:s26], [sflag:$0x1] =	stream.indirect_vreg.gather [hbm4b:s7+s3], $0x80, v4, vm0, $0xb8;
	[tilespmem:$0x1C400] =	vst v63  }
0x387: {  	s10 =	simm.s32 $0x2400  }
0x388: {  	[tilespmem:s10], [sflag:$0x1] =	stream.indirect_vreg.gather [hbm4b:s2+s3], $0x80, v3, vm0, $0xb8;
	[tilespmem:$0x1C400] =	vst v63  }
0x389: {  	s11 =	simm.s32 $0x2C00  }
0x38a: {  	[tilespmem:s11], [sflag:$0x1] =	stream.indirect_vreg.gather [hbm4b:s5+s3], $0x80, v3, vm0, $0xb8;
	[tilespmem:$0x1C400] =	vst v63  }
0x38b: {  	s12 =	simm.s32 $0x3400  }
0x38c: {  	[tilespmem:s12], [sflag:$0x1] =	stream.indirect_vreg.gather [hbm4b:s6+s3], $0x80, v3, vm0, $0xb8;
	[tilespmem:$0x1C400] =	vst v63  }
0x38d: {  	s13 =	simm.s32 $0x3C00  }
0x38e: {  	[tilespmem:s13], [sflag:$0x1] =	stream.indirect_vreg.gather [hbm4b:s7+s3], $0x80, v3, vm0, $0xb8;
	[tilespmem:$0x1C400] =	vst v63  }
0x38f: {  	v3 =	vld [tilespmem:$0x240];
	_ =	sdelay $0x4  }
0x390: {  	v32 =	vshll.u32 v3, $0x3  }
0x391: {  	v3 =	vand.u32 $0x7, v3;
	v4 =	vand.u32 $0xFFFFFFC0, v32  }
0x392: {  	v3 =	vor.u32 v3, v4  }
0x393: {  	v4 =	vperm.xlane v3, v0;
	_ =	sdelay $0x1  }
0x394: {  	v4 =	vadd.s32 v1, v4;
	_ =	sdelay $0x3  }
0x395: {  	s13 =	simm.s32 $0x4400  }
0x396: {  	[tilespmem:s13], [sflag:$0x1] =	stream.indirect_vreg.gather [hbm4b:s2+s3], $0x80, v4, vm0, $0xb8;
	[tilespmem:$0x1C400] =	vst v63  }
0x397: {  	s14 =	simm.s32 $0x4C00;
	v3 =	vperm.xlane v3, v2  }
0x398: {  	[tilespmem:s14], [sflag:$0x1] =	stream.indirect_vreg.gather [hbm4b:s5+s3], $0x80, v4, vm0, $0xb8;
	[tilespmem:$0x1C400] =	vst v63  }
0x399: {  	s21 =	simm.s32 $0x5400;
	v3 =	vadd.s32 v1, v3  }
0x39a: {  	[tilespmem:s21], [sflag:$0x1] =	stream.indirect_vreg.gather [hbm4b:s6+s3], $0x80, v4, vm0, $0xb8;
	[tilespmem:$0x1C400] =	vst v63  }
0x39b: {  	s22 =	simm.s32 $0x5C00  }
0x39c: {  	[tilespmem:s22], [sflag:$0x1] =	stream.indirect_vreg.gather [hbm4b:s7+s3], $0x80, v4, vm0, $0xb8;
	[tilespmem:$0x1C400] =	vst v63  }
0x39d: {  	s24 =	simm.s32 $0x6400  }
0x39e: {  	[tilespmem:s24], [sflag:$0x1] =	stream.indirect_vreg.gather [hbm4b:s2+s3], $0x80, v3, vm0, $0xb8;
	[tilespmem:$0x1C400] =	vst v63  }
0x39f: {  	s8 =	simm.s32 $0x6C00  }
0x3a0: {  	[tilespmem:s8], [sflag:$0x1] =	stream.indirect_vreg.gather [hbm4b:s5+s3], $0x80, v3, vm0, $0xb8;
	[tilespmem:$0x1C400] =	vst v63  }
0x3a1: {  	s31 =	simm.s32 $0x7400  }
0x3a2: {  	[tilespmem:s31], [sflag:$0x1] =	stream.indirect_vreg.gather [hbm4b:s6+s3], $0x80, v3, vm0, $0xb8;
	[tilespmem:$0x1C400] =	vst v63  }
0x3a3: {  	s15 =	simm.s32 $0x7C00  }
0x3a4: {  	[tilespmem:s15], [sflag:$0x1] =	stream.indirect_vreg.gather [hbm4b:s7+s3], $0x80, v3, vm0, $0xb8;
	[tilespmem:$0x1C400] =	vst v63  }
0x3a5: {  	v3 =	vld [tilespmem:$0x250];
	_ =	sdelay $0x4  }
0x3a6: {  	v33 =	vshll.u32 v3, $0x3  }
0x3a7: {  	v3 =	vand.u32 $0x7, v3;
	v4 =	vand.u32 $0xFFFFFFC0, v33  }
0x3a8: {  	v3 =	vor.u32 v3, v4  }
0x3a9: {  	v4 =	vperm.xlane v3, v0;
	_ =	sdelay $0x1  }
0x3aa: {  	v4 =	vadd.s32 v1, v4;
	_ =	sdelay $0x3  }
0x3ab: {  	s16 =	simm.s32 $0x8400  }
0x3ac: {  	[tilespmem:s16], [sflag:$0x1] =	stream.indirect_vreg.gather [hbm4b:s2+s3], $0x80, v4, vm0, $0xb8;
	[tilespmem:$0x1C400] =	vst v63  }
0x3ad: {  	s21 =	simm.s32 $0x8C00;
	v3 =	vperm.xlane v3, v2  }
0x3ae: {  	[tilespmem:s21], [sflag:$0x1] =	stream.indirect_vreg.gather [hbm4b:s5+s3], $0x80, v4, vm0, $0xb8;
	[tilespmem:$0x1C400] =	vst v63  }
0x3af: {  	s22 =	simm.s32 $0x9400;
	v3 =	vadd.s32 v1, v3  }
0x3b0: {  	[tilespmem:s22], [sflag:$0x1] =	stream.indirect_vreg.gather [hbm4b:s6+s3], $0x80, v4, vm0, $0xb8;
	[tilespmem:$0x1C400] =	vst v63  }
0x3b1: {  	s30 =	simm.s32 $0x9C00  }
0x3b2: {  	[tilespmem:s30], [sflag:$0x1] =	stream.indirect_vreg.gather [hbm4b:s7+s3], $0x80, v4, vm0, $0xb8;
	[tilespmem:$0x1C400] =	vst v63  }
0x3b3: {  	s23 =	simm.s32 $0xA400  }
0x3b4: {  	[tilespmem:s23], [sflag:$0x1] =	stream.indirect_vreg.gather [hbm4b:s2+s3], $0x80, v3, vm0, $0xb8;
	[tilespmem:$0x1C400] =	vst v63  }
0x3b5: {  	s24 =	simm.s32 $0xAC00  }
0x3b6: {  	[tilespmem:s24], [sflag:$0x1] =	stream.indirect_vreg.gather [hbm4b:s5+s3], $0x80, v3, vm0, $0xb8;
	[tilespmem:$0x1C400] =	vst v63  }
0x3b7: {  	s30 =	simm.s32 $0xB400  }
0x3b8: {  	[tilespmem:s30], [sflag:$0x1] =	stream.indirect_vreg.gather [hbm4b:s6+s3], $0x80, v3, vm0, $0xb8;
	[tilespmem:$0x1C400] =	vst v63  }
0x3b9: {  	s22 =	simm.s32 $0xBC00  }
0x3ba: {  	[tilespmem:s22], [sflag:$0x1] =	stream.indirect_vreg.gather [hbm4b:s7+s3], $0x80, v3, vm0, $0xb8;
	[tilespmem:$0x1C400] =	vst v63  }
0x3bb: {  	v3 =	vld.msk [tilespmem:$0x260], $0xff;
	_ =	sdelay $0x4  }
0x3bc: {  	v34 =	vshll.u32 v3, $0x3  }
0x3bd: {  	v3 =	vand.u32 $0x7, v3;
	v4 =	vand.u32 $0xFFFFFFC0, v34  }
0x3be: {  	v3 =	vor.u32 v3, v4  }
0x3bf: {  	v3 =	vperm.xlane v3, v0;
	_ =	sdelay $0x1  }
0x3c0: {  	v3 =	vadd.s32 v1, v3;
	_ =	sdelay $0x3  }
0x3c1: {  	s10 =	simm.s32 $0xC400  }
0x3c2: {  	[tilespmem:s10], [sflag:$0x1] =	stream.indirect_vreg.gather [hbm4b:s2+s3], $0x80, v3, vm0, $0xb8;
	[tilespmem:$0x1C400] =	vst v63  }
0x3c3: {  	s11 =	simm.s32 $0xCC00  }
0x3c4: {  	[tilespmem:s11], [sflag:$0x1] =	stream.indirect_vreg.gather [hbm4b:s5+s3], $0x80, v3, vm0, $0xb8;
	[tilespmem:$0x1C400] =	vst v63  }
0x3c5: {  	s12 =	simm.s32 $0xD400  }
0x3c6: {  	[tilespmem:s12], [sflag:$0x1] =	stream.indirect_vreg.gather [hbm4b:s6+s3], $0x80, v3, vm0, $0xb8;
	[tilespmem:$0x1C400] =	vst v63  }
0x3c7: {  	s23 =	simm.s32 $0xDC00  }
0x3c8: {  	[tilespmem:s23], [sflag:$0x1] =	stream.indirect_vreg.gather [hbm4b:s7+s3], $0x80, v3, vm0, $0xb8;
	[tilespmem:$0x1C400] =	vst v63  }
0x3c9: {  	_ =	swait.ge [sflag:s18], $0xE000  }
0x3ca: {  	[sflag:s18] =	ssyncset.done $0x0  }
0x3cb: {  	s17 =	simm.s32 $0xE400;
	s1 =	rddreg [dreg:$0xd];
	[sflag:s18] =	ssyncadd.s32 $0xFFFF2000  }
0x3cc: {  	[hbm4b:s1+s3] =	stream.linear.scatter [tilespmem:s17], [sflag:$0x4], $0xE000, $0x38;
	[tilespmem:$0x1C400] =	vst v63  }
0x3cd: {  	_ =	swait.ge [sflag:s19], $0xE000  }
0x3ce: {  	[sflag:s19] =	ssyncset.done $0x0  }
0x3cf: {  	[sflag:s19] =	ssyncadd.s32 $0xFFFF2000  }
0x3d0: {  	v3 =	vld [tilespmem:$0x268];
	_ =	sdelay $0x4  }
0x3d1: {  	v35 =	vshll.u32 v3, $0x3  }
0x3d2: {  	v3 =	vand.u32 $0x7, v3;
	v4 =	vand.u32 $0xFFFFFFC0, v35  }
0x3d3: {  	v3 =	vor.u32 v3, v4  }
0x3d4: {  	v4 =	vperm.xlane v3, v0;
	_ =	sdelay $0x1  }
0x3d5: {  	v4 =	vadd.s32 v1, v4;
	_ =	sdelay $0x4  }
0x3d6: {  	[tilespmem:s17], [sflag:$0x2] =	stream.indirect_vreg.gather [hbm4b:s2+s3], $0x80, v4, vm0, $0xb8;
	[tilespmem:$0x1C400] =	vst v63  }
0x3d7: {  	s0 =	simm.s32 $0xEC00;
	v3 =	vperm.xlane v3, v2  }
0x3d8: {  	[tilespmem:s0], [sflag:$0x2] =	stream.indirect_vreg.gather [hbm4b:s5+s3], $0x80, v4, vm0, $0xb8;
	[tilespmem:$0x1C400] =	vst v63  }
0x3d9: {  	s24 =	simm.s32 $0xF400;
	v3 =	vadd.s32 v1, v3  }
0x3da: {  	[tilespmem:s24], [sflag:$0x2] =	stream.indirect_vreg.gather [hbm4b:s6+s3], $0x80, v4, vm0, $0xb8;
	[tilespmem:$0x1C400] =	vst v63  }
0x3db: {  	s20 =	simm.s32 $0xFC00  }
0x3dc: {  	[tilespmem:s20], [sflag:$0x2] =	stream.indirect_vreg.gather [hbm4b:s7+s3], $0x80, v4, vm0, $0xb8;
	[tilespmem:$0x1C400] =	vst v63  }
0x3dd: {  	s17 =	simm.s32 $0x10400  }
0x3de: {  	[tilespmem:s17], [sflag:$0x2] =	stream.indirect_vreg.gather [hbm4b:s2+s3], $0x80, v3, vm0, $0xb8;
	[tilespmem:$0x1C400] =	vst v63  }
0x3df: {  	_ = 	snop  }
0x3e0: {  	[tilespmem:s29], [sflag:$0x2] =	stream.indirect_vreg.gather [hbm4b:s5+s3], $0x80, v3, vm0, $0xb8;
	[tilespmem:$0x1C400] =	vst v63  }
0x3e1: {  	s1 =	simm.s32 $0x11400  }
0x3e2: {  	[tilespmem:s1], [sflag:$0x2] =	stream.indirect_vreg.gather [hbm4b:s6+s3], $0x80, v3, vm0, $0xb8;
	[tilespmem:$0x1C400] =	vst v63  }
0x3e3: {  	s28 =	simm.s32 $0x11C00  }
0x3e4: {  	[tilespmem:s28], [sflag:$0x2] =	stream.indirect_vreg.gather [hbm4b:s7+s3], $0x80, v3, vm0, $0xb8;
	[tilespmem:$0x1C400] =	vst v63  }
0x3e5: {  	v3 =	vld [tilespmem:$0x278];
	_ =	sdelay $0x4  }
0x3e6: {  	v36 =	vshll.u32 v3, $0x3  }
0x3e7: {  	v3 =	vand.u32 $0x7, v3;
	v4 =	vand.u32 $0xFFFFFFC0, v36  }
0x3e8: {  	v3 =	vor.u32 v3, v4  }
0x3e9: {  	v4 =	vperm.xlane v3, v0;
	_ =	sdelay $0x1  }
0x3ea: {  	v4 =	vadd.s32 v1, v4;
	_ =	sdelay $0x3  }
0x3eb: {  	s28 =	simm.s32 $0x12400  }
0x3ec: {  	[tilespmem:s28], [sflag:$0x2] =	stream.indirect_vreg.gather [hbm4b:s2+s3], $0x80, v4, vm0, $0xb8;
	[tilespmem:$0x1C400] =	vst v63  }
0x3ed: {  	s29 =	simm.s32 $0x12C00;
	v3 =	vperm.xlane v3, v2  }
0x3ee: {  	[tilespmem:s29], [sflag:$0x2] =	stream.indirect_vreg.gather [hbm4b:s5+s3], $0x80, v4, vm0, $0xb8;
	[tilespmem:$0x1C400] =	vst v63  }
0x3ef: {  	s30 =	simm.s32 $0x13400;
	v3 =	vadd.s32 v1, v3  }
0x3f0: {  	[tilespmem:s30], [sflag:$0x2] =	stream.indirect_vreg.gather [hbm4b:s6+s3], $0x80, v4, vm0, $0xb8;
	[tilespmem:$0x1C400] =	vst v63  }
0x3f1: {  	s20 =	simm.s32 $0x13C00  }
0x3f2: {  	[tilespmem:s20], [sflag:$0x2] =	stream.indirect_vreg.gather [hbm4b:s7+s3], $0x80, v4, vm0, $0xb8;
	[tilespmem:$0x1C400] =	vst v63  }
0x3f3: {  	s30 =	simm.s32 $0x14400  }
0x3f4: {  	[tilespmem:s30], [sflag:$0x2] =	stream.indirect_vreg.gather [hbm4b:s2+s3], $0x80, v3, vm0, $0xb8;
	[tilespmem:$0x1C400] =	vst v63  }
0x3f5: {  	s20 =	simm.s32 $0x14C00  }
0x3f6: {  	[tilespmem:s20], [sflag:$0x2] =	stream.indirect_vreg.gather [hbm4b:s5+s3], $0x80, v3, vm0, $0xb8;
	[tilespmem:$0x1C400] =	vst v63  }
0x3f7: {  	s30 =	simm.s32 $0x15400  }
0x3f8: {  	[tilespmem:s30], [sflag:$0x2] =	stream.indirect_vreg.gather [hbm4b:s6+s3], $0x80, v3, vm0, $0xb8;
	[tilespmem:$0x1C400] =	vst v63  }
0x3f9: {  	s20 =	simm.s32 $0x15C00  }
0x3fa: {  	[tilespmem:s20], [sflag:$0x2] =	stream.indirect_vreg.gather [hbm4b:s7+s3], $0x80, v3, vm0, $0xb8;
	[tilespmem:$0x1C400] =	vst v63  }
0x3fb: {  	v3 =	vld [tilespmem:$0x288];
	_ =	sdelay $0x4  }
0x3fc: {  	v37 =	vshll.u32 v3, $0x3  }
0x3fd: {  	v3 =	vand.u32 $0x7, v3;
	v4 =	vand.u32 $0xFFFFFFC0, v37  }
0x3fe: {  	v3 =	vor.u32 v3, v4  }
0x3ff: {  	v4 =	vperm.xlane v3, v0;
	_ =	sdelay $0x1  }
0x400: {  	v4 =	vadd.s32 v1, v4;
	_ =	sdelay $0x3  }
0x401: {  	s30 =	simm.s32 $0x16400  }
0x402: {  	[tilespmem:s30], [sflag:$0x2] =	stream.indirect_vreg.gather [hbm4b:s2+s3], $0x80, v4, vm0, $0xb8;
	[tilespmem:$0x1C400] =	vst v63  }
0x403: {  	v3 =	vperm.xlane v3, v2;
	s30 =	simm.s32 $0x16C00  }
0x404: {  	[tilespmem:s30], [sflag:$0x2] =	stream.indirect_vreg.gather [hbm4b:s5+s3], $0x80, v4, vm0, $0xb8;
	[tilespmem:$0x1C400] =	vst v63  }
0x405: {  	s20 =	simm.s32 $0x17400;
	v3 =	vadd.s32 v1, v3  }
0x406: {  	[tilespmem:s20], [sflag:$0x2] =	stream.indirect_vreg.gather [hbm4b:s6+s3], $0x80, v4, vm0, $0xb8;
	[tilespmem:$0x1C400] =	vst v63  }
0x407: {  	s20 =	simm.s32 $0x17C00  }
0x408: {  	[tilespmem:s20], [sflag:$0x2] =	stream.indirect_vreg.gather [hbm4b:s7+s3], $0x80, v4, vm0, $0xb8;
	[tilespmem:$0x1C400] =	vst v63  }
0x409: {  	s20 =	simm.s32 $0x18400  }
0x40a: {  	[tilespmem:s20], [sflag:$0x2] =	stream.indirect_vreg.gather [hbm4b:s2+s3], $0x80, v3, vm0, $0xb8;
	[tilespmem:$0x1C400] =	vst v63  }
0x40b: {  	s20 =	simm.s32 $0x18C00  }
0x40c: {  	[tilespmem:s20], [sflag:$0x2] =	stream.indirect_vreg.gather [hbm4b:s5+s3], $0x80, v3, vm0, $0xb8;
	[tilespmem:$0x1C400] =	vst v63  }
0x40d: {  	s20 =	simm.s32 $0x19400  }
0x40e: {  	[tilespmem:s20], [sflag:$0x2] =	stream.indirect_vreg.gather [hbm4b:s6+s3], $0x80, v3, vm0, $0xb8;
	[tilespmem:$0x1C400] =	vst v63  }
0x40f: {  	s20 =	simm.s32 $0x19C00  }
0x410: {  	[tilespmem:s20], [sflag:$0x2] =	stream.indirect_vreg.gather [hbm4b:s7+s3], $0x80, v3, vm0, $0xb8;
	[tilespmem:$0x1C400] =	vst v63  }
0x411: {  	v3 =	vld.msk [tilespmem:$0x298], $0xff;
	_ =	sdelay $0x4  }
0x412: {  	v38 =	vshll.u32 v3, $0x3  }
0x413: {  	v3 =	vand.u32 $0x7, v3;
	v4 =	vand.u32 $0xFFFFFFC0, v38  }
0x414: {  	v3 =	vor.u32 v3, v4  }
0x415: {  	v3 =	vperm.xlane v3, v0;
	_ =	sdelay $0x1  }
0x416: {  	v3 =	vadd.s32 v1, v3;
	_ =	sdelay $0x3  }
0x417: {  	s20 =	simm.s32 $0x1A400  }
0x418: {  	[tilespmem:s20], [sflag:$0x2] =	stream.indirect_vreg.gather [hbm4b:s2+s3], $0x80, v3, vm0, $0xb8;
	[tilespmem:$0x1C400] =	vst v63  }
0x419: {  	s20 =	simm.s32 $0x1AC00  }
0x41a: {  	[tilespmem:s20], [sflag:$0x2] =	stream.indirect_vreg.gather [hbm4b:s5+s3], $0x80, v3, vm0, $0xb8;
	[tilespmem:$0x1C400] =	vst v63  }
0x41b: {  	s20 =	simm.s32 $0x1B400  }
0x41c: {  	[tilespmem:s20], [sflag:$0x2] =	stream.indirect_vreg.gather [hbm4b:s6+s3], $0x80, v3, vm0, $0xb8;
	[tilespmem:$0x1C400] =	vst v63  }
0x41d: {  	s20 =	simm.s32 $0x1BC00  }
0x41e: {  	[tilespmem:s20], [sflag:$0x2] =	stream.indirect_vreg.gather [hbm4b:s7+s3], $0x80, v3, vm0, $0xb8;
	[tilespmem:$0x1C400] =	vst v63  }
0x41f: {  	_ =	swait.ge [sflag:s9], $0xE000  }
0x420: {  	[sflag:s9] =	ssyncset.done $0x0  }
0x421: {  	s0 =	simm.s32 $0x400;
	s20 =	rddreg [dreg:$0xe];
	[sflag:s9] =	ssyncadd.s32 $0xFFFF2000  }
0x422: {  	[hbm4b:s20+s3] =	stream.linear.scatter [tilespmem:s0], [sflag:$0x3], $0xE000, $0x38;
	[tilespmem:$0x1C400] =	vst v63  }
0x423: {  	_ =	swait.ge [sflag:s4], $0xE000  }
0x424: {  	[sflag:s4] =	ssyncset.done $0x0  }
0x425: {  	[sflag:s4] =	ssyncadd.s32 $0xFFFF2000  }
0x426: {  	v3 =	vld [tilespmem:$0x2A0];
	_ =	sdelay $0x4  }
0x427: {  	v39 =	vshll.u32 v3, $0x3  }
0x428: {  	v3 =	vand.u32 $0x7, v3;
	v4 =	vand.u32 $0xFFFFFFC0, v39  }
0x429: {  	v3 =	vor.u32 v3, v4  }
0x42a: {  	v4 =	vperm.xlane v3, v0;
	_ =	sdelay $0x1  }
0x42b: {  	v4 =	vadd.s32 v1, v4;
	_ =	sdelay $0x4  }
0x42c: {  	[tilespmem:s0], [sflag:$0x1] =	stream.indirect_vreg.gather [hbm4b:s2+s3], $0x80, v4, vm0, $0xb8;
	[tilespmem:$0x1C400] =	vst v63  }
0x42d: {  	v3 =	vperm.xlane v3, v2  }
0x42e: {  	[tilespmem:s25], [sflag:$0x1] =	stream.indirect_vreg.gather [hbm4b:s5+s3], $0x80, v4, vm0, $0xb8;
	[tilespmem:$0x1C400] =	vst v63  }
0x42f: {  	v3 =	vadd.s32 v1, v3;
	s25 =	simm.s32 $0x1400  }
0x430: {  	[tilespmem:s25], [sflag:$0x1] =	stream.indirect_vreg.gather [hbm4b:s6+s3], $0x80, v4, vm0, $0xb8;
	[tilespmem:$0x1C400] =	vst v63  }
0x431: {  	_ = 	snop  }
0x432: {  	[tilespmem:s26], [sflag:$0x1] =	stream.indirect_vreg.gather [hbm4b:s7+s3], $0x80, v4, vm0, $0xb8;
	[tilespmem:$0x1C400] =	vst v63  }
0x433: {  	s0 =	simm.s32 $0x2400  }
0x434: {  	[tilespmem:s0], [sflag:$0x1] =	stream.indirect_vreg.gather [hbm4b:s2+s3], $0x80, v3, vm0, $0xb8;
	[tilespmem:$0x1C400] =	vst v63  }
0x435: {  	s26 =	simm.s32 $0x2C00  }
0x436: {  	[tilespmem:s26], [sflag:$0x1] =	stream.indirect_vreg.gather [hbm4b:s5+s3], $0x80, v3, vm0, $0xb8;
	[tilespmem:$0x1C400] =	vst v63  }
0x437: {  	s20 =	simm.s32 $0x3400  }
0x438: {  	[tilespmem:s20], [sflag:$0x1] =	stream.indirect_vreg.gather [hbm4b:s6+s3], $0x80, v3, vm0, $0xb8;
	[tilespmem:$0x1C400] =	vst v63  }
0x439: {  	s20 =	simm.s32 $0x3C00  }
0x43a: {  	[tilespmem:s20], [sflag:$0x1] =	stream.indirect_vreg.gather [hbm4b:s7+s3], $0x80, v3, vm0, $0xb8;
	[tilespmem:$0x1C400] =	vst v63  }
0x43b: {  	v3 =	vld [tilespmem:$0x2B0];
	_ =	sdelay $0x4  }
0x43c: {  	v40 =	vshll.u32 v3, $0x3  }
0x43d: {  	v3 =	vand.u32 $0x7, v3;
	v4 =	vand.u32 $0xFFFFFFC0, v40  }
0x43e: {  	v3 =	vor.u32 v3, v4  }
0x43f: {  	v4 =	vperm.xlane v3, v0;
	_ =	sdelay $0x1  }
0x440: {  	v4 =	vadd.s32 v1, v4;
	_ =	sdelay $0x4  }
0x441: {  	[tilespmem:s13], [sflag:$0x1] =	stream.indirect_vreg.gather [hbm4b:s2+s3], $0x80, v4, vm0, $0xb8;
	[tilespmem:$0x1C400] =	vst v63  }
0x442: {  	v3 =	vperm.xlane v3, v2  }
0x443: {  	[tilespmem:s14], [sflag:$0x1] =	stream.indirect_vreg.gather [hbm4b:s5+s3], $0x80, v4, vm0, $0xb8;
	[tilespmem:$0x1C400] =	vst v63  }
0x444: {  	v3 =	vadd.s32 v1, v3;
	s14 =	simm.s32 $0x5400  }
0x445: {  	[tilespmem:s14], [sflag:$0x1] =	stream.indirect_vreg.gather [hbm4b:s6+s3], $0x80, v4, vm0, $0xb8;
	[tilespmem:$0x1C400] =	vst v63  }
0x446: {  	s20 =	simm.s32 $0x5C00  }
0x447: {  	[tilespmem:s20], [sflag:$0x1] =	stream.indirect_vreg.gather [hbm4b:s7+s3], $0x80, v4, vm0, $0xb8;
	[tilespmem:$0x1C400] =	vst v63  }
0x448: {  	s20 =	simm.s32 $0x6400  }
0x449: {  	[tilespmem:s20], [sflag:$0x1] =	stream.indirect_vreg.gather [hbm4b:s2+s3], $0x80, v3, vm0, $0xb8;
	[tilespmem:$0x1C400] =	vst v63  }
0x44a: {  	_ = 	snop  }
0x44b: {  	[tilespmem:s8], [sflag:$0x1] =	stream.indirect_vreg.gather [hbm4b:s5+s3], $0x80, v3, vm0, $0xb8;
	[tilespmem:$0x1C400] =	vst v63  }
0x44c: {  	_ = 	snop  }
0x44d: {  	[tilespmem:s31], [sflag:$0x1] =	stream.indirect_vreg.gather [hbm4b:s6+s3], $0x80, v3, vm0, $0xb8;
	[tilespmem:$0x1C400] =	vst v63  }
0x44e: {  	_ = 	snop  }
0x44f: {  	[tilespmem:s15], [sflag:$0x1] =	stream.indirect_vreg.gather [hbm4b:s7+s3], $0x80, v3, vm0, $0xb8;
	[tilespmem:$0x1C400] =	vst v63  }
0x450: {  	v3 =	vld [tilespmem:$0x2C0];
	_ =	sdelay $0x4  }
0x451: {  	v41 =	vshll.u32 v3, $0x3  }
0x452: {  	v3 =	vand.u32 $0x7, v3;
	v4 =	vand.u32 $0xFFFFFFC0, v41  }
0x453: {  	v3 =	vor.u32 v3, v4  }
0x454: {  	v4 =	vperm.xlane v3, v0;
	_ =	sdelay $0x1  }
0x455: {  	v4 =	vadd.s32 v1, v4;
	_ =	sdelay $0x4  }
0x456: {  	[tilespmem:s16], [sflag:$0x1] =	stream.indirect_vreg.gather [hbm4b:s2+s3], $0x80, v4, vm0, $0xb8;
	[tilespmem:$0x1C400] =	vst v63  }
0x457: {  	v3 =	vperm.xlane v3, v2  }
0x458: {  	[tilespmem:s21], [sflag:$0x1] =	stream.indirect_vreg.gather [hbm4b:s5+s3], $0x80, v4, vm0, $0xb8;
	[tilespmem:$0x1C400] =	vst v63  }
0x459: {  	s31 =	simm.s32 $0x9400;
	v3 =	vadd.s32 v1, v3  }
0x45a: {  	[tilespmem:s31], [sflag:$0x1] =	stream.indirect_vreg.gather [hbm4b:s6+s3], $0x80, v4, vm0, $0xb8;
	[tilespmem:$0x1C400] =	vst v63  }
0x45b: {  	s13 =	simm.s32 $0x9C00  }
0x45c: {  	[tilespmem:s13], [sflag:$0x1] =	stream.indirect_vreg.gather [hbm4b:s7+s3], $0x80, v4, vm0, $0xb8;
	[tilespmem:$0x1C400] =	vst v63  }
0x45d: {  	s20 =	simm.s32 $0xA400  }
0x45e: {  	[tilespmem:s20], [sflag:$0x1] =	stream.indirect_vreg.gather [hbm4b:s2+s3], $0x80, v3, vm0, $0xb8;
	[tilespmem:$0x1C400] =	vst v63  }
0x45f: {  	s21 =	simm.s32 $0xAC00  }
0x460: {  	[tilespmem:s21], [sflag:$0x1] =	stream.indirect_vreg.gather [hbm4b:s5+s3], $0x80, v3, vm0, $0xb8;
	[tilespmem:$0x1C400] =	vst v63  }
0x461: {  	s15 =	simm.s32 $0xB400  }
0x462: {  	[tilespmem:s15], [sflag:$0x1] =	stream.indirect_vreg.gather [hbm4b:s6+s3], $0x80, v3, vm0, $0xb8;
	[tilespmem:$0x1C400] =	vst v63  }
0x463: {  	_ = 	snop  }
0x464: {  	[tilespmem:s22], [sflag:$0x1] =	stream.indirect_vreg.gather [hbm4b:s7+s3], $0x80, v3, vm0, $0xb8;
	[tilespmem:$0x1C400] =	vst v63  }
0x465: {  	v3 =	vld.msk [tilespmem:$0x2D0], $0xff;
	_ =	sdelay $0x4  }
0x466: {  	v42 =	vshll.u32 v3, $0x3  }
0x467: {  	v3 =	vand.u32 $0x7, v3;
	v4 =	vand.u32 $0xFFFFFFC0, v42  }
0x468: {  	v3 =	vor.u32 v3, v4  }
0x469: {  	v3 =	vperm.xlane v3, v0;
	_ =	sdelay $0x1  }
0x46a: {  	v3 =	vadd.s32 v1, v3;
	_ =	sdelay $0x4  }
0x46b: {  	[tilespmem:s10], [sflag:$0x1] =	stream.indirect_vreg.gather [hbm4b:s2+s3], $0x80, v3, vm0, $0xb8;
	[tilespmem:$0x1C400] =	vst v63  }
0x46c: {  	_ = 	snop  }
0x46d: {  	[tilespmem:s11], [sflag:$0x1] =	stream.indirect_vreg.gather [hbm4b:s5+s3], $0x80, v3, vm0, $0xb8;
	[tilespmem:$0x1C400] =	vst v63  }
0x46e: {  	_ = 	snop  }
0x46f: {  	[tilespmem:s12], [sflag:$0x1] =	stream.indirect_vreg.gather [hbm4b:s6+s3], $0x80, v3, vm0, $0xb8;
	[tilespmem:$0x1C400] =	vst v63  }
0x470: {  	_ = 	snop  }
0x471: {  	[tilespmem:s23], [sflag:$0x1] =	stream.indirect_vreg.gather [hbm4b:s7+s3], $0x80, v3, vm0, $0xb8;
	[tilespmem:$0x1C400] =	vst v63  }
0x472: {  	_ =	swait.ge [sflag:s18], $0xE000  }
0x473: {  	[sflag:s18] =	ssyncset.done $0x0  }
0x474: {  	s21 =	simm.s32 $0xE400;
	s16 =	rddreg [dreg:$0xf];
	[sflag:s18] =	ssyncadd.s32 $0xFFFF2000  }
0x475: {  	[hbm4b:s16+s3] =	stream.linear.scatter [tilespmem:s21], [sflag:$0x4], $0xE000, $0x38;
	[tilespmem:$0x1C400] =	vst v63  }
0x476: {  	_ =	swait.ge [sflag:s19], $0xE000  }
0x477: {  	[sflag:s19] =	ssyncset.done $0x0  }
0x478: {  	[sflag:s19] =	ssyncadd.s32 $0xFFFF2000  }
0x479: {  	v3 =	vld [tilespmem:$0x2D8];
	_ =	sdelay $0x4  }
0x47a: {  	v43 =	vshll.u32 v3, $0x3  }
0x47b: {  	v3 =	vand.u32 $0x7, v3;
	v4 =	vand.u32 $0xFFFFFFC0, v43  }
0x47c: {  	v3 =	vor.u32 v3, v4  }
0x47d: {  	v4 =	vperm.xlane v3, v0;
	_ =	sdelay $0x1  }
0x47e: {  	v4 =	vadd.s32 v1, v4;
	_ =	sdelay $0x4  }
0x47f: {  	[tilespmem:s21], [sflag:$0x2] =	stream.indirect_vreg.gather [hbm4b:s2+s3], $0x80, v4, vm0, $0xb8;
	[tilespmem:$0x1C400] =	vst v63  }
0x480: {  	s11 =	simm.s32 $0xEC00;
	v3 =	vperm.xlane v3, v2  }
0x481: {  	[tilespmem:s11], [sflag:$0x2] =	stream.indirect_vreg.gather [hbm4b:s5+s3], $0x80, v4, vm0, $0xb8;
	[tilespmem:$0x1C400] =	vst v63  }
0x482: {  	v3 =	vadd.s32 v1, v3  }
0x483: {  	[tilespmem:s24], [sflag:$0x2] =	stream.indirect_vreg.gather [hbm4b:s6+s3], $0x80, v4, vm0, $0xb8;
	[tilespmem:$0x1C400] =	vst v63  }
0x484: {  	s23 =	simm.s32 $0xFC00  }
0x485: {  	[tilespmem:s23], [sflag:$0x2] =	stream.indirect_vreg.gather [hbm4b:s7+s3], $0x80, v4, vm0, $0xb8;
	[tilespmem:$0x1C400] =	vst v63  }
0x486: {  	_ = 	snop  }
0x487: {  	[tilespmem:s17], [sflag:$0x2] =	stream.indirect_vreg.gather [hbm4b:s2+s3], $0x80, v3, vm0, $0xb8;
	[tilespmem:$0x1C400] =	vst v63  }
0x488: {  	s8 =	simm.s32 $0x10C00  }
0x489: {  	[tilespmem:s8], [sflag:$0x2] =	stream.indirect_vreg.gather [hbm4b:s5+s3], $0x80, v3, vm0, $0xb8;
	[tilespmem:$0x1C400] =	vst v63  }
0x48a: {  	_ = 	snop  }
0x48b: {  	[tilespmem:s1], [sflag:$0x2] =	stream.indirect_vreg.gather [hbm4b:s6+s3], $0x80, v3, vm0, $0xb8;
	[tilespmem:$0x1C400] =	vst v63  }
0x48c: {  	s10 =	simm.s32 $0x11C00  }
0x48d: {  	[tilespmem:s10], [sflag:$0x2] =	stream.indirect_vreg.gather [hbm4b:s7+s3], $0x80, v3, vm0, $0xb8;
	[tilespmem:$0x1C400] =	vst v63  }
0x48e: {  	v3 =	vld [tilespmem:$0x2E8];
	_ =	sdelay $0x4  }
0x48f: {  	v44 =	vshll.u32 v3, $0x3  }
0x490: {  	v3 =	vand.u32 $0x7, v3;
	v4 =	vand.u32 $0xFFFFFFC0, v44  }
0x491: {  	v3 =	vor.u32 v3, v4  }
0x492: {  	v4 =	vperm.xlane v3, v0;
	_ =	sdelay $0x1  }
0x493: {  	v4 =	vadd.s32 v1, v4;
	_ =	sdelay $0x4  }
0x494: {  	[tilespmem:s28], [sflag:$0x2] =	stream.indirect_vreg.gather [hbm4b:s2+s3], $0x80, v4, vm0, $0xb8;
	[tilespmem:$0x1C400] =	vst v63  }
0x495: {  	v3 =	vperm.xlane v3, v2  }
0x496: {  	[tilespmem:s29], [sflag:$0x2] =	stream.indirect_vreg.gather [hbm4b:s5+s3], $0x80, v4, vm0, $0xb8;
	[tilespmem:$0x1C400] =	vst v63  }
0x497: {  	s24 =	simm.s32 $0x13400;
	v3 =	vadd.s32 v1, v3  }
0x498: {  	[tilespmem:s24], [sflag:$0x2] =	stream.indirect_vreg.gather [hbm4b:s6+s3], $0x80, v4, vm0, $0xb8;
	[tilespmem:$0x1C400] =	vst v63  }
0x499: {  	s28 =	simm.s32 $0x13C00  }
0x49a: {  	[tilespmem:s28], [sflag:$0x2] =	stream.indirect_vreg.gather [hbm4b:s7+s3], $0x80, v4, vm0, $0xb8;
	[tilespmem:$0x1C400] =	vst v63  }
0x49b: {  	s29 =	simm.s32 $0x14400  }
0x49c: {  	[tilespmem:s29], [sflag:$0x2] =	stream.indirect_vreg.gather [hbm4b:s2+s3], $0x80, v3, vm0, $0xb8;
	[tilespmem:$0x1C400] =	vst v63  }
0x49d: {  	s12 =	simm.s32 $0x14C00  }
0x49e: {  	[tilespmem:s12], [sflag:$0x2] =	stream.indirect_vreg.gather [hbm4b:s5+s3], $0x80, v3, vm0, $0xb8;
	[tilespmem:$0x1C400] =	vst v63  }
0x49f: {  	s16 =	simm.s32 $0x15400  }
0x4a0: {  	[tilespmem:s16], [sflag:$0x2] =	stream.indirect_vreg.gather [hbm4b:s6+s3], $0x80, v3, vm0, $0xb8;
	[tilespmem:$0x1C400] =	vst v63  }
0x4a1: {  	s17 =	simm.s32 $0x15C00  }
0x4a2: {  	[tilespmem:s17], [sflag:$0x2] =	stream.indirect_vreg.gather [hbm4b:s7+s3], $0x80, v3, vm0, $0xb8;
	[tilespmem:$0x1C400] =	vst v63  }
0x4a3: {  	v3 =	vld [tilespmem:$0x2F8];
	_ =	sdelay $0x4  }
0x4a4: {  	v45 =	vshll.u32 v3, $0x3  }
0x4a5: {  	v3 =	vand.u32 $0x7, v3;
	v4 =	vand.u32 $0xFFFFFFC0, v45  }
0x4a6: {  	v3 =	vor.u32 v3, v4  }
0x4a7: {  	v4 =	vperm.xlane v3, v0;
	_ =	sdelay $0x1  }
0x4a8: {  	v4 =	vadd.s32 v1, v4;
	_ =	sdelay $0x3  }
0x4a9: {  	s20 =	simm.s32 $0x16400  }
0x4aa: {  	[tilespmem:s20], [sflag:$0x2] =	stream.indirect_vreg.gather [hbm4b:s2+s3], $0x80, v4, vm0, $0xb8;
	[tilespmem:$0x1C400] =	vst v63  }
0x4ab: {  	v3 =	vperm.xlane v3, v2  }
0x4ac: {  	[tilespmem:s30], [sflag:$0x2] =	stream.indirect_vreg.gather [hbm4b:s5+s3], $0x80, v4, vm0, $0xb8;
	[tilespmem:$0x1C400] =	vst v63  }
0x4ad: {  	s21 =	simm.s32 $0x17400;
	v3 =	vadd.s32 v1, v3  }
0x4ae: {  	[tilespmem:s21], [sflag:$0x2] =	stream.indirect_vreg.gather [hbm4b:s6+s3], $0x80, v4, vm0, $0xb8;
	[tilespmem:$0x1C400] =	vst v63  }
0x4af: {  	s23 =	simm.s32 $0x17C00  }
0x4b0: {  	[tilespmem:s23], [sflag:$0x2] =	stream.indirect_vreg.gather [hbm4b:s7+s3], $0x80, v4, vm0, $0xb8;
	[tilespmem:$0x1C400] =	vst v63  }
0x4b1: {  	s24 =	simm.s32 $0x18400  }
0x4b2: {  	[tilespmem:s24], [sflag:$0x2] =	stream.indirect_vreg.gather [hbm4b:s2+s3], $0x80, v3, vm0, $0xb8;
	[tilespmem:$0x1C400] =	vst v63  }
0x4b3: {  	s28 =	simm.s32 $0x18C00  }
0x4b4: {  	[tilespmem:s28], [sflag:$0x2] =	stream.indirect_vreg.gather [hbm4b:s5+s3], $0x80, v3, vm0, $0xb8;
	[tilespmem:$0x1C400] =	vst v63  }
0x4b5: {  	s29 =	simm.s32 $0x19400  }
0x4b6: {  	[tilespmem:s29], [sflag:$0x2] =	stream.indirect_vreg.gather [hbm4b:s6+s3], $0x80, v3, vm0, $0xb8;
	[tilespmem:$0x1C400] =	vst v63  }
0x4b7: {  	s30 =	simm.s32 $0x19C00  }
0x4b8: {  	[tilespmem:s30], [sflag:$0x2] =	stream.indirect_vreg.gather [hbm4b:s7+s3], $0x80, v3, vm0, $0xb8;
	[tilespmem:$0x1C400] =	vst v63  }
0x4b9: {  	v3 =	vld.msk [tilespmem:$0x308], $0xff;
	_ =	sdelay $0x4  }
0x4ba: {  	v46 =	vshll.u32 v3, $0x3  }
0x4bb: {  	v3 =	vand.u32 $0x7, v3;
	v4 =	vand.u32 $0xFFFFFFC0, v46  }
0x4bc: {  	v3 =	vor.u32 v3, v4  }
0x4bd: {  	v3 =	vperm.xlane v3, v0;
	_ =	sdelay $0x1  }
0x4be: {  	v3 =	vadd.s32 v1, v3;
	_ =	sdelay $0x3  }
0x4bf: {  	s12 =	simm.s32 $0x1A400  }
0x4c0: {  	[tilespmem:s12], [sflag:$0x2] =	stream.indirect_vreg.gather [hbm4b:s2+s3], $0x80, v3, vm0, $0xb8;
	[tilespmem:$0x1C400] =	vst v63  }
0x4c1: {  	s16 =	simm.s32 $0x1AC00  }
0x4c2: {  	[tilespmem:s16], [sflag:$0x2] =	stream.indirect_vreg.gather [hbm4b:s5+s3], $0x80, v3, vm0, $0xb8;
	[tilespmem:$0x1C400] =	vst v63  }
0x4c3: {  	s17 =	simm.s32 $0x1B400  }
0x4c4: {  	[tilespmem:s17], [sflag:$0x2] =	stream.indirect_vreg.gather [hbm4b:s6+s3], $0x80, v3, vm0, $0xb8;
	[tilespmem:$0x1C400] =	vst v63  }
0x4c5: {  	s20 =	simm.s32 $0x1BC00  }
0x4c6: {  	[tilespmem:s20], [sflag:$0x2] =	stream.indirect_vreg.gather [hbm4b:s7+s3], $0x80, v3, vm0, $0xb8;
	[tilespmem:$0x1C400] =	vst v63  }
0x4c7: {  	_ =	swait.ge [sflag:s9], $0xE000  }
0x4c8: {  	[sflag:s9] =	ssyncset.done $0x0  }
0x4c9: {  	s24 =	simm.s32 $0x400;
	s23 =	rddreg [dreg:$0x10];
	[sflag:s9] =	ssyncadd.s32 $0xFFFF2000  }
0x4ca: {  	[hbm4b:s23+s3] =	stream.linear.scatter [tilespmem:s24], [sflag:$0x3], $0xE000, $0x38;
	[tilespmem:$0x1C400] =	vst v63  }
0x4cb: {  	_ =	swait.ge [sflag:s4], $0xE000  }
0x4cc: {  	[sflag:s4] =	ssyncset.done $0x0  }
0x4cd: {  	[sflag:s4] =	ssyncadd.s32 $0xFFFF2000  }
0x4ce: {  	v3 =	vld [tilespmem:$0x310];
	_ =	sdelay $0x4  }
0x4cf: {  	v47 =	vshll.u32 v3, $0x3  }
0x4d0: {  	v3 =	vand.u32 $0x7, v3;
	v4 =	vand.u32 $0xFFFFFFC0, v47  }
0x4d1: {  	v3 =	vor.u32 v3, v4  }
0x4d2: {  	v4 =	vperm.xlane v3, v0;
	_ =	sdelay $0x1  }
0x4d3: {  	v4 =	vadd.s32 v1, v4;
	_ =	sdelay $0x4  }
0x4d4: {  	[tilespmem:s24], [sflag:$0x1] =	stream.indirect_vreg.gather [hbm4b:s2+s3], $0x80, v4, vm0, $0xb8;
	[tilespmem:$0x1C400] =	vst v63  }
0x4d5: {  	s12 =	simm.s32 $0xC00;
	v3 =	vperm.xlane v3, v2  }
0x4d6: {  	[tilespmem:s12], [sflag:$0x1] =	stream.indirect_vreg.gather [hbm4b:s5+s3], $0x80, v4, vm0, $0xb8;
	[tilespmem:$0x1C400] =	vst v63  }
0x4d7: {  	v3 =	vadd.s32 v1, v3  }
0x4d8: {  	[tilespmem:s25], [sflag:$0x1] =	stream.indirect_vreg.gather [hbm4b:s6+s3], $0x80, v4, vm0, $0xb8;
	[tilespmem:$0x1C400] =	vst v63  }
0x4d9: {  	s1 =	simm.s32 $0x1C00  }
0x4da: {  	[tilespmem:s1], [sflag:$0x1] =	stream.indirect_vreg.gather [hbm4b:s7+s3], $0x80, v4, vm0, $0xb8;
	[tilespmem:$0x1C400] =	vst v63  }
0x4db: {  	_ = 	snop  }
0x4dc: {  	[tilespmem:s0], [sflag:$0x1] =	stream.indirect_vreg.gather [hbm4b:s2+s3], $0x80, v3, vm0, $0xb8;
	[tilespmem:$0x1C400] =	vst v63  }
0x4dd: {  	_ = 	snop  }
0x4de: {  	[tilespmem:s26], [sflag:$0x1] =	stream.indirect_vreg.gather [hbm4b:s5+s3], $0x80, v3, vm0, $0xb8;
	[tilespmem:$0x1C400] =	vst v63  }
0x4df: {  	s25 =	simm.s32 $0x3400  }
0x4e0: {  	[tilespmem:s25], [sflag:$0x1] =	stream.indirect_vreg.gather [hbm4b:s6+s3], $0x80, v3, vm0, $0xb8;
	[tilespmem:$0x1C400] =	vst v63  }
0x4e1: {  	s26 =	simm.s32 $0x3C00  }
0x4e2: {  	[tilespmem:s26], [sflag:$0x1] =	stream.indirect_vreg.gather [hbm4b:s7+s3], $0x80, v3, vm0, $0xb8;
	[tilespmem:$0x1C400] =	vst v63  }
0x4e3: {  	v3 =	vld [tilespmem:$0x320];
	_ =	sdelay $0x4  }
0x4e4: {  	v48 =	vshll.u32 v3, $0x3  }
0x4e5: {  	v3 =	vand.u32 $0x7, v3;
	v4 =	vand.u32 $0xFFFFFFC0, v48  }
0x4e6: {  	v3 =	vor.u32 v3, v4  }
0x4e7: {  	v4 =	vperm.xlane v3, v0;
	_ =	sdelay $0x1  }
0x4e8: {  	v4 =	vadd.s32 v1, v4;
	_ =	sdelay $0x3  }
0x4e9: {  	s28 =	simm.s32 $0x4400  }
0x4ea: {  	[tilespmem:s28], [sflag:$0x1] =	stream.indirect_vreg.gather [hbm4b:s2+s3], $0x80, v4, vm0, $0xb8;
	[tilespmem:$0x1C400] =	vst v63  }
0x4eb: {  	s30 =	simm.s32 $0x4C00;
	v3 =	vperm.xlane v3, v2  }
0x4ec: {  	[tilespmem:s30], [sflag:$0x1] =	stream.indirect_vreg.gather [hbm4b:s5+s3], $0x80, v4, vm0, $0xb8;
	[tilespmem:$0x1C400] =	vst v63  }
0x4ed: {  	v3 =	vadd.s32 v1, v3  }
0x4ee: {  	[tilespmem:s14], [sflag:$0x1] =	stream.indirect_vreg.gather [hbm4b:s6+s3], $0x80, v4, vm0, $0xb8;
	[tilespmem:$0x1C400] =	vst v63  }
0x4ef: {  	s16 =	simm.s32 $0x5C00  }
0x4f0: {  	[tilespmem:s16], [sflag:$0x1] =	stream.indirect_vreg.gather [hbm4b:s7+s3], $0x80, v4, vm0, $0xb8;
	[tilespmem:$0x1C400] =	vst v63  }
0x4f1: {  	s17 =	simm.s32 $0x6400  }
0x4f2: {  	[tilespmem:s17], [sflag:$0x1] =	stream.indirect_vreg.gather [hbm4b:s2+s3], $0x80, v3, vm0, $0xb8;
	[tilespmem:$0x1C400] =	vst v63  }
0x4f3: {  	s20 =	simm.s32 $0x6C00  }
0x4f4: {  	[tilespmem:s20], [sflag:$0x1] =	stream.indirect_vreg.gather [hbm4b:s5+s3], $0x80, v3, vm0, $0xb8;
	[tilespmem:$0x1C400] =	vst v63  }
0x4f5: {  	s23 =	simm.s32 $0x7400  }
0x4f6: {  	[tilespmem:s23], [sflag:$0x1] =	stream.indirect_vreg.gather [hbm4b:s6+s3], $0x80, v3, vm0, $0xb8;
	[tilespmem:$0x1C400] =	vst v63  }
0x4f7: {  	s0 =	simm.s32 $0x7C00  }
0x4f8: {  	[tilespmem:s0], [sflag:$0x1] =	stream.indirect_vreg.gather [hbm4b:s7+s3], $0x80, v3, vm0, $0xb8;
	[tilespmem:$0x1C400] =	vst v63  }
0x4f9: {  	v3 =	vld [tilespmem:$0x330];
	_ =	sdelay $0x4  }
0x4fa: {  	v49 =	vshll.u32 v3, $0x3  }
0x4fb: {  	v3 =	vand.u32 $0x7, v3;
	v4 =	vand.u32 $0xFFFFFFC0, v49  }
0x4fc: {  	v3 =	vor.u32 v3, v4  }
0x4fd: {  	v4 =	vperm.xlane v3, v0;
	_ =	sdelay $0x1  }
0x4fe: {  	v4 =	vadd.s32 v1, v4;
	_ =	sdelay $0x3  }
0x4ff: {  	s24 =	simm.s32 $0x8400  }
0x500: {  	[tilespmem:s24], [sflag:$0x1] =	stream.indirect_vreg.gather [hbm4b:s2+s3], $0x80, v4, vm0, $0xb8;
	[tilespmem:$0x1C400] =	vst v63  }
0x501: {  	s28 =	simm.s32 $0x8C00;
	v3 =	vperm.xlane v3, v2  }
0x502: {  	[tilespmem:s28], [sflag:$0x1] =	stream.indirect_vreg.gather [hbm4b:s5+s3], $0x80, v4, vm0, $0xb8;
	[tilespmem:$0x1C400] =	vst v63  }
0x503: {  	v3 =	vadd.s32 v1, v3  }
0x504: {  	[tilespmem:s31], [sflag:$0x1] =	stream.indirect_vreg.gather [hbm4b:s6+s3], $0x80, v4, vm0, $0xb8;
	[tilespmem:$0x1C400] =	vst v63  }
0x505: {  	_ = 	snop  }
0x506: {  	[tilespmem:s13], [sflag:$0x1] =	stream.indirect_vreg.gather [hbm4b:s7+s3], $0x80, v4, vm0, $0xb8;
	[tilespmem:$0x1C400] =	vst v63  }
0x507: {  	s20 =	simm.s32 $0xA400  }
0x508: {  	[tilespmem:s20], [sflag:$0x1] =	stream.indirect_vreg.gather [hbm4b:s2+s3], $0x80, v3, vm0, $0xb8;
	[tilespmem:$0x1C400] =	vst v63  }
0x509: {  	s23 =	simm.s32 $0xAC00  }
0x50a: {  	[tilespmem:s23], [sflag:$0x1] =	stream.indirect_vreg.gather [hbm4b:s5+s3], $0x80, v3, vm0, $0xb8;
	[tilespmem:$0x1C400] =	vst v63  }
0x50b: {  	s24 =	simm.s32 $0xB400  }
0x50c: {  	[tilespmem:s24], [sflag:$0x1] =	stream.indirect_vreg.gather [hbm4b:s6+s3], $0x80, v3, vm0, $0xb8;
	[tilespmem:$0x1C400] =	vst v63  }
0x50d: {  	s20 =	simm.s32 $0xBC00  }
0x50e: {  	[tilespmem:s20], [sflag:$0x1] =	stream.indirect_vreg.gather [hbm4b:s7+s3], $0x80, v3, vm0, $0xb8;
	[tilespmem:$0x1C400] =	vst v63  }
0x50f: {  	v3 =	vld.msk [tilespmem:$0x340], $0xff;
	_ =	sdelay $0x4  }
0x510: {  	v50 =	vshll.u32 v3, $0x3  }
0x511: {  	v3 =	vand.u32 $0x7, v3;
	v4 =	vand.u32 $0xFFFFFFC0, v50  }
0x512: {  	v3 =	vor.u32 v3, v4  }
0x513: {  	v3 =	vperm.xlane v3, v0;
	_ =	sdelay $0x1  }
0x514: {  	v3 =	vadd.s32 v1, v3;
	_ =	sdelay $0x3  }
0x515: {  	s22 =	simm.s32 $0xC400  }
0x516: {  	[tilespmem:s22], [sflag:$0x1] =	stream.indirect_vreg.gather [hbm4b:s2+s3], $0x80, v3, vm0, $0xb8;
	[tilespmem:$0x1C400] =	vst v63  }
0x517: {  	s23 =	simm.s32 $0xCC00  }
0x518: {  	[tilespmem:s23], [sflag:$0x1] =	stream.indirect_vreg.gather [hbm4b:s5+s3], $0x80, v3, vm0, $0xb8;
	[tilespmem:$0x1C400] =	vst v63  }
0x519: {  	s24 =	simm.s32 $0xD400  }
0x51a: {  	[tilespmem:s24], [sflag:$0x1] =	stream.indirect_vreg.gather [hbm4b:s6+s3], $0x80, v3, vm0, $0xb8;
	[tilespmem:$0x1C400] =	vst v63  }
0x51b: {  	s20 =	simm.s32 $0xDC00  }
0x51c: {  	[tilespmem:s20], [sflag:$0x1] =	stream.indirect_vreg.gather [hbm4b:s7+s3], $0x80, v3, vm0, $0xb8;
	[tilespmem:$0x1C400] =	vst v63  }
0x51d: {  	_ =	swait.ge [sflag:s18], $0xE000  }
0x51e: {  	[sflag:s18] =	ssyncset.done $0x0  }
0x51f: {  	s15 =	simm.s32 $0xE400;
	s13 =	rddreg [dreg:$0x11];
	[sflag:s18] =	ssyncadd.s32 $0xFFFF2000  }
0x520: {  	[hbm4b:s13+s3] =	stream.linear.scatter [tilespmem:s15], [sflag:$0x4], $0xE000, $0x38;
	[tilespmem:$0x1C400] =	vst v63  }
0x521: {  	_ =	swait.ge [sflag:s19], $0xE000  }
0x522: {  	[sflag:s19] =	ssyncset.done $0x0  }
0x523: {  	[sflag:s19] =	ssyncadd.s32 $0xFFFF2000  }
0x524: {  	v3 =	vld [tilespmem:$0x348];
	_ =	sdelay $0x4  }
0x525: {  	v51 =	vshll.u32 v3, $0x3  }
0x526: {  	v3 =	vand.u32 $0x7, v3;
	v4 =	vand.u32 $0xFFFFFFC0, v51  }
0x527: {  	v3 =	vor.u32 v3, v4  }
0x528: {  	v4 =	vperm.xlane v3, v0;
	_ =	sdelay $0x1  }
0x529: {  	v4 =	vadd.s32 v1, v4;
	_ =	sdelay $0x4  }
0x52a: {  	[tilespmem:s15], [sflag:$0x2] =	stream.indirect_vreg.gather [hbm4b:s2+s3], $0x80, v4, vm0, $0xb8;
	[tilespmem:$0x1C400] =	vst v63  }
0x52b: {  	v3 =	vperm.xlane v3, v2  }
0x52c: {  	[tilespmem:s11], [sflag:$0x2] =	stream.indirect_vreg.gather [hbm4b:s5+s3], $0x80, v4, vm0, $0xb8;
	[tilespmem:$0x1C400] =	vst v63  }
0x52d: {  	s20 =	simm.s32 $0xF400;
	v3 =	vadd.s32 v1, v3  }
0x52e: {  	[tilespmem:s20], [sflag:$0x2] =	stream.indirect_vreg.gather [hbm4b:s6+s3], $0x80, v4, vm0, $0xb8;
	[tilespmem:$0x1C400] =	vst v63  }
0x52f: {  	s20 =	simm.s32 $0xFC00  }
0x530: {  	[tilespmem:s20], [sflag:$0x2] =	stream.indirect_vreg.gather [hbm4b:s7+s3], $0x80, v4, vm0, $0xb8;
	[tilespmem:$0x1C400] =	vst v63  }
0x531: {  	s20 =	simm.s32 $0x10400  }
0x532: {  	[tilespmem:s20], [sflag:$0x2] =	stream.indirect_vreg.gather [hbm4b:s2+s3], $0x80, v3, vm0, $0xb8;
	[tilespmem:$0x1C400] =	vst v63  }
0x533: {  	_ = 	snop  }
0x534: {  	[tilespmem:s8], [sflag:$0x2] =	stream.indirect_vreg.gather [hbm4b:s5+s3], $0x80, v3, vm0, $0xb8;
	[tilespmem:$0x1C400] =	vst v63  }
0x535: {  	s20 =	simm.s32 $0x11400  }
0x536: {  	[tilespmem:s20], [sflag:$0x2] =	stream.indirect_vreg.gather [hbm4b:s6+s3], $0x80, v3, vm0, $0xb8;
	[tilespmem:$0x1C400] =	vst v63  }
0x537: {  	_ = 	snop  }
0x538: {  	[tilespmem:s10], [sflag:$0x2] =	stream.indirect_vreg.gather [hbm4b:s7+s3], $0x80, v3, vm0, $0xb8;
	[tilespmem:$0x1C400] =	vst v63  }
0x539: {  	v3 =	vld [tilespmem:$0x358];
	_ =	sdelay $0x4  }
0x53a: {  	v52 =	vshll.u32 v3, $0x3  }
0x53b: {  	v3 =	vand.u32 $0x7, v3;
	v4 =	vand.u32 $0xFFFFFFC0, v52  }
0x53c: {  	v3 =	vor.u32 v3, v4  }
0x53d: {  	v4 =	vperm.xlane v3, v0;
	_ =	sdelay $0x1  }
0x53e: {  	v4 =	vadd.s32 v1, v4;
	_ =	sdelay $0x3  }
0x53f: {  	s20 =	simm.s32 $0x12400  }
0x540: {  	[tilespmem:s20], [sflag:$0x2] =	stream.indirect_vreg.gather [hbm4b:s2+s3], $0x80, v4, vm0, $0xb8;
	[tilespmem:$0x1C400] =	vst v63  }
0x541: {  	v3 =	vperm.xlane v3, v2;
	s20 =	simm.s32 $0x12C00  }
0x542: {  	[tilespmem:s20], [sflag:$0x2] =	stream.indirect_vreg.gather [hbm4b:s5+s3], $0x80, v4, vm0, $0xb8;
	[tilespmem:$0x1C400] =	vst v63  }
0x543: {  	v3 =	vadd.s32 v1, v3;
	s20 =	simm.s32 $0x13400  }
0x544: {  	[tilespmem:s20], [sflag:$0x2] =	stream.indirect_vreg.gather [hbm4b:s6+s3], $0x80, v4, vm0, $0xb8;
	[tilespmem:$0x1C400] =	vst v63  }
0x545: {  	s20 =	simm.s32 $0x13C00  }
0x546: {  	[tilespmem:s20], [sflag:$0x2] =	stream.indirect_vreg.gather [hbm4b:s7+s3], $0x80, v4, vm0, $0xb8;
	[tilespmem:$0x1C400] =	vst v63  }
0x547: {  	s20 =	simm.s32 $0x14400  }
0x548: {  	[tilespmem:s20], [sflag:$0x2] =	stream.indirect_vreg.gather [hbm4b:s2+s3], $0x80, v3, vm0, $0xb8;
	[tilespmem:$0x1C400] =	vst v63  }
0x549: {  	s20 =	simm.s32 $0x14C00  }
0x54a: {  	[tilespmem:s20], [sflag:$0x2] =	stream.indirect_vreg.gather [hbm4b:s5+s3], $0x80, v3, vm0, $0xb8;
	[tilespmem:$0x1C400] =	vst v63  }
0x54b: {  	s20 =	simm.s32 $0x15400  }
0x54c: {  	[tilespmem:s20], [sflag:$0x2] =	stream.indirect_vreg.gather [hbm4b:s6+s3], $0x80, v3, vm0, $0xb8;
	[tilespmem:$0x1C400] =	vst v63  }
0x54d: {  	s20 =	simm.s32 $0x15C00  }
0x54e: {  	[tilespmem:s20], [sflag:$0x2] =	stream.indirect_vreg.gather [hbm4b:s7+s3], $0x80, v3, vm0, $0xb8;
	[tilespmem:$0x1C400] =	vst v63  }
0x54f: {  	v3 =	vld [tilespmem:$0x368];
	_ =	sdelay $0x4  }
0x550: {  	v53 =	vshll.u32 v3, $0x3  }
0x551: {  	v3 =	vand.u32 $0x7, v3;
	v4 =	vand.u32 $0xFFFFFFC0, v53  }
0x552: {  	v3 =	vor.u32 v3, v4  }
0x553: {  	v4 =	vperm.xlane v3, v0;
	_ =	sdelay $0x1  }
0x554: {  	v4 =	vadd.s32 v1, v4;
	_ =	sdelay $0x3  }
0x555: {  	s20 =	simm.s32 $0x16400  }
0x556: {  	[tilespmem:s20], [sflag:$0x2] =	stream.indirect_vreg.gather [hbm4b:s2+s3], $0x80, v4, vm0, $0xb8;
	[tilespmem:$0x1C400] =	vst v63  }
0x557: {  	v3 =	vperm.xlane v3, v2;
	s20 =	simm.s32 $0x16C00  }
0x558: {  	[tilespmem:s20], [sflag:$0x2] =	stream.indirect_vreg.gather [hbm4b:s5+s3], $0x80, v4, vm0, $0xb8;
	[tilespmem:$0x1C400] =	vst v63  }
0x559: {  	v3 =	vadd.s32 v1, v3;
	s20 =	simm.s32 $0x17400  }
0x55a: {  	[tilespmem:s20], [sflag:$0x2] =	stream.indirect_vreg.gather [hbm4b:s6+s3], $0x80, v4, vm0, $0xb8;
	[tilespmem:$0x1C400] =	vst v63  }
0x55b: {  	s20 =	simm.s32 $0x17C00  }
0x55c: {  	[tilespmem:s20], [sflag:$0x2] =	stream.indirect_vreg.gather [hbm4b:s7+s3], $0x80, v4, vm0, $0xb8;
	[tilespmem:$0x1C400] =	vst v63  }
0x55d: {  	s20 =	simm.s32 $0x18400  }
0x55e: {  	[tilespmem:s20], [sflag:$0x2] =	stream.indirect_vreg.gather [hbm4b:s2+s3], $0x80, v3, vm0, $0xb8;
	[tilespmem:$0x1C400] =	vst v63  }
0x55f: {  	s20 =	simm.s32 $0x18C00  }
0x560: {  	[tilespmem:s20], [sflag:$0x2] =	stream.indirect_vreg.gather [hbm4b:s5+s3], $0x80, v3, vm0, $0xb8;
	[tilespmem:$0x1C400] =	vst v63  }
0x561: {  	s20 =	simm.s32 $0x19400  }
0x562: {  	[tilespmem:s20], [sflag:$0x2] =	stream.indirect_vreg.gather [hbm4b:s6+s3], $0x80, v3, vm0, $0xb8;
	[tilespmem:$0x1C400] =	vst v63  }
0x563: {  	s21 =	simm.s32 $0x19C00  }
0x564: {  	[tilespmem:s21], [sflag:$0x2] =	stream.indirect_vreg.gather [hbm4b:s7+s3], $0x80, v3, vm0, $0xb8;
	[tilespmem:$0x1C400] =	vst v63  }
0x565: {  	v3 =	vld.msk [tilespmem:$0x378], $0xff;
	_ =	sdelay $0x4  }
0x566: {  	v54 =	vshll.u32 v3, $0x3  }
0x567: {  	v3 =	vand.u32 $0x7, v3;
	v4 =	vand.u32 $0xFFFFFFC0, v54  }
0x568: {  	v3 =	vor.u32 v3, v4  }
0x569: {  	v3 =	vperm.xlane v3, v0;
	_ =	sdelay $0x1  }
0x56a: {  	v3 =	vadd.s32 v1, v3;
	_ =	sdelay $0x3  }
0x56b: {  	s20 =	simm.s32 $0x1A400  }
0x56c: {  	[tilespmem:s20], [sflag:$0x2] =	stream.indirect_vreg.gather [hbm4b:s2+s3], $0x80, v3, vm0, $0xb8;
	[tilespmem:$0x1C400] =	vst v63  }
0x56d: {  	s20 =	simm.s32 $0x1AC00  }
0x56e: {  	[tilespmem:s20], [sflag:$0x2] =	stream.indirect_vreg.gather [hbm4b:s5+s3], $0x80, v3, vm0, $0xb8;
	[tilespmem:$0x1C400] =	vst v63  }
0x56f: {  	s20 =	simm.s32 $0x1B400  }
0x570: {  	[tilespmem:s20], [sflag:$0x2] =	stream.indirect_vreg.gather [hbm4b:s6+s3], $0x80, v3, vm0, $0xb8;
	[tilespmem:$0x1C400] =	vst v63  }
0x571: {  	s20 =	simm.s32 $0x1BC00  }
0x572: {  	[tilespmem:s20], [sflag:$0x2] =	stream.indirect_vreg.gather [hbm4b:s7+s3], $0x80, v3, vm0, $0xb8;
	[tilespmem:$0x1C400] =	vst v63  }
0x573: {  	_ =	swait.ge [sflag:s9], $0xE000  }
0x574: {  	[sflag:s9] =	ssyncset.done $0x0  }
0x575: {  	s29 =	simm.s32 $0x400;
	s10 =	rddreg [dreg:$0x12];
	[sflag:s9] =	ssyncadd.s32 $0xFFFF2000  }
0x576: {  	[hbm4b:s10+s3] =	stream.linear.scatter [tilespmem:s29], [sflag:$0x3], $0xE000, $0x38;
	[tilespmem:$0x1C400] =	vst v63  }
0x577: {  	_ =	swait.ge [sflag:s4], $0xE000  }
0x578: {  	[sflag:s4] =	ssyncset.done $0x0  }
0x579: {  	[sflag:s4] =	ssyncadd.s32 $0xFFFF2000  }
0x57a: {  	v3 =	vld [tilespmem:$0x380];
	_ =	sdelay $0x4  }
0x57b: {  	v55 =	vshll.u32 v3, $0x3  }
0x57c: {  	v3 =	vand.u32 $0x7, v3;
	v4 =	vand.u32 $0xFFFFFFC0, v55  }
0x57d: {  	v3 =	vor.u32 v3, v4  }
0x57e: {  	v4 =	vperm.xlane v3, v0;
	_ =	sdelay $0x1  }
0x57f: {  	v4 =	vadd.s32 v1, v4;
	_ =	sdelay $0x4  }
0x580: {  	[tilespmem:s29], [sflag:$0x1] =	stream.indirect_vreg.gather [hbm4b:s2+s3], $0x80, v4, vm0, $0xb8;
	[tilespmem:$0x1C400] =	vst v63  }
0x581: {  	v3 =	vperm.xlane v3, v2  }
0x582: {  	[tilespmem:s12], [sflag:$0x1] =	stream.indirect_vreg.gather [hbm4b:s5+s3], $0x80, v4, vm0, $0xb8;
	[tilespmem:$0x1C400] =	vst v63  }
0x583: {  	s20 =	simm.s32 $0x1400;
	v3 =	vadd.s32 v1, v3  }
0x584: {  	[tilespmem:s20], [sflag:$0x1] =	stream.indirect_vreg.gather [hbm4b:s6+s3], $0x80, v4, vm0, $0xb8;
	[tilespmem:$0x1C400] =	vst v63  }
0x585: {  	_ = 	snop  }
0x586: {  	[tilespmem:s1], [sflag:$0x1] =	stream.indirect_vreg.gather [hbm4b:s7+s3], $0x80, v4, vm0, $0xb8;
	[tilespmem:$0x1C400] =	vst v63  }
0x587: {  	s20 =	simm.s32 $0x2400  }
0x588: {  	[tilespmem:s20], [sflag:$0x1] =	stream.indirect_vreg.gather [hbm4b:s2+s3], $0x80, v3, vm0, $0xb8;
	[tilespmem:$0x1C400] =	vst v63  }
0x589: {  	s20 =	simm.s32 $0x2C00  }
0x58a: {  	[tilespmem:s20], [sflag:$0x1] =	stream.indirect_vreg.gather [hbm4b:s5+s3], $0x80, v3, vm0, $0xb8;
	[tilespmem:$0x1C400] =	vst v63  }
0x58b: {  	s20 =	simm.s32 $0x3400  }
0x58c: {  	[tilespmem:s20], [sflag:$0x1] =	stream.indirect_vreg.gather [hbm4b:s6+s3], $0x80, v3, vm0, $0xb8;
	[tilespmem:$0x1C400] =	vst v63  }
0x58d: {  	s20 =	simm.s32 $0x3C00  }
0x58e: {  	[tilespmem:s20], [sflag:$0x1] =	stream.indirect_vreg.gather [hbm4b:s7+s3], $0x80, v3, vm0, $0xb8;
	[tilespmem:$0x1C400] =	vst v63  }
0x58f: {  	v3 =	vld [tilespmem:$0x390];
	_ =	sdelay $0x4  }
0x590: {  	v56 =	vshll.u32 v3, $0x3  }
0x591: {  	v3 =	vand.u32 $0x7, v3;
	v4 =	vand.u32 $0xFFFFFFC0, v56  }
0x592: {  	v3 =	vor.u32 v3, v4  }
0x593: {  	v4 =	vperm.xlane v3, v0;
	_ =	sdelay $0x1  }
0x594: {  	v4 =	vadd.s32 v1, v4;
	_ =	sdelay $0x3  }
0x595: {  	s25 =	simm.s32 $0x4400  }
0x596: {  	[tilespmem:s25], [sflag:$0x1] =	stream.indirect_vreg.gather [hbm4b:s2+s3], $0x80, v4, vm0, $0xb8;
	[tilespmem:$0x1C400] =	vst v63  }
0x597: {  	s26 =	simm.s32 $0x4C00;
	v3 =	vperm.xlane v3, v2  }
0x598: {  	[tilespmem:s26], [sflag:$0x1] =	stream.indirect_vreg.gather [hbm4b:s5+s3], $0x80, v4, vm0, $0xb8;
	[tilespmem:$0x1C400] =	vst v63  }
0x599: {  	s14 =	simm.s32 $0x5400;
	v3 =	vadd.s32 v1, v3  }
0x59a: {  	[tilespmem:s14], [sflag:$0x1] =	stream.indirect_vreg.gather [hbm4b:s6+s3], $0x80, v4, vm0, $0xb8;
	[tilespmem:$0x1C400] =	vst v63  }
0x59b: {  	s16 =	simm.s32 $0x5C00  }
0x59c: {  	[tilespmem:s16], [sflag:$0x1] =	stream.indirect_vreg.gather [hbm4b:s7+s3], $0x80, v4, vm0, $0xb8;
	[tilespmem:$0x1C400] =	vst v63  }
0x59d: {  	s17 =	simm.s32 $0x6400  }
0x59e: {  	[tilespmem:s17], [sflag:$0x1] =	stream.indirect_vreg.gather [hbm4b:s2+s3], $0x80, v3, vm0, $0xb8;
	[tilespmem:$0x1C400] =	vst v63  }
0x59f: {  	s25 =	simm.s32 $0x6C00  }
0x5a0: {  	[tilespmem:s25], [sflag:$0x1] =	stream.indirect_vreg.gather [hbm4b:s5+s3], $0x80, v3, vm0, $0xb8;
	[tilespmem:$0x1C400] =	vst v63  }
0x5a1: {  	s26 =	simm.s32 $0x7400  }
0x5a2: {  	[tilespmem:s26], [sflag:$0x1] =	stream.indirect_vreg.gather [hbm4b:s6+s3], $0x80, v3, vm0, $0xb8;
	[tilespmem:$0x1C400] =	vst v63  }
0x5a3: {  	_ = 	snop  }
0x5a4: {  	[tilespmem:s0], [sflag:$0x1] =	stream.indirect_vreg.gather [hbm4b:s7+s3], $0x80, v3, vm0, $0xb8;
	[tilespmem:$0x1C400] =	vst v63  }
0x5a5: {  	v3 =	vld [tilespmem:$0x3A0];
	_ =	sdelay $0x4  }
0x5a6: {  	v57 =	vshll.u32 v3, $0x3  }
0x5a7: {  	v3 =	vand.u32 $0x7, v3;
	v4 =	vand.u32 $0xFFFFFFC0, v57  }
0x5a8: {  	v3 =	vor.u32 v3, v4  }
0x5a9: {  	v4 =	vperm.xlane v3, v0;
	_ =	sdelay $0x1  }
0x5aa: {  	v4 =	vadd.s32 v1, v4;
	_ =	sdelay $0x3  }
0x5ab: {  	s30 =	simm.s32 $0x8400  }
0x5ac: {  	[tilespmem:s30], [sflag:$0x1] =	stream.indirect_vreg.gather [hbm4b:s2+s3], $0x80, v4, vm0, $0xb8;
	[tilespmem:$0x1C400] =	vst v63  }
0x5ad: {  	s14 =	simm.s32 $0x8C00;
	v3 =	vperm.xlane v3, v2  }
0x5ae: {  	[tilespmem:s14], [sflag:$0x1] =	stream.indirect_vreg.gather [hbm4b:s5+s3], $0x80, v4, vm0, $0xb8;
	[tilespmem:$0x1C400] =	vst v63  }
0x5af: {  	s31 =	simm.s32 $0x9400;
	v3 =	vadd.s32 v1, v3  }
0x5b0: {  	[tilespmem:s31], [sflag:$0x1] =	stream.indirect_vreg.gather [hbm4b:s6+s3], $0x80, v4, vm0, $0xb8;
	[tilespmem:$0x1C400] =	vst v63  }
0x5b1: {  	s28 =	simm.s32 $0x9C00  }
0x5b2: {  	[tilespmem:s28], [sflag:$0x1] =	stream.indirect_vreg.gather [hbm4b:s7+s3], $0x80, v4, vm0, $0xb8;
	[tilespmem:$0x1C400] =	vst v63  }
0x5b3: {  	s16 =	simm.s32 $0xA400  }
0x5b4: {  	[tilespmem:s16], [sflag:$0x1] =	stream.indirect_vreg.gather [hbm4b:s2+s3], $0x80, v3, vm0, $0xb8;
	[tilespmem:$0x1C400] =	vst v63  }
0x5b5: {  	s17 =	simm.s32 $0xAC00  }
0x5b6: {  	[tilespmem:s17], [sflag:$0x1] =	stream.indirect_vreg.gather [hbm4b:s5+s3], $0x80, v3, vm0, $0xb8;
	[tilespmem:$0x1C400] =	vst v63  }
0x5b7: {  	s20 =	simm.s32 $0xB400  }
0x5b8: {  	[tilespmem:s20], [sflag:$0x1] =	stream.indirect_vreg.gather [hbm4b:s6+s3], $0x80, v3, vm0, $0xb8;
	[tilespmem:$0x1C400] =	vst v63  }
0x5b9: {  	s25 =	simm.s32 $0xBC00  }
0x5ba: {  	[tilespmem:s25], [sflag:$0x1] =	stream.indirect_vreg.gather [hbm4b:s7+s3], $0x80, v3, vm0, $0xb8;
	[tilespmem:$0x1C400] =	vst v63  }
0x5bb: {  	v3 =	vld.msk [tilespmem:$0x3B0], $0xff;
	_ =	sdelay $0x4  }
0x5bc: {  	v58 =	vshll.u32 v3, $0x3  }
0x5bd: {  	v3 =	vand.u32 $0x7, v3;
	v4 =	vand.u32 $0xFFFFFFC0, v58  }
0x5be: {  	v3 =	vor.u32 v3, v4  }
0x5bf: {  	v3 =	vperm.xlane v3, v0;
	_ =	sdelay $0x1  }
0x5c0: {  	v3 =	vadd.s32 v1, v3;
	_ =	sdelay $0x3  }
0x5c1: {  	s22 =	simm.s32 $0xC400  }
0x5c2: {  	[tilespmem:s22], [sflag:$0x1] =	stream.indirect_vreg.gather [hbm4b:s2+s3], $0x80, v3, vm0, $0xb8;
	[tilespmem:$0x1C400] =	vst v63  }
0x5c3: {  	s23 =	simm.s32 $0xCC00  }
0x5c4: {  	[tilespmem:s23], [sflag:$0x1] =	stream.indirect_vreg.gather [hbm4b:s5+s3], $0x80, v3, vm0, $0xb8;
	[tilespmem:$0x1C400] =	vst v63  }
0x5c5: {  	s24 =	simm.s32 $0xD400  }
0x5c6: {  	[tilespmem:s24], [sflag:$0x1] =	stream.indirect_vreg.gather [hbm4b:s6+s3], $0x80, v3, vm0, $0xb8;
	[tilespmem:$0x1C400] =	vst v63  }
0x5c7: {  	s26 =	simm.s32 $0xDC00  }
0x5c8: {  	[tilespmem:s26], [sflag:$0x1] =	stream.indirect_vreg.gather [hbm4b:s7+s3], $0x80, v3, vm0, $0xb8;
	[tilespmem:$0x1C400] =	vst v63  }
0x5c9: {  	_ =	swait.ge [sflag:s18], $0xE000  }
0x5ca: {  	[sflag:s18] =	ssyncset.done $0x0  }
0x5cb: {  	s28 =	rddreg [dreg:$0x13];
	[sflag:s18] =	ssyncadd.s32 $0xFFFF2000  }
0x5cc: {  	[hbm4b:s28+s3] =	stream.linear.scatter [tilespmem:s15], [sflag:$0x4], $0xE000, $0x38;
	[tilespmem:$0x1C400] =	vst v63  }
0x5cd: {  	_ =	swait.ge [sflag:s19], $0xE000  }
0x5ce: {  	[sflag:s19] =	ssyncset.done $0x0  }
0x5cf: {  	[sflag:s19] =	ssyncadd.s32 $0xFFFF2000  }
0x5d0: {  	v3 =	vld [tilespmem:$0x3B8];
	_ =	sdelay $0x4  }
0x5d1: {  	v59 =	vshll.u32 v3, $0x3  }
0x5d2: {  	v3 =	vand.u32 $0x7, v3;
	v4 =	vand.u32 $0xFFFFFFC0, v59  }
0x5d3: {  	v3 =	vor.u32 v3, v4  }
0x5d4: {  	v4 =	vperm.xlane v3, v0;
	_ =	sdelay $0x1  }
0x5d5: {  	v4 =	vadd.s32 v1, v4;
	_ =	sdelay $0x4  }
0x5d6: {  	[tilespmem:s15], [sflag:$0x2] =	stream.indirect_vreg.gather [hbm4b:s2+s3], $0x80, v4, vm0, $0xb8;
	[tilespmem:$0x1C400] =	vst v63  }
0x5d7: {  	s11 =	simm.s32 $0xEC00;
	v3 =	vperm.xlane v3, v2  }
0x5d8: {  	[tilespmem:s11], [sflag:$0x2] =	stream.indirect_vreg.gather [hbm4b:s5+s3], $0x80, v4, vm0, $0xb8;
	[tilespmem:$0x1C400] =	vst v63  }
0x5d9: {  	s30 =	simm.s32 $0xF400;
	v3 =	vadd.s32 v1, v3  }
0x5da: {  	[tilespmem:s30], [sflag:$0x2] =	stream.indirect_vreg.gather [hbm4b:s6+s3], $0x80, v4, vm0, $0xb8;
	[tilespmem:$0x1C400] =	vst v63  }
0x5db: {  	s31 =	simm.s32 $0xFC00  }
0x5dc: {  	[tilespmem:s31], [sflag:$0x2] =	stream.indirect_vreg.gather [hbm4b:s7+s3], $0x80, v4, vm0, $0xb8;
	[tilespmem:$0x1C400] =	vst v63  }
0x5dd: {  	s11 =	simm.s32 $0x10400  }
0x5de: {  	[tilespmem:s11], [sflag:$0x2] =	stream.indirect_vreg.gather [hbm4b:s2+s3], $0x80, v3, vm0, $0xb8;
	[tilespmem:$0x1C400] =	vst v63  }
0x5df: {  	s8 =	simm.s32 $0x10C00  }
0x5e0: {  	[tilespmem:s8], [sflag:$0x2] =	stream.indirect_vreg.gather [hbm4b:s5+s3], $0x80, v3, vm0, $0xb8;
	[tilespmem:$0x1C400] =	vst v63  }
0x5e1: {  	s14 =	simm.s32 $0x11400  }
0x5e2: {  	[tilespmem:s14], [sflag:$0x2] =	stream.indirect_vreg.gather [hbm4b:s6+s3], $0x80, v3, vm0, $0xb8;
	[tilespmem:$0x1C400] =	vst v63  }
0x5e3: {  	s13 =	simm.s32 $0x11C00  }
0x5e4: {  	[tilespmem:s13], [sflag:$0x2] =	stream.indirect_vreg.gather [hbm4b:s7+s3], $0x80, v3, vm0, $0xb8;
	[tilespmem:$0x1C400] =	vst v63  }
0x5e5: {  	v3 =	vld [tilespmem:$0x3C8];
	_ =	sdelay $0x4  }
0x5e6: {  	v60 =	vshll.u32 v3, $0x3  }
0x5e7: {  	v3 =	vand.u32 $0x7, v3;
	v4 =	vand.u32 $0xFFFFFFC0, v60  }
0x5e8: {  	v3 =	vor.u32 v3, v4  }
0x5e9: {  	v4 =	vperm.xlane v3, v0;
	_ =	sdelay $0x1  }
0x5ea: {  	v4 =	vadd.s32 v1, v4;
	_ =	sdelay $0x3  }
0x5eb: {  	s16 =	simm.s32 $0x12400  }
0x5ec: {  	[tilespmem:s16], [sflag:$0x2] =	stream.indirect_vreg.gather [hbm4b:s2+s3], $0x80, v4, vm0, $0xb8;
	[tilespmem:$0x1C400] =	vst v63  }
0x5ed: {  	s17 =	simm.s32 $0x12C00;
	v3 =	vperm.xlane v3, v2  }
0x5ee: {  	[tilespmem:s17], [sflag:$0x2] =	stream.indirect_vreg.gather [hbm4b:s5+s3], $0x80, v4, vm0, $0xb8;
	[tilespmem:$0x1C400] =	vst v63  }
0x5ef: {  	s20 =	simm.s32 $0x13400;
	v3 =	vadd.s32 v1, v3  }
0x5f0: {  	[tilespmem:s20], [sflag:$0x2] =	stream.indirect_vreg.gather [hbm4b:s6+s3], $0x80, v4, vm0, $0xb8;
	[tilespmem:$0x1C400] =	vst v63  }
0x5f1: {  	s22 =	simm.s32 $0x13C00  }
0x5f2: {  	[tilespmem:s22], [sflag:$0x2] =	stream.indirect_vreg.gather [hbm4b:s7+s3], $0x80, v4, vm0, $0xb8;
	[tilespmem:$0x1C400] =	vst v63  }
0x5f3: {  	s23 =	simm.s32 $0x14400  }
0x5f4: {  	[tilespmem:s23], [sflag:$0x2] =	stream.indirect_vreg.gather [hbm4b:s2+s3], $0x80, v3, vm0, $0xb8;
	[tilespmem:$0x1C400] =	vst v63  }
0x5f5: {  	s24 =	simm.s32 $0x14C00  }
0x5f6: {  	[tilespmem:s24], [sflag:$0x2] =	stream.indirect_vreg.gather [hbm4b:s5+s3], $0x80, v3, vm0, $0xb8;
	[tilespmem:$0x1C400] =	vst v63  }
0x5f7: {  	s25 =	simm.s32 $0x15400  }
0x5f8: {  	[tilespmem:s25], [sflag:$0x2] =	stream.indirect_vreg.gather [hbm4b:s6+s3], $0x80, v3, vm0, $0xb8;
	[tilespmem:$0x1C400] =	vst v63  }
0x5f9: {  	s26 =	simm.s32 $0x15C00  }
0x5fa: {  	[tilespmem:s26], [sflag:$0x2] =	stream.indirect_vreg.gather [hbm4b:s7+s3], $0x80, v3, vm0, $0xb8;
	[tilespmem:$0x1C400] =	vst v63  }
0x5fb: {  	v3 =	vld [tilespmem:$0x3D8];
	_ =	sdelay $0x4  }
0x5fc: {  	v61 =	vshll.u32 v3, $0x3  }
0x5fd: {  	v3 =	vand.u32 $0x7, v3;
	v4 =	vand.u32 $0xFFFFFFC0, v61  }
0x5fe: {  	v3 =	vor.u32 v3, v4  }
0x5ff: {  	v4 =	vperm.xlane v3, v0;
	_ =	sdelay $0x1  }
0x600: {  	v4 =	vadd.s32 v1, v4;
	_ =	sdelay $0x3  }
0x601: {  	s28 =	simm.s32 $0x16400  }
0x602: {  	[tilespmem:s28], [sflag:$0x2] =	stream.indirect_vreg.gather [hbm4b:s2+s3], $0x80, v4, vm0, $0xb8;
	[tilespmem:$0x1C400] =	vst v63  }
0x603: {  	s30 =	simm.s32 $0x16C00;
	v3 =	vperm.xlane v3, v2  }
0x604: {  	[tilespmem:s30], [sflag:$0x2] =	stream.indirect_vreg.gather [hbm4b:s5+s3], $0x80, v4, vm0, $0xb8;
	[tilespmem:$0x1C400] =	vst v63  }
0x605: {  	s31 =	simm.s32 $0x17400;
	v3 =	vadd.s32 v1, v3  }
0x606: {  	[tilespmem:s31], [sflag:$0x2] =	stream.indirect_vreg.gather [hbm4b:s6+s3], $0x80, v4, vm0, $0xb8;
	[tilespmem:$0x1C400] =	vst v63  }
0x607: {  	s8 =	simm.s32 $0x17C00  }
0x608: {  	[tilespmem:s8], [sflag:$0x2] =	stream.indirect_vreg.gather [hbm4b:s7+s3], $0x80, v4, vm0, $0xb8;
	[tilespmem:$0x1C400] =	vst v63  }
0x609: {  	s11 =	simm.s32 $0x18400  }
0x60a: {  	[tilespmem:s11], [sflag:$0x2] =	stream.indirect_vreg.gather [hbm4b:s2+s3], $0x80, v3, vm0, $0xb8;
	[tilespmem:$0x1C400] =	vst v63  }
0x60b: {  	s13 =	simm.s32 $0x18C00  }
0x60c: {  	[tilespmem:s13], [sflag:$0x2] =	stream.indirect_vreg.gather [hbm4b:s5+s3], $0x80, v3, vm0, $0xb8;
	[tilespmem:$0x1C400] =	vst v63  }
0x60d: {  	s14 =	simm.s32 $0x19400  }
0x60e: {  	[tilespmem:s14], [sflag:$0x2] =	stream.indirect_vreg.gather [hbm4b:s6+s3], $0x80, v3, vm0, $0xb8;
	[tilespmem:$0x1C400] =	vst v63  }
0x60f: {  	s21 =	simm.s32 $0x19C00  }
0x610: {  	[tilespmem:s21], [sflag:$0x2] =	stream.indirect_vreg.gather [hbm4b:s7+s3], $0x80, v3, vm0, $0xb8;
	[tilespmem:$0x1C400] =	vst v63  }
0x611: {  	v3 =	vld.msk [tilespmem:$0x3E8], $0xff;
	_ =	sdelay $0x4  }
0x612: {  	v62 =	vshll.u32 v3, $0x3  }
0x613: {  	v3 =	vand.u32 $0x7, v3;
	v4 =	vand.u32 $0xFFFFFFC0, v62  }
0x614: {  	v3 =	vor.u32 v3, v4  }
0x615: {  	v3 =	vperm.xlane v3, v0;
	_ =	sdelay $0x1  }
0x616: {  	v3 =	vadd.s32 v1, v3;
	_ =	sdelay $0x3  }
0x617: {  	s16 =	simm.s32 $0x1A400  }
0x618: {  	[tilespmem:s16], [sflag:$0x2] =	stream.indirect_vreg.gather [hbm4b:s2+s3], $0x80, v3, vm0, $0xb8;
	[tilespmem:$0x1C400] =	vst v63  }
0x619: {  	s17 =	simm.s32 $0x1AC00  }
0x61a: {  	[tilespmem:s17], [sflag:$0x2] =	stream.indirect_vreg.gather [hbm4b:s5+s3], $0x80, v3, vm0, $0xb8;
	[tilespmem:$0x1C400] =	vst v63  }
0x61b: {  	s20 =	simm.s32 $0x1B400  }
0x61c: {  	[tilespmem:s20], [sflag:$0x2] =	stream.indirect_vreg.gather [hbm4b:s6+s3], $0x80, v3, vm0, $0xb8;
	[tilespmem:$0x1C400] =	vst v63  }
0x61d: {  	s21 =	simm.s32 $0x1BC00  }
0x61e: {  	[tilespmem:s21], [sflag:$0x2] =	stream.indirect_vreg.gather [hbm4b:s7+s3], $0x80, v3, vm0, $0xb8;
	[tilespmem:$0x1C400] =	vst v63  }
0x61f: {  	_ =	swait.ge [sflag:s9], $0xE000  }
0x620: {  	[sflag:s9] =	ssyncset.done $0x0  }
0x621: {  	s22 =	rddreg [dreg:$0x14];
	[sflag:s9] =	ssyncadd.s32 $0xFFFF2000  }
0x622: {  	[hbm4b:s22+s3] =	stream.linear.scatter [tilespmem:s29], [sflag:$0x3], $0xE000, $0x38;
	[tilespmem:$0x1C400] =	vst v63  }
0x623: {  	_ =	swait.ge [sflag:s4], $0xE000  }
0x624: {  	[sflag:s4] =	ssyncset.done $0x0  }
0x625: {  	[sflag:s4] =	ssyncadd.s32 $0xFFFF2000  }
0x626: {  	v3 =	vld [tilespmem:$0x3F0];
	_ =	sdelay $0x4  }
0x627: {  	v63 =	vshll.u32 v3, $0x3  }
0x628: {  	v3 =	vand.u32 $0x7, v3;
	v4 =	vand.u32 $0xFFFFFFC0, v63  }
0x629: {  	v3 =	vor.u32 v3, v4  }
0x62a: {  	v4 =	vperm.xlane v3, v0;
	_ =	sdelay $0x1  }
0x62b: {  	v4 =	vadd.s32 v1, v4;
	_ =	sdelay $0x4  }
0x62c: {  	[tilespmem:s29], [sflag:$0x1] =	stream.indirect_vreg.gather [hbm4b:s2+s3], $0x80, v4, vm0, $0xb8;
	[tilespmem:$0x1C400] =	vst v63  }
0x62d: {  	s10 =	simm.s32 $0xC00;
	v3 =	vperm.xlane v3, v2  }
0x62e: {  	[tilespmem:s10], [sflag:$0x1] =	stream.indirect_vreg.gather [hbm4b:s5+s3], $0x80, v4, vm0, $0xb8;
	[tilespmem:$0x1C400] =	vst v63  }
0x62f: {  	s12 =	simm.s32 $0x1400;
	v3 =	vadd.s32 v1, v3  }
0x630: {  	[tilespmem:s12], [sflag:$0x1] =	stream.indirect_vreg.gather [hbm4b:s6+s3], $0x80, v4, vm0, $0xb8;
	[tilespmem:$0x1C400] =	vst v63  }
0x631: {  	s1 =	simm.s32 $0x1C00  }
0x632: {  	[tilespmem:s1], [sflag:$0x1] =	stream.indirect_vreg.gather [hbm4b:s7+s3], $0x80, v4, vm0, $0xb8;
	[tilespmem:$0x1C400] =	vst v63  }
0x633: {  	s23 =	simm.s32 $0x2400  }
0x634: {  	[tilespmem:s23], [sflag:$0x1] =	stream.indirect_vreg.gather [hbm4b:s2+s3], $0x80, v3, vm0, $0xb8;
	[tilespmem:$0x1C400] =	vst v63  }
0x635: {  	s25 =	simm.s32 $0x2C00  }
0x636: {  	[tilespmem:s25], [sflag:$0x1] =	stream.indirect_vreg.gather [hbm4b:s5+s3], $0x80, v3, vm0, $0xb8;
	[tilespmem:$0x1C400] =	vst v63  }
0x637: {  	s26 =	simm.s32 $0x3400  }
0x638: {  	[tilespmem:s26], [sflag:$0x1] =	stream.indirect_vreg.gather [hbm4b:s6+s3], $0x80, v3, vm0, $0xb8;
	[tilespmem:$0x1C400] =	vst v63  }
0x639: {  	s28 =	simm.s32 $0x3C00  }
0x63a: {  	[tilespmem:s28], [sflag:$0x1] =	stream.indirect_vreg.gather [hbm4b:s7+s3], $0x80, v3, vm0, $0xb8;
	[tilespmem:$0x1C400] =	vst v63  }
0x63b: {  	s24 =	rddreg [dreg:$0x1a];
	_ =	swait.ge [sflag:s18], $0xE000  }
0x63c: {  	[sflag:s18] =	ssyncset.done $0x0  }
0x63d: {  	s30 =	rddreg [dreg:$0x15];
	[sflag:s18] =	ssyncadd.s32 $0xFFFF2000  }
0x63e: {  	[hbm4b:s30+s3] =	stream.linear.scatter [tilespmem:s15], [sflag:$0x4], $0xE000, $0x38;
	[tilespmem:$0x1C400] =	vst v63  }
0x63f: {  	_ =	swait.ge [sflag:s9], $0x4000  }
0x640: {  	[sflag:s9] =	ssyncset.done $0x0  }
0x641: {  	s31 =	rddreg [dreg:$0x16];
	[sflag:s9] =	ssyncadd.s32 $0xFFFFC000  }
0x642: {  	[hbm4b:s31+s3] =	stream.linear.scatter [tilespmem:s29], [sflag:$0x3], $0x4000, $0x38;
	[tilespmem:$0x1C400] =	vst v63  }
0x643: {  	p0 =	sne.s32 s24, $0x1;
	_ =	swait.ge [sflag:s19], $0xE000  }
.Ltmp0:
0x644: {  	[sflag:s19] =	ssyncset.done $0x0;
	(pc) =	sbr.rel @p0 .LBB2_1-.Ltmp0, $4  }
0x645: {  	[sflag:s19] =	ssyncadd.s32 $0xFFFF2000  }
0x646: {  	_ =	swait.ge [sflag:s4], $0x4000  }
0x647: {  	[sflag:s4] =	ssyncset.done $0x0  }
0x648: {  	s1 =	sadd.s32 $0xFFFFFFFF, s24;
	[sflag:s4] =	ssyncadd.s32 $0xFFFFC000  }
0x649: {  	_ =	sfence.sel $0x180000  }
0x64a: {  	[bflag:$0x0] =	sbarrier.arrive $0xFFFF  }
0x64b: {  	_ =	strace $0x90000047  }
0x64c: {  	s0 =	stileid.u32;
	[bflag:$0x2] =	sbarrier.arrive $0xFFFF  }
0x64d: {  	p0 =	sne.s32 s0, $0x0;
	s0 =	rddreg [dreg:$0x3]  }
0x64e: {  	s0 =	sadd.s32 @!p0 $0x100000, s0  }
0x64f: {  	[sflag:s0] =	ssyncadd.tile.s32 @!p0 $0x1;
	_ =	shalt  }
.Lfunc_end2:
_tile_overlayer_lowered:
.L_overlay_start_2:
0x650: {  	(tag) =	ssettag $0x2  }
0x651: {  	s0 =	rddreg [dreg:$0x0];
	s2 =	stileid.u32  }
0x652: {  	s1 =	rddreg [dreg:$0x1];
	p0 =	sne.s32 s2, $0x0  }
0x653: {  	s3 =	rddreg [dreg:$0x2];
	[bflag:$0x3] =	sbarrier.arrive $0xFFFF;
	s2 =	simm.s32 @!p0 $0x1C05  }
0x654: {  	[timem:s3], [sflag:s2] =	dma.local @!p0 [hbm:s0], s1  }
0x655: {  	s0 =	simm.s32 @!p0 $0x5  }
0x656: {  	_ =	swait.ge @!p0 [sflag:s0], s1  }
0x657: {  	s1 =	ssub.s32 @!p0 $0x0, s1;
	[sflag:s0] =	ssyncset.done @!p0 $0x0  }
0x658: {  	[sflag:s0] =	ssyncadd.s32 @!p0 s1  }
0x659: {  	[bflag:$0x3] =	sbarrier.arrive $0xFFFF  }
0x65a: {  	_ =	shalt  }

</sc_bundles>
